<compile_context>
chip_gen: v7x
topology: tpu7x:2x2x1
jax: 0.10.2.dev20260603
libtpu: 0.0.44.dev20260713+nightly
codegen_flags: <defaults>
</compile_context>

<pallas_src>
import functools

import jax
import jax.numpy as jnp
from jax import lax
from jax.experimental import pallas as pl
from jax.experimental.pallas import tpu as pltpu
from jax.experimental.pallas import tpu_sc as plsc

N = 10000
E = 320000
F = 128
H = 128
G = 64

NS = 16
NW = 2 * NS
EPT = E // NW
K = 50
NCHUNK = EPT // K
NSTAGE = 2
STAGE = NCHUNK // NSTAGE
RPT = 624
TAIL = N - NS * RPT
BLK = 2000
NBLK = N // BLK


def _sc_agg_body(h, src4, dst4, out, src_v, dst_v, rows_a, rows_b,
                 gsem_a, gsem_b, zsem, acc_s):
    c = lax.axis_index("c")
    s = lax.axis_index("s")
    wid = c * NS + s
    r0 = s * RPT
    last = s == NS - 1
    t0 = NS * RPT

    pltpu.async_copy(src4.at[wid, 0], src_v, zsem)
    pltpu.async_copy(dst4.at[wid, 0], dst_v, zsem)

    z16 = jnp.zeros((16,), jnp.float32)

    def zfill(k, _):
        rows_a[k // 8, pl.ds((k % 8) * 16, 16)] = z16
        rows_b[k // 8, pl.ds((k % 8) * 16, 16)] = z16
        return 0

    lax.fori_loop(0, (K * F) // 16, zfill, 0)
    pltpu.make_async_copy(src4.at[wid, 0], src_v, zsem).wait()
    pltpu.make_async_copy(dst4.at[wid, 0], dst_v, zsem).wait()
    nz = RPT // (2 * K)
    for t in range(nz):
        pltpu.async_copy(rows_a, acc_s.at[pl.ds(r0 + 2 * t * K, K)], zsem)
        pltpu.async_copy(rows_b, acc_s.at[pl.ds(r0 + (2 * t + 1) * K, K)],
                         zsem)
    rem = RPT - nz * 2 * K
    pltpu.async_copy(rows_a.at[pl.ds(0, rem)],
                     acc_s.at[pl.ds(r0 + RPT - rem, rem)], zsem)

    @pl.when(last)
    def _():
        pltpu.sync_copy(rows_b.at[pl.ds(0, TAIL)], acc_s.at[pl.ds(t0, TAIL)])

    for t in range(nz):
        pltpu.make_async_copy(rows_a, acc_s.at[pl.ds(r0, K)], zsem).wait()
        pltpu.make_async_copy(rows_b, acc_s.at[pl.ds(r0, K)], zsem).wait()
    pltpu.make_async_copy(rows_a.at[pl.ds(0, rem)],
                          acc_s.at[pl.ds(r0, rem)], zsem).wait()

    pltpu.async_copy(h.at[src_v.at[0]], rows_a, gsem_a)

    plsc.subcore_barrier()

    for hh in range(NSTAGE):
        if hh > 0:
            pltpu.sync_copy(src4.at[wid, hh], src_v)
            pltpu.sync_copy(dst4.at[wid, hh], dst_v)
            pltpu.async_copy(h.at[src_v.at[0]], rows_a, gsem_a)

        def body(j, _):
            i = j * 2
            pltpu.async_copy(h.at[src_v.at[i + 1]], rows_b, gsem_b)
            pltpu.make_async_copy(h.at[src_v.at[i]], rows_a, gsem_a).wait()
            pltpu.sync_copy(rows_a, acc_s.at[dst_v.at[i]], add=True)

            @pl.when(j < STAGE // 2 - 1)
            def _():
                pltpu.async_copy(h.at[src_v.at[i + 2]], rows_a, gsem_a)

            pltpu.make_async_copy(h.at[src_v.at[i + 1]], rows_b, gsem_b).wait()
            pltpu.sync_copy(rows_b, acc_s.at[dst_v.at[i + 1]], add=True)
            return 0

        lax.fori_loop(0, STAGE // 2, body, 0)

    plsc.subcore_barrier()

    pltpu.sync_copy(acc_s.at[pl.ds(r0, RPT)], out.at[c, pl.ds(r0, RPT)])

    @pl.when(last)
    def _():
        pltpu.sync_copy(acc_s.at[pl.ds(t0, TAIL)], out.at[c, pl.ds(t0, TAIL)])


_sc_agg = pl.kernel(
    _sc_agg_body,
    mesh=plsc.VectorSubcoreMesh(core_axis_name="c", subcore_axis_name="s"),
    out_type=jax.ShapeDtypeStruct((2, N, F), jnp.float32),
    scratch_types=[
        pltpu.VMEM((STAGE, K), jnp.int32),
        pltpu.VMEM((STAGE, K), jnp.int32),
        pltpu.VMEM((K, F), jnp.float32),
        pltpu.VMEM((K, F), jnp.float32),
        pltpu.SemaphoreType.DMA,
        pltpu.SemaphoreType.DMA,
        pltpu.SemaphoreType.DMA,
        pltpu.VMEM_SHARED((N, F), jnp.float32),
    ],
)


def _mlp1_body(x_ref, a_ref, w1_ref, b1_ref, w2_ref, b2_ref, o_ref):
    a = a_ref[...]
    z = x_ref[...] + a[0] + a[1]
    z = jnp.maximum(
        jnp.dot(z.astype(jnp.bfloat16), w1_ref[...].astype(jnp.bfloat16),
                preferred_element_type=jnp.float32)
        + b1_ref[...], 0.0)
    z = jnp.maximum(
        jnp.dot(z.astype(jnp.bfloat16), w2_ref[...].astype(jnp.bfloat16),
                preferred_element_type=jnp.float32)
        + b2_ref[...], 0.0)
    o_ref[...] = z


def _mlp1(h, agg, w1, b1, w2, b2):
    return pl.pallas_call(
        _mlp1_body,
        grid=(NBLK,),
        in_specs=[
            pl.BlockSpec((BLK, F), lambda i: (i, 0)),
            pl.BlockSpec((2, BLK, F), lambda i: (0, i, 0)),
            pl.BlockSpec((F, H), lambda i: (0, 0)),
            pl.BlockSpec((1, H), lambda i: (0, 0)),
            pl.BlockSpec((H, H), lambda i: (0, 0)),
            pl.BlockSpec((1, H), lambda i: (0, 0)),
        ],
        out_specs=pl.BlockSpec((BLK, H), lambda i: (i, 0)),
        out_shape=jax.ShapeDtypeStruct((N, H), jnp.float32),
        compiler_params=pltpu.CompilerParams(
            dimension_semantics=("arbitrary",)),
    )(h, agg, w1, b1, w2, b2)


def _mlp2_body(h_ref, a_ref, batch_ref, w1_ref, b1_ref, w2_ref, b2_ref,
               l1w_ref, l1b_ref, l2w_ref, l2b_ref, outw_ref, outb_ref,
               o_ref, sums, counts):
    i = pl.program_id(0)

    @pl.when(i == 0)
    def _():
        sums[...] = jnp.zeros((G, H), jnp.float32)
        counts[...] = jnp.zeros((G, H), jnp.float32)

    a = a_ref[...]
    z = h_ref[...] + a[0] + a[1]
    z = jnp.maximum(
        jnp.dot(z.astype(jnp.bfloat16), w1_ref[...].astype(jnp.bfloat16),
                preferred_element_type=jnp.float32)
        + b1_ref[...], 0.0)
    h2 = jnp.maximum(
        jnp.dot(z.astype(jnp.bfloat16), w2_ref[...].astype(jnp.bfloat16),
                preferred_element_type=jnp.float32)
        + b2_ref[...], 0.0)

    bt = batch_ref[0, 0, :]
    oh = (bt[:, None] == lax.broadcasted_iota(jnp.int32, (BLK, G), 1))
    oh = oh.astype(jnp.float32)
    sums[...] += lax.dot_general(
        oh, h2, dimension_numbers=(((0,), (0,)), ((), ())),
        preferred_element_type=jnp.float32,
        precision=lax.Precision.HIGHEST)
    counts[...] += jnp.broadcast_to(jnp.sum(oh, axis=0)[:, None], (G, H))

    @pl.when(i == NBLK - 1)
    def _():
        pooled = sums[...] / jnp.maximum(counts[...], 1.0)
        y = jnp.maximum(
            jnp.dot(pooled.astype(jnp.bfloat16),
                    l1w_ref[...].astype(jnp.bfloat16),
                    preferred_element_type=jnp.float32)
            + l1b_ref[...], 0.0)
        y = jnp.maximum(
            jnp.dot(y.astype(jnp.bfloat16), l2w_ref[...].astype(jnp.bfloat16),
                    preferred_element_type=jnp.float32)
            + l2b_ref[...], 0.0)
        y16 = y.astype(jnp.bfloat16).astype(jnp.float32)
        o16 = outw_ref[...].astype(jnp.bfloat16).astype(jnp.float32)
        yv = jnp.sum(y16 * o16, axis=1)[:, None] + outb_ref[...]
        o_ref[...] = jnp.broadcast_to(yv, (G, H))


def _mlp2(h, agg, batch3, w1, b1, w2, b2, l1w, l1b, l2w, l2b, outw, outb):
    return pl.pallas_call(
        _mlp2_body,
        grid=(NBLK,),
        in_specs=[
            pl.BlockSpec((BLK, F), lambda i: (i, 0)),
            pl.BlockSpec((2, BLK, F), lambda i: (0, i, 0)),
            pl.BlockSpec((1, 1, BLK), lambda i: (i, 0, 0)),
            pl.BlockSpec((H, H), lambda i: (0, 0)),
            pl.BlockSpec((1, H), lambda i: (0, 0)),
            pl.BlockSpec((H, H), lambda i: (0, 0)),
            pl.BlockSpec((1, H), lambda i: (0, 0)),
            pl.BlockSpec((H, H), lambda i: (0, 0)),
            pl.BlockSpec((1, H), lambda i: (0, 0)),
            pl.BlockSpec((H, H), lambda i: (0, 0)),
            pl.BlockSpec((1, H), lambda i: (0, 0)),
            pl.BlockSpec((1, H), lambda i: (0, 0)),
            pl.BlockSpec((1, 1), lambda i: (0, 0)),
        ],
        out_specs=pl.BlockSpec((G, H), lambda i: (0, 0)),
        out_shape=jax.ShapeDtypeStruct((G, H), jnp.float32),
        scratch_shapes=[
            pltpu.VMEM((G, H), jnp.float32),
            pltpu.VMEM((G, H), jnp.float32),
        ],
        compiler_params=pltpu.CompilerParams(
            dimension_semantics=("arbitrary",)),
    )(h, agg, batch3, w1, b1, w2, b2, l1w, l1b, l2w, l2b, outw, outb)


def kernel(x, edge_index, batch, g1_W1, g1_b1, g1_W2, g1_b2,
           g2_W1, g2_b1, g2_W2, g2_b2, l1_W, l1_b, l2_W, l2_b,
           out_W, out_b):
    src3 = edge_index[0].reshape(NW, NSTAGE, STAGE, K)
    dst3 = edge_index[1].reshape(NW, NSTAGE, STAGE, K)
    batch3 = batch.reshape(NBLK, 1, BLK)

    a1 = _sc_agg(x, src3, dst3)
    h1 = _mlp1(x, a1, g1_W1, g1_b1.reshape(1, H), g1_W2, g1_b2.reshape(1, H))
    a2 = _sc_agg(h1, src3, dst3)
    yf = _mlp2(h1, a2, batch3, g2_W1, g2_b1.reshape(1, H), g2_W2,
               g2_b2.reshape(1, H), l1_W, l1_b.reshape(1, H), l2_W,
               l2_b.reshape(1, H), out_W.reshape(1, H), out_b.reshape(1, 1))
    return yf[:, 0]

# --- scband reference (transcript-rebuilt; emitter-appended) ---
"""Pipeline reference for scband-critic-51677046505639 (READ-ONLY COPY).

The authoritative reference and input builder live on the scoring server;
editing this copy changes nothing except your own understanding.
"""

import jax, jax.numpy as jnp
import numpy as np

N = 10000
E = 320000
F = 128
H = 128
G = 64


def _glorot(key, shape):
    fan_in = shape[0]
    return jax.random.normal(key, shape, dtype=jnp.float32) / np.sqrt(fan_in)


def setup_inputs(seed: int = 0) -> dict:
    key = jax.random.key(seed)
    ks = jax.random.split(key, 16)
    inp = {}
    inp['x'] = jax.random.normal(ks[0], (N, F), dtype=jnp.float32)
    inp['edge_index'] = jax.random.randint(ks[1], (2, E), 0, N, dtype=jnp.int32)
    inp['batch'] = jnp.sort(jax.random.randint(ks[2], (N,), 0, G, dtype=jnp.int32))
    # GIN layer 1 MLP (Linear(F,H) -> ReLU -> Linear(H,H))
    inp['g1_W1'] = _glorot(ks[3], (F, H)); inp['g1_b1'] = jnp.zeros((H,), jnp.float32)
    inp['g1_W2'] = _glorot(ks[4], (H, H)); inp['g1_b2'] = jnp.zeros((H,), jnp.float32)
    # GIN layer 2 MLP
    inp['g2_W1'] = _glorot(ks[5], (H, H)); inp['g2_b1'] = jnp.zeros((H,), jnp.float32)
    inp['g2_W2'] = _glorot(ks[6], (H, H)); inp['g2_b2'] = jnp.zeros((H,), jnp.float32)
    # critic head
    inp['l1_W'] = _glorot(ks[7], (H, H)); inp['l1_b'] = jnp.zeros((H,), jnp.float32)
    inp['l2_W'] = _glorot(ks[8], (H, H)); inp['l2_b'] = jnp.zeros((H,), jnp.float32)
    inp['out_W'] = _glorot(ks[9], (H, 1)); inp['out_b'] = jnp.zeros((1,), jnp.float32)
    return inp


def _gin_conv(h, src, dst, W1, b1, W2, b2):
    # message = neighbor features gathered by src, scatter-added into dst
    msg = jnp.take(h, src, axis=0)
    agg = jax.ops.segment_sum(msg, dst, num_segments=N)
    z = h + agg  # eps = 0
    z = jax.nn.relu(z @ W1 + b1)
    z = z @ W2 + b2
    return jax.nn.relu(z)


def reference(x, edge_index, batch, g1_W1, g1_b1, g1_W2, g1_b2, g2_W1, g2_b1, g2_W2, g2_b2, l1_W, l1_b, l2_W, l2_b, out_W, out_b):
    src = edge_index[0]
    dst = edge_index[1]
    h = _gin_conv(x, src, dst, g1_W1, g1_b1, g1_W2, g1_b2)
    h = _gin_conv(h, src, dst, g2_W1, g2_b1, g2_W2, g2_b2)
    # global mean pool over graphs (GIN readout)
    sums = jax.ops.segment_sum(h, batch, num_segments=G)
    counts = jax.ops.segment_sum(jnp.ones((N, 1), jnp.float32), batch, num_segments=G)
    pooled = sums / jnp.maximum(counts, 1.0)
    # critic head
    y = jax.nn.relu(pooled @ l1_W + l1_b)
    y = jax.nn.relu(y @ l2_W + l2_b)
    y = (y @ out_W + out_b).squeeze(-1)
    return y

if __name__ == "__main__":
    import jax
    _d = setup_inputs()
    print(jax.jit(kernel)(*tuple(_d.values())))

</pallas_src>

<mosaic_0001>
#map = affine_map<(d0, d1) -> (0, 0)>
#map1 = affine_map<(d0, d1) -> (0, 0, 0, 0)>
#map2 = affine_map<(d0, d1) -> (0, 0, 0)>
module attributes {stable_mosaic.version = 14 : i64} {
  func.func @_sc_agg_body(%arg0: i32, %arg1: i32, %arg2: memref<10000x128xf32, #tpu.memory_space<hbm>>, %arg3: memref<32x2x100x50xi32, #tpu.memory_space<hbm>>, %arg4: memref<32x2x100x50xi32, #tpu.memory_space<hbm>>, %arg5: memref<2x10000x128xf32, #tpu.memory_space<hbm>>, %arg6: memref<100x50xi32, #tpu.memory_space<vmem>>, %arg7: memref<100x50xi32, #tpu.memory_space<vmem>>, %arg8: memref<50x128xf32, #tpu.memory_space<vmem>>, %arg9: memref<50x128xf32, #tpu.memory_space<vmem>>, %arg10: memref<!tpu.dma_semaphore, #tpu.memory_space<semaphore_mem>>, %arg11: memref<!tpu.dma_semaphore, #tpu.memory_space<semaphore_mem>>, %arg12: memref<!tpu.dma_semaphore, #tpu.memory_space<semaphore_mem>>, %arg13: memref<10000x128xf32, #tpu.memory_space<vmem_shared>>) attributes {dimension_semantics = [#tpu.dimension_semantics<core_parallel>, #tpu.dimension_semantics<subcore_parallel>], iteration_bounds = array<i64: 2, 16>, scalar_prefetch = 0 : i64, scratch_operands = 8 : i64, tpu.core_type = #tpu.core_type<sc_vector_subcore>, window_params = [{transform_indices = #map}, {transform_indices = #map1}, {transform_indices = #map1}, {transform_indices = #map2}]} {
    %mul3A = arith.constant 16 : i32
    %mul3A_0 = arith.muli %arg0, %mul3A : i32
    %add3A = arith.addi %mul3A_0, %arg1 : i32
    %mul3A_1 = arith.constant 624 : i32
    %mul3A_2 = arith.muli %arg1, %mul3A_1 : i32
    %eq3A = arith.constant 15 : i32
    %eq3A_3 = arith.cmpi eq, %arg1, %eq3A : i32
    %dma_start3A = arith.constant 0 : i32
    %dma_start3A_4 = arith.constant 0 : i32
    %dma_start3A_5 = arith.constant 0 : i32
    %dma_start3A_6 = tpu.memref_slice %arg3[%add3A, %dma_start3A, %dma_start3A_4, %dma_start3A_5] : memref<32x2x100x50xi32, #tpu.memory_space<hbm>> -> memref<1x1x100x50xi32, #tpu.memory_space<hbm>>
    %dma_start3A_7 = tpu.memref_squeeze %dma_start3A_6 : memref<1x1x100x50xi32, #tpu.memory_space<hbm>> -> memref<100x50xi32, #tpu.memory_space<hbm>>
    %dma_start3A_8 = arith.constant 0 : i32
    %dma_start3A_9 = arith.constant 0 : i32
    %dma_start3A_10 = tpu.memref_slice %arg3[%add3A, %dma_start3A, %dma_start3A_8, %dma_start3A_9] : memref<32x2x100x50xi32, #tpu.memory_space<hbm>> -> memref<1x1x100x50xi32, #tpu.memory_space<hbm>>
    %dma_start3A_11 = tpu.memref_squeeze %dma_start3A_10 : memref<1x1x100x50xi32, #tpu.memory_space<hbm>> -> memref<100x50xi32, #tpu.memory_space<hbm>>
    tpu.enqueue_dma source(%dma_start3A_11 : memref<100x50xi32, #tpu.memory_space<hbm>>) target(%arg6 : memref<100x50xi32, #tpu.memory_space<vmem>>) target_semaphore(%arg12 : memref<!tpu.dma_semaphore, #tpu.memory_space<semaphore_mem>>)
    %dma_start3A_12 = arith.constant 0 : i32
    %dma_start3A_13 = arith.constant 0 : i32
    %dma_start3A_14 = arith.constant 0 : i32
    %dma_start3A_15 = tpu.memref_slice %arg4[%add3A, %dma_start3A_12, %dma_start3A_13, %dma_start3A_14] : memref<32x2x100x50xi32, #tpu.memory_space<hbm>> -> memref<1x1x100x50xi32, #tpu.memory_space<hbm>>
    %dma_start3A_16 = tpu.memref_squeeze %dma_start3A_15 : memref<1x1x100x50xi32, #tpu.memory_space<hbm>> -> memref<100x50xi32, #tpu.memory_space<hbm>>
    %dma_start3A_17 = arith.constant 0 : i32
    %dma_start3A_18 = arith.constant 0 : i32
    %dma_start3A_19 = tpu.memref_slice %arg4[%add3A, %dma_start3A_12, %dma_start3A_17, %dma_start3A_18] : memref<32x2x100x50xi32, #tpu.memory_space<hbm>> -> memref<1x1x100x50xi32, #tpu.memory_space<hbm>>
    %dma_start3A_20 = tpu.memref_squeeze %dma_start3A_19 : memref<1x1x100x50xi32, #tpu.memory_space<hbm>> -> memref<100x50xi32, #tpu.memory_space<hbm>>
    tpu.enqueue_dma source(%dma_start3A_20 : memref<100x50xi32, #tpu.memory_space<hbm>>) target(%arg7 : memref<100x50xi32, #tpu.memory_space<vmem>>) target_semaphore(%arg12 : memref<!tpu.dma_semaphore, #tpu.memory_space<semaphore_mem>>)
    %broadcast_in_dim3A = arith.constant 0.000000e+00 : f32
    %broadcast_in_dim3A_21 = vector.broadcast %broadcast_in_dim3A : f32 to vector<16xf32>
    %scan3A = arith.constant 0 : i32
    %scan3A_22 = arith.constant 0 : i32
    %scan3A_23 = arith.constant 400 : i32
    %scan3A_24 = arith.addi %scan3A_22, %scan3A_23 : i32
    %scan3A_25 = arith.constant 1 : i32
    %scan3A_26 = scf.for %scan3A_222 = %scan3A_22 to %scan3A_24 step %scan3A_25 iter_args(%scan3A_223 = %scan3A) -> (i32)  : i32 {
      %jit3A = arith.constant 8 : i32
      %div3A = arith.divsi %scan3A_222, %jit3A : i32
      %sign3A = arith.constant 0 : i32
      %sign3A_224 = arith.cmpi sgt, %scan3A_222, %sign3A : i32
      %sign3A_225 = arith.extui %sign3A_224 : i1 to i32
      %sign3A_226 = arith.constant 0 : i32
      %sign3A_227 = arith.cmpi slt, %scan3A_222, %sign3A_226 : i32
      %sign3A_228 = arith.extui %sign3A_227 : i1 to i32
      %sign3A_229 = arith.subi %sign3A_225, %sign3A_228 : i32
      %sign3A_230 = arith.constant 0 : i32
      %sign3A_231 = arith.cmpi sgt, %jit3A, %sign3A_230 : i32
      %sign3A_232 = arith.extui %sign3A_231 : i1 to i32
      %sign3A_233 = arith.constant 0 : i32
      %sign3A_234 = arith.cmpi slt, %jit3A, %sign3A_233 : i32
      %sign3A_235 = arith.extui %sign3A_234 : i1 to i32
      %sign3A_236 = arith.subi %sign3A_232, %sign3A_235 : i32
      %ne3A = arith.cmpi ne, %sign3A_229, %sign3A_236 : i32
      %rem3A = arith.remsi %scan3A_222, %jit3A : i32
      %ne3A_237 = arith.constant 0 : i32
      %ne3A_238 = arith.cmpi ne, %rem3A, %ne3A_237 : i32
      %and3A = arith.andi %ne3A, %ne3A_238 : i1
      %sub3A_239 = arith.constant 1 : i32
      %sub3A_240 = arith.subi %div3A, %sub3A_239 : i32
      %select_n3A = arith.select %and3A, %sub3A_240, %div3A : i32
      %jit3A_241 = arith.constant 8 : i32
      %eq3A_242 = arith.constant 0 : i32
      %eq3A_243 = arith.cmpi eq, %jit3A_241, %eq3A_242 : i32
      %jit3A_244 = arith.constant 1 : i32
      %select_n3A_245 = arith.select %eq3A_243, %jit3A_244, %jit3A_241 : i32
      %rem3A_246 = arith.remsi %scan3A_222, %select_n3A_245 : i32
      %ne3A_247 = arith.constant 0 : i32
      %ne3A_248 = arith.cmpi ne, %rem3A_246, %ne3A_247 : i32
      %lt3A = arith.constant 0 : i32
      %lt3A_249 = arith.cmpi slt, %rem3A_246, %lt3A : i32
      %lt3A_250 = arith.constant 0 : i32
      %lt3A_251 = arith.cmpi slt, %select_n3A_245, %lt3A_250 : i32
      %ne3A_252 = arith.xori %lt3A_249, %lt3A_251 : i1
      %and3A_253 = arith.andi %ne3A_252, %ne3A_248 : i1
      %add3A_254 = arith.addi %rem3A_246, %select_n3A_245 : i32
      %select_n3A_255 = arith.select %and3A_253, %add3A_254, %rem3A_246 : i32
      %mul3A_256 = arith.constant 16 : i32
      %mul3A_257 = arith.muli %select_n3A_255, %mul3A_256 : i32
      %swap3A = arith.index_cast %select_n3A : i32 to index
      %swap3A_258 = arith.index_cast %mul3A_257 : i32 to index
      %swap3A_259 = tpu.vector_load %arg8[%swap3A, %swap3A_258] {strides = array<i32>} : memref<50x128xf32, #tpu.memory_space<vmem>>, vector<1x16xf32>,
      %swap3A_260 = vector.shape_cast %swap3A_259 : vector<1x16xf32> to vector<16xf32>
      %swap3A_261 = vector.shape_cast %broadcast_in_dim3A_21 : vector<16xf32> to vector<1x16xf32>
      tpu.vector_store %arg8[%swap3A, %swap3A_258], %swap3A_261 {strides = array<i32>} : memref<50x128xf32, #tpu.memory_space<vmem>>, vector<1x16xf32>,
      %jit3A_262 = arith.constant 8 : i32
      %div3A_263 = arith.divsi %scan3A_222, %jit3A_262 : i32
      %sign3A_264 = arith.constant 0 : i32
      %sign3A_265 = arith.cmpi sgt, %scan3A_222, %sign3A_264 : i32
      %sign3A_266 = arith.extui %sign3A_265 : i1 to i32
      %sign3A_267 = arith.constant 0 : i32
      %sign3A_268 = arith.cmpi slt, %scan3A_222, %sign3A_267 : i32
      %sign3A_269 = arith.extui %sign3A_268 : i1 to i32
      %sign3A_270 = arith.subi %sign3A_266, %sign3A_269 : i32
      %sign3A_271 = arith.constant 0 : i32
      %sign3A_272 = arith.cmpi sgt, %jit3A_262, %sign3A_271 : i32
      %sign3A_273 = arith.extui %sign3A_272 : i1 to i32
      %sign3A_274 = arith.constant 0 : i32
      %sign3A_275 = arith.cmpi slt, %jit3A_262, %sign3A_274 : i32
      %sign3A_276 = arith.extui %sign3A_275 : i1 to i32
      %sign3A_277 = arith.subi %sign3A_273, %sign3A_276 : i32
      %ne3A_278 = arith.cmpi ne, %sign3A_270, %sign3A_277 : i32
      %rem3A_279 = arith.remsi %scan3A_222, %jit3A_262 : i32
      %ne3A_280 = arith.constant 0 : i32
      %ne3A_281 = arith.cmpi ne, %rem3A_279, %ne3A_280 : i32
      %and3A_282 = arith.andi %ne3A_278, %ne3A_281 : i1
      %sub3A_283 = arith.constant 1 : i32
      %sub3A_284 = arith.subi %div3A_263, %sub3A_283 : i32
      %select_n3A_285 = arith.select %and3A_282, %sub3A_284, %div3A_263 : i32
      %jit3A_286 = arith.constant 8 : i32
      %eq3A_287 = arith.constant 0 : i32
      %eq3A_288 = arith.cmpi eq, %jit3A_286, %eq3A_287 : i32
      %jit3A_289 = arith.constant 1 : i32
      %select_n3A_290 = arith.select %eq3A_288, %jit3A_289, %jit3A_286 : i32
      %rem3A_291 = arith.remsi %scan3A_222, %select_n3A_290 : i32
      %ne3A_292 = arith.constant 0 : i32
      %ne3A_293 = arith.cmpi ne, %rem3A_291, %ne3A_292 : i32
      %lt3A_294 = arith.constant 0 : i32
      %lt3A_295 = arith.cmpi slt, %rem3A_291, %lt3A_294 : i32
      %lt3A_296 = arith.constant 0 : i32
      %lt3A_297 = arith.cmpi slt, %select_n3A_290, %lt3A_296 : i32
      %ne3A_298 = arith.xori %lt3A_295, %lt3A_297 : i1
      %and3A_299 = arith.andi %ne3A_298, %ne3A_293 : i1
      %add3A_300 = arith.addi %rem3A_291, %select_n3A_290 : i32
      %select_n3A_301 = arith.select %and3A_299, %add3A_300, %rem3A_291 : i32
      %mul3A_302 = arith.constant 16 : i32
      %mul3A_303 = arith.muli %select_n3A_301, %mul3A_302 : i32
      %swap3A_304 = arith.index_cast %select_n3A_285 : i32 to index
      %swap3A_305 = arith.index_cast %mul3A_303 : i32 to index
      %swap3A_306 = tpu.vector_load %arg9[%swap3A_304, %swap3A_305] {strides = array<i32>} : memref<50x128xf32, #tpu.memory_space<vmem>>, vector<1x16xf32>,
      %swap3A_307 = vector.shape_cast %swap3A_306 : vector<1x16xf32> to vector<16xf32>
      %swap3A_308 = vector.shape_cast %broadcast_in_dim3A_21 : vector<16xf32> to vector<1x16xf32>
      tpu.vector_store %arg9[%swap3A_304, %swap3A_305], %swap3A_308 {strides = array<i32>} : memref<50x128xf32, #tpu.memory_space<vmem>>, vector<1x16xf32>,
      %scan3A_309 = arith.constant 0 : i32
      scf.yield %scan3A_309 : i32
    }
    %scan3A_27 = arith.constant 400 : i32
    %dma_wait3A = arith.constant 0 : i32
    %dma_wait3A_28 = arith.constant 0 : i32
    %dma_wait3A_29 = arith.constant 0 : i32
    %dma_wait3A_30 = tpu.memref_slice %arg3[%add3A, %dma_wait3A, %dma_wait3A_28, %dma_wait3A_29] : memref<32x2x100x50xi32, #tpu.memory_space<hbm>> -> memref<1x1x100x50xi32, #tpu.memory_space<hbm>>
    %dma_wait3A_31 = tpu.memref_squeeze %dma_wait3A_30 : memref<1x1x100x50xi32, #tpu.memory_space<hbm>> -> memref<100x50xi32, #tpu.memory_space<hbm>>
    %dma_wait3A_32 = arith.constant 0 : i32
    %dma_wait3A_33 = arith.constant 0 : i32
    %dma_wait3A_34 = tpu.memref_slice %arg3[%add3A, %dma_wait3A, %dma_wait3A_32, %dma_wait3A_33] : memref<32x2x100x50xi32, #tpu.memory_space<hbm>> -> memref<1x1x100x50xi32, #tpu.memory_space<hbm>>
    %dma_wait3A_35 = tpu.memref_squeeze %dma_wait3A_34 : memref<1x1x100x50xi32, #tpu.memory_space<hbm>> -> memref<100x50xi32, #tpu.memory_space<hbm>>
    tpu.wait_dma2 semaphore(%arg12 : memref<!tpu.dma_semaphore, #tpu.memory_space<semaphore_mem>>) src(%dma_wait3A_35 : memref<100x50xi32, #tpu.memory_space<hbm>>) dst(%arg6 : memref<100x50xi32, #tpu.memory_space<vmem>>)
    %dma_wait3A_36 = arith.constant 0 : i32
    %dma_wait3A_37 = arith.constant 0 : i32
    %dma_wait3A_38 = arith.constant 0 : i32
    %dma_wait3A_39 = tpu.memref_slice %arg4[%add3A, %dma_wait3A_36, %dma_wait3A_37, %dma_wait3A_38] : memref<32x2x100x50xi32, #tpu.memory_space<hbm>> -> memref<1x1x100x50xi32, #tpu.memory_space<hbm>>
    %dma_wait3A_40 = tpu.memref_squeeze %dma_wait3A_39 : memref<1x1x100x50xi32, #tpu.memory_space<hbm>> -> memref<100x50xi32, #tpu.memory_space<hbm>>
    %dma_wait3A_41 = arith.constant 0 : i32
    %dma_wait3A_42 = arith.constant 0 : i32
    %dma_wait3A_43 = tpu.memref_slice %arg4[%add3A, %dma_wait3A_36, %dma_wait3A_41, %dma_wait3A_42] : memref<32x2x100x50xi32, #tpu.memory_space<hbm>> -> memref<1x1x100x50xi32, #tpu.memory_space<hbm>>
    %dma_wait3A_44 = tpu.memref_squeeze %dma_wait3A_43 : memref<1x1x100x50xi32, #tpu.memory_space<hbm>> -> memref<100x50xi32, #tpu.memory_space<hbm>>
    tpu.wait_dma2 semaphore(%arg12 : memref<!tpu.dma_semaphore, #tpu.memory_space<semaphore_mem>>) src(%dma_wait3A_44 : memref<100x50xi32, #tpu.memory_space<hbm>>) dst(%arg7 : memref<100x50xi32, #tpu.memory_space<vmem>>)
    %add3A_45 = arith.constant 0 : i32
    %add3A_46 = arith.addi %mul3A_2, %add3A_45 : i32
    %dma_start3A_47 = arith.constant 0 : i32
    %dma_start3A_48 = tpu.memref_slice %arg13[%add3A_46, %dma_start3A_47] : memref<10000x128xf32, #tpu.memory_space<vmem_shared>> -> memref<50x128xf32, #tpu.memory_space<vmem_shared>>
    %dma_start3A_49 = arith.constant 0 : i32
    %dma_start3A_50 = tpu.memref_slice %arg13[%add3A_46, %dma_start3A_49] : memref<10000x128xf32, #tpu.memory_space<vmem_shared>> -> memref<50x128xf32, #tpu.memory_space<vmem_shared>>
    tpu.enqueue_dma source(%arg8 : memref<50x128xf32, #tpu.memory_space<vmem>>) target(%dma_start3A_50 : memref<50x128xf32, #tpu.memory_space<vmem_shared>>) target_semaphore(%arg12 : memref<!tpu.dma_semaphore, #tpu.memory_space<semaphore_mem>>)
    %add3A_51 = arith.constant 50 : i32
    %add3A_52 = arith.addi %mul3A_2, %add3A_51 : i32
    %dma_start3A_53 = arith.constant 0 : i32
    %dma_start3A_54 = tpu.memref_slice %arg13[%add3A_52, %dma_start3A_53] : memref<10000x128xf32, #tpu.memory_space<vmem_shared>> -> memref<50x128xf32, #tpu.memory_space<vmem_shared>>
    %dma_start3A_55 = arith.constant 0 : i32
    %dma_start3A_56 = tpu.memref_slice %arg13[%add3A_52, %dma_start3A_55] : memref<10000x128xf32, #tpu.memory_space<vmem_shared>> -> memref<50x128xf32, #tpu.memory_space<vmem_shared>>
    tpu.enqueue_dma source(%arg9 : memref<50x128xf32, #tpu.memory_space<vmem>>) target(%dma_start3A_56 : memref<50x128xf32, #tpu.memory_space<vmem_shared>>) target_semaphore(%arg12 : memref<!tpu.dma_semaphore, #tpu.memory_space<semaphore_mem>>)
    %add3A_57 = arith.constant 100 : i32
    %add3A_58 = arith.addi %mul3A_2, %add3A_57 : i32
    %dma_start3A_59 = arith.constant 0 : i32
    %dma_start3A_60 = tpu.memref_slice %arg13[%add3A_58, %dma_start3A_59] : memref<10000x128xf32, #tpu.memory_space<vmem_shared>> -> memref<50x128xf32, #tpu.memory_space<vmem_shared>>
    %dma_start3A_61 = arith.constant 0 : i32
    %dma_start3A_62 = tpu.memref_slice %arg13[%add3A_58, %dma_start3A_61] : memref<10000x128xf32, #tpu.memory_space<vmem_shared>> -> memref<50x128xf32, #tpu.memory_space<vmem_shared>>
    tpu.enqueue_dma source(%arg8 : memref<50x128xf32, #tpu.memory_space<vmem>>) target(%dma_start3A_62 : memref<50x128xf32, #tpu.memory_space<vmem_shared>>) target_semaphore(%arg12 : memref<!tpu.dma_semaphore, #tpu.memory_space<semaphore_mem>>)
    %add3A_63 = arith.constant 150 : i32
    %add3A_64 = arith.addi %mul3A_2, %add3A_63 : i32
    %dma_start3A_65 = arith.constant 0 : i32
    %dma_start3A_66 = tpu.memref_slice %arg13[%add3A_64, %dma_start3A_65] : memref<10000x128xf32, #tpu.memory_space<vmem_shared>> -> memref<50x128xf32, #tpu.memory_space<vmem_shared>>
    %dma_start3A_67 = arith.constant 0 : i32
    %dma_start3A_68 = tpu.memref_slice %arg13[%add3A_64, %dma_start3A_67] : memref<10000x128xf32, #tpu.memory_space<vmem_shared>> -> memref<50x128xf32, #tpu.memory_space<vmem_shared>>
    tpu.enqueue_dma source(%arg9 : memref<50x128xf32, #tpu.memory_space<vmem>>) target(%dma_start3A_68 : memref<50x128xf32, #tpu.memory_space<vmem_shared>>) target_semaphore(%arg12 : memref<!tpu.dma_semaphore, #tpu.memory_space<semaphore_mem>>)
    %add3A_69 = arith.constant 200 : i32
    %add3A_70 = arith.addi %mul3A_2, %add3A_69 : i32
    %dma_start3A_71 = arith.constant 0 : i32
    %dma_start3A_72 = tpu.memref_slice %arg13[%add3A_70, %dma_start3A_71] : memref<10000x128xf32, #tpu.memory_space<vmem_shared>> -> memref<50x128xf32, #tpu.memory_space<vmem_shared>>
    %dma_start3A_73 = arith.constant 0 : i32
    %dma_start3A_74 = tpu.memref_slice %arg13[%add3A_70, %dma_start3A_73] : memref<10000x128xf32, #tpu.memory_space<vmem_shared>> -> memref<50x128xf32, #tpu.memory_space<vmem_shared>>
    tpu.enqueue_dma source(%arg8 : memref<50x128xf32, #tpu.memory_space<vmem>>) target(%dma_start3A_74 : memref<50x128xf32, #tpu.memory_space<vmem_shared>>) target_semaphore(%arg12 : memref<!tpu.dma_semaphore, #tpu.memory_space<semaphore_mem>>)
    %add3A_75 = arith.constant 250 : i32
    %add3A_76 = arith.addi %mul3A_2, %add3A_75 : i32
    %dma_start3A_77 = arith.constant 0 : i32
    %dma_start3A_78 = tpu.memref_slice %arg13[%add3A_76, %dma_start3A_77] : memref<10000x128xf32, #tpu.memory_space<vmem_shared>> -> memref<50x128xf32, #tpu.memory_space<vmem_shared>>
    %dma_start3A_79 = arith.constant 0 : i32
    %dma_start3A_80 = tpu.memref_slice %arg13[%add3A_76, %dma_start3A_79] : memref<10000x128xf32, #tpu.memory_space<vmem_shared>> -> memref<50x128xf32, #tpu.memory_space<vmem_shared>>
    tpu.enqueue_dma source(%arg9 : memref<50x128xf32, #tpu.memory_space<vmem>>) target(%dma_start3A_80 : memref<50x128xf32, #tpu.memory_space<vmem_shared>>) target_semaphore(%arg12 : memref<!tpu.dma_semaphore, #tpu.memory_space<semaphore_mem>>)
    %add3A_81 = arith.constant 300 : i32
    %add3A_82 = arith.addi %mul3A_2, %add3A_81 : i32
    %dma_start3A_83 = arith.constant 0 : i32
    %dma_start3A_84 = tpu.memref_slice %arg13[%add3A_82, %dma_start3A_83] : memref<10000x128xf32, #tpu.memory_space<vmem_shared>> -> memref<50x128xf32, #tpu.memory_space<vmem_shared>>
    %dma_start3A_85 = arith.constant 0 : i32
    %dma_start3A_86 = tpu.memref_slice %arg13[%add3A_82, %dma_start3A_85] : memref<10000x128xf32, #tpu.memory_space<vmem_shared>> -> memref<50x128xf32, #tpu.memory_space<vmem_shared>>
    tpu.enqueue_dma source(%arg8 : memref<50x128xf32, #tpu.memory_space<vmem>>) target(%dma_start3A_86 : memref<50x128xf32, #tpu.memory_space<vmem_shared>>) target_semaphore(%arg12 : memref<!tpu.dma_semaphore, #tpu.memory_space<semaphore_mem>>)
    %add3A_87 = arith.constant 350 : i32
    %add3A_88 = arith.addi %mul3A_2, %add3A_87 : i32
    %dma_start3A_89 = arith.constant 0 : i32
    %dma_start3A_90 = tpu.memref_slice %arg13[%add3A_88, %dma_start3A_89] : memref<10000x128xf32, #tpu.memory_space<vmem_shared>> -> memref<50x128xf32, #tpu.memory_space<vmem_shared>>
    %dma_start3A_91 = arith.constant 0 : i32
    %dma_start3A_92 = tpu.memref_slice %arg13[%add3A_88, %dma_start3A_91] : memref<10000x128xf32, #tpu.memory_space<vmem_shared>> -> memref<50x128xf32, #tpu.memory_space<vmem_shared>>
    tpu.enqueue_dma source(%arg9 : memref<50x128xf32, #tpu.memory_space<vmem>>) target(%dma_start3A_92 : memref<50x128xf32, #tpu.memory_space<vmem_shared>>) target_semaphore(%arg12 : memref<!tpu.dma_semaphore, #tpu.memory_space<semaphore_mem>>)
    %add3A_93 = arith.constant 400 : i32
    %add3A_94 = arith.addi %mul3A_2, %add3A_93 : i32
    %dma_start3A_95 = arith.constant 0 : i32
    %dma_start3A_96 = tpu.memref_slice %arg13[%add3A_94, %dma_start3A_95] : memref<10000x128xf32, #tpu.memory_space<vmem_shared>> -> memref<50x128xf32, #tpu.memory_space<vmem_shared>>
    %dma_start3A_97 = arith.constant 0 : i32
    %dma_start3A_98 = tpu.memref_slice %arg13[%add3A_94, %dma_start3A_97] : memref<10000x128xf32, #tpu.memory_space<vmem_shared>> -> memref<50x128xf32, #tpu.memory_space<vmem_shared>>
    tpu.enqueue_dma source(%arg8 : memref<50x128xf32, #tpu.memory_space<vmem>>) target(%dma_start3A_98 : memref<50x128xf32, #tpu.memory_space<vmem_shared>>) target_semaphore(%arg12 : memref<!tpu.dma_semaphore, #tpu.memory_space<semaphore_mem>>)
    %add3A_99 = arith.constant 450 : i32
    %add3A_100 = arith.addi %mul3A_2, %add3A_99 : i32
    %dma_start3A_101 = arith.constant 0 : i32
    %dma_start3A_102 = tpu.memref_slice %arg13[%add3A_100, %dma_start3A_101] : memref<10000x128xf32, #tpu.memory_space<vmem_shared>> -> memref<50x128xf32, #tpu.memory_space<vmem_shared>>
    %dma_start3A_103 = arith.constant 0 : i32
    %dma_start3A_104 = tpu.memref_slice %arg13[%add3A_100, %dma_start3A_103] : memref<10000x128xf32, #tpu.memory_space<vmem_shared>> -> memref<50x128xf32, #tpu.memory_space<vmem_shared>>
    tpu.enqueue_dma source(%arg9 : memref<50x128xf32, #tpu.memory_space<vmem>>) target(%dma_start3A_104 : memref<50x128xf32, #tpu.memory_space<vmem_shared>>) target_semaphore(%arg12 : memref<!tpu.dma_semaphore, #tpu.memory_space<semaphore_mem>>)
    %add3A_105 = arith.constant 500 : i32
    %add3A_106 = arith.addi %mul3A_2, %add3A_105 : i32
    %dma_start3A_107 = arith.constant 0 : i32
    %dma_start3A_108 = tpu.memref_slice %arg13[%add3A_106, %dma_start3A_107] : memref<10000x128xf32, #tpu.memory_space<vmem_shared>> -> memref<50x128xf32, #tpu.memory_space<vmem_shared>>
    %dma_start3A_109 = arith.constant 0 : i32
    %dma_start3A_110 = tpu.memref_slice %arg13[%add3A_106, %dma_start3A_109] : memref<10000x128xf32, #tpu.memory_space<vmem_shared>> -> memref<50x128xf32, #tpu.memory_space<vmem_shared>>
    tpu.enqueue_dma source(%arg8 : memref<50x128xf32, #tpu.memory_space<vmem>>) target(%dma_start3A_110 : memref<50x128xf32, #tpu.memory_space<vmem_shared>>) target_semaphore(%arg12 : memref<!tpu.dma_semaphore, #tpu.memory_space<semaphore_mem>>)
    %add3A_111 = arith.constant 550 : i32
    %add3A_112 = arith.addi %mul3A_2, %add3A_111 : i32
    %dma_start3A_113 = arith.constant 0 : i32
    %dma_start3A_114 = tpu.memref_slice %arg13[%add3A_112, %dma_start3A_113] : memref<10000x128xf32, #tpu.memory_space<vmem_shared>> -> memref<50x128xf32, #tpu.memory_space<vmem_shared>>
    %dma_start3A_115 = arith.constant 0 : i32
    %dma_start3A_116 = tpu.memref_slice %arg13[%add3A_112, %dma_start3A_115] : memref<10000x128xf32, #tpu.memory_space<vmem_shared>> -> memref<50x128xf32, #tpu.memory_space<vmem_shared>>
    tpu.enqueue_dma source(%arg9 : memref<50x128xf32, #tpu.memory_space<vmem>>) target(%dma_start3A_116 : memref<50x128xf32, #tpu.memory_space<vmem_shared>>) target_semaphore(%arg12 : memref<!tpu.dma_semaphore, #tpu.memory_space<semaphore_mem>>)
    %add3A_117 = arith.constant 624 : i32
    %add3A_118 = arith.addi %mul3A_2, %add3A_117 : i32
    %sub3A = arith.constant 24 : i32
    %sub3A_119 = arith.subi %add3A_118, %sub3A : i32
    %dma_start3A_120 = arith.constant 0 : i32
    %dma_start3A_121 = arith.constant 0 : i32
    %dma_start3A_122 = tpu.memref_slice %arg8[%dma_start3A_120, %dma_start3A_121] : memref<50x128xf32, #tpu.memory_space<vmem>> -> memref<24x128xf32, #tpu.memory_space<vmem>>
    %dma_start3A_123 = arith.constant 0 : i32
    %dma_start3A_124 = tpu.memref_slice %arg13[%sub3A_119, %dma_start3A_123] : memref<10000x128xf32, #tpu.memory_space<vmem_shared>> -> memref<24x128xf32, #tpu.memory_space<vmem_shared>>
    %dma_start3A_125 = arith.constant 0 : i32
    %dma_start3A_126 = tpu.memref_slice %arg13[%sub3A_119, %dma_start3A_125] : memref<10000x128xf32, #tpu.memory_space<vmem_shared>> -> memref<24x128xf32, #tpu.memory_space<vmem_shared>>
    %dma_start3A_127 = arith.constant 0 : i32
    %dma_start3A_128 = arith.constant 0 : i32
    %dma_start3A_129 = tpu.memref_slice %arg8[%dma_start3A_127, %dma_start3A_128] : memref<50x128xf32, #tpu.memory_space<vmem>> -> memref<24x128xf32, #tpu.memory_space<vmem>>
    tpu.enqueue_dma source(%dma_start3A_129 : memref<24x128xf32, #tpu.memory_space<vmem>>) target(%dma_start3A_126 : memref<24x128xf32, #tpu.memory_space<vmem_shared>>) target_semaphore(%arg12 : memref<!tpu.dma_semaphore, #tpu.memory_space<semaphore_mem>>)
    %convert_element_type3A = arith.extui %eq3A_3 : i1 to i32
    %cond3A = arith.constant 0 : i32
    %cond3A_130 = arith.cmpi ne, %convert_element_type3A, %cond3A : i32
    scf.if %cond3A_130 {
      "tpu.region"() ({
        %run_scoped3A_222 = tpu.sem_alloc : memref<!tpu.dma_semaphore, #tpu.memory_space<semaphore_mem>>
        %dma_start3A_223 = arith.constant 0 : i32
        %dma_start3A_224 = arith.constant 0 : i32
        %dma_start3A_225 = tpu.memref_slice %arg9[%dma_start3A_223, %dma_start3A_224] : memref<50x128xf32, #tpu.memory_space<vmem>> -> memref<16x128xf32, #tpu.memory_space<vmem>>
        %dma_start3A_226 = arith.constant 9984 : i32
        %dma_start3A_227 = arith.constant 0 : i32
        %dma_start3A_228 = tpu.memref_slice %arg13[%dma_start3A_226, %dma_start3A_227] : memref<10000x128xf32, #tpu.memory_space<vmem_shared>> -> memref<16x128xf32, #tpu.memory_space<vmem_shared>>
        %dma_start3A_229 = arith.constant 9984 : i32
        %dma_start3A_230 = arith.constant 0 : i32
        %dma_start3A_231 = tpu.memref_slice %arg13[%dma_start3A_229, %dma_start3A_230] : memref<10000x128xf32, #tpu.memory_space<vmem_shared>> -> memref<16x128xf32, #tpu.memory_space<vmem_shared>>
        %dma_start3A_232 = arith.constant 0 : i32
        %dma_start3A_233 = arith.constant 0 : i32
        %dma_start3A_234 = tpu.memref_slice %arg9[%dma_start3A_232, %dma_start3A_233] : memref<50x128xf32, #tpu.memory_space<vmem>> -> memref<16x128xf32, #tpu.memory_space<vmem>>
        tpu.enqueue_dma source(%dma_start3A_234 : memref<16x128xf32, #tpu.memory_space<vmem>>) target(%dma_start3A_231 : memref<16x128xf32, #tpu.memory_space<vmem_shared>>) target_semaphore(%run_scoped3A_222 : memref<!tpu.dma_semaphore, #tpu.memory_space<semaphore_mem>>)
        %dma_wait3A_235 = arith.constant 0 : i32
        %dma_wait3A_236 = arith.constant 0 : i32
        %dma_wait3A_237 = tpu.memref_slice %arg9[%dma_wait3A_235, %dma_wait3A_236] : memref<50x128xf32, #tpu.memory_space<vmem>> -> memref<16x128xf32, #tpu.memory_space<vmem>>
        %dma_wait3A_238 = arith.constant 9984 : i32
        %dma_wait3A_239 = arith.constant 0 : i32
        %dma_wait3A_240 = tpu.memref_slice %arg13[%dma_wait3A_238, %dma_wait3A_239] : memref<10000x128xf32, #tpu.memory_space<vmem_shared>> -> memref<16x128xf32, #tpu.memory_space<vmem_shared>>
        %dma_wait3A_241 = arith.constant 9984 : i32
        %dma_wait3A_242 = arith.constant 0 : i32
        %dma_wait3A_243 = tpu.memref_slice %arg13[%dma_wait3A_241, %dma_wait3A_242] : memref<10000x128xf32, #tpu.memory_space<vmem_shared>> -> memref<16x128xf32, #tpu.memory_space<vmem_shared>>
        %dma_wait3A_244 = arith.constant 0 : i32
        %dma_wait3A_245 = arith.constant 0 : i32
        %dma_wait3A_246 = tpu.memref_slice %arg9[%dma_wait3A_244, %dma_wait3A_245] : memref<50x128xf32, #tpu.memory_space<vmem>> -> memref<16x128xf32, #tpu.memory_space<vmem>>
        tpu.wait_dma2 semaphore(%run_scoped3A_222 : memref<!tpu.dma_semaphore, #tpu.memory_space<semaphore_mem>>) src(%dma_wait3A_246 : memref<16x128xf32, #tpu.memory_space<vmem>>) dst(%dma_wait3A_243 : memref<16x128xf32, #tpu.memory_space<vmem_shared>>)
        tpu.yield
      }) : () -> ()
    } else {
    }
    %dma_wait3A_131 = arith.constant 0 : i32
    %dma_wait3A_132 = tpu.memref_slice %arg13[%mul3A_2, %dma_wait3A_131] : memref<10000x128xf32, #tpu.memory_space<vmem_shared>> -> memref<50x128xf32, #tpu.memory_space<vmem_shared>>
    %dma_wait3A_133 = arith.constant 0 : i32
    %dma_wait3A_134 = tpu.memref_slice %arg13[%mul3A_2, %dma_wait3A_133] : memref<10000x128xf32, #tpu.memory_space<vmem_shared>> -> memref<50x128xf32, #tpu.memory_space<vmem_shared>>
    tpu.wait_dma2 semaphore(%arg12 : memref<!tpu.dma_semaphore, #tpu.memory_space<semaphore_mem>>) src(%arg8 : memref<50x128xf32, #tpu.memory_space<vmem>>) dst(%dma_wait3A_134 : memref<50x128xf32, #tpu.memory_space<vmem_shared>>)
    %dma_wait3A_135 = arith.constant 0 : i32
    %dma_wait3A_136 = tpu.memref_slice %arg13[%mul3A_2, %dma_wait3A_135] : memref<10000x128xf32, #tpu.memory_space<vmem_shared>> -> memref<50x128xf32, #tpu.memory_space<vmem_shared>>
    %dma_wait3A_137 = arith.constant 0 : i32
    %dma_wait3A_138 = tpu.memref_slice %arg13[%mul3A_2, %dma_wait3A_137] : memref<10000x128xf32, #tpu.memory_space<vmem_shared>> -> memref<50x128xf32, #tpu.memory_space<vmem_shared>>
    tpu.wait_dma2 semaphore(%arg12 : memref<!tpu.dma_semaphore, #tpu.memory_space<semaphore_mem>>) src(%arg9 : memref<50x128xf32, #tpu.memory_space<vmem>>) dst(%dma_wait3A_138 : memref<50x128xf32, #tpu.memory_space<vmem_shared>>)
    %dma_wait3A_139 = arith.constant 0 : i32
    %dma_wait3A_140 = tpu.memref_slice %arg13[%mul3A_2, %dma_wait3A_139] : memref<10000x128xf32, #tpu.memory_space<vmem_shared>> -> memref<50x128xf32, #tpu.memory_space<vmem_shared>>
    %dma_wait3A_141 = arith.constant 0 : i32
    %dma_wait3A_142 = tpu.memref_slice %arg13[%mul3A_2, %dma_wait3A_141] : memref<10000x128xf32, #tpu.memory_space<vmem_shared>> -> memref<50x128xf32, #tpu.memory_space<vmem_shared>>
    tpu.wait_dma2 semaphore(%arg12 : memref<!tpu.dma_semaphore, #tpu.memory_space<semaphore_mem>>) src(%arg8 : memref<50x128xf32, #tpu.memory_space<vmem>>) dst(%dma_wait3A_142 : memref<50x128xf32, #tpu.memory_space<vmem_shared>>)
    %dma_wait3A_143 = arith.constant 0 : i32
    %dma_wait3A_144 = tpu.memref_slice %arg13[%mul3A_2, %dma_wait3A_143] : memref<10000x128xf32, #tpu.memory_space<vmem_shared>> -> memref<50x128xf32, #tpu.memory_space<vmem_shared>>
    %dma_wait3A_145 = arith.constant 0 : i32
    %dma_wait3A_146 = tpu.memref_slice %arg13[%mul3A_2, %dma_wait3A_145] : memref<10000x128xf32, #tpu.memory_space<vmem_shared>> -> memref<50x128xf32, #tpu.memory_space<vmem_shared>>
    tpu.wait_dma2 semaphore(%arg12 : memref<!tpu.dma_semaphore, #tpu.memory_space<semaphore_mem>>) src(%arg9 : memref<50x128xf32, #tpu.memory_space<vmem>>) dst(%dma_wait3A_146 : memref<50x128xf32, #tpu.memory_space<vmem_shared>>)
    %dma_wait3A_147 = arith.constant 0 : i32
    %dma_wait3A_148 = tpu.memref_slice %arg13[%mul3A_2, %dma_wait3A_147] : memref<10000x128xf32, #tpu.memory_space<vmem_shared>> -> memref<50x128xf32, #tpu.memory_space<vmem_shared>>
    %dma_wait3A_149 = arith.constant 0 : i32
    %dma_wait3A_150 = tpu.memref_slice %arg13[%mul3A_2, %dma_wait3A_149] : memref<10000x128xf32, #tpu.memory_space<vmem_shared>> -> memref<50x128xf32, #tpu.memory_space<vmem_shared>>
    tpu.wait_dma2 semaphore(%arg12 : memref<!tpu.dma_semaphore, #tpu.memory_space<semaphore_mem>>) src(%arg8 : memref<50x128xf32, #tpu.memory_space<vmem>>) dst(%dma_wait3A_150 : memref<50x128xf32, #tpu.memory_space<vmem_shared>>)
    %dma_wait3A_151 = arith.constant 0 : i32
    %dma_wait3A_152 = tpu.memref_slice %arg13[%mul3A_2, %dma_wait3A_151] : memref<10000x128xf32, #tpu.memory_space<vmem_shared>> -> memref<50x128xf32, #tpu.memory_space<vmem_shared>>
    %dma_wait3A_153 = arith.constant 0 : i32
    %dma_wait3A_154 = tpu.memref_slice %arg13[%mul3A_2, %dma_wait3A_153] : memref<10000x128xf32, #tpu.memory_space<vmem_shared>> -> memref<50x128xf32, #tpu.memory_space<vmem_shared>>
    tpu.wait_dma2 semaphore(%arg12 : memref<!tpu.dma_semaphore, #tpu.memory_space<semaphore_mem>>) src(%arg9 : memref<50x128xf32, #tpu.memory_space<vmem>>) dst(%dma_wait3A_154 : memref<50x128xf32, #tpu.memory_space<vmem_shared>>)
    %dma_wait3A_155 = arith.constant 0 : i32
    %dma_wait3A_156 = tpu.memref_slice %arg13[%mul3A_2, %dma_wait3A_155] : memref<10000x128xf32, #tpu.memory_space<vmem_shared>> -> memref<50x128xf32, #tpu.memory_space<vmem_shared>>
    %dma_wait3A_157 = arith.constant 0 : i32
    %dma_wait3A_158 = tpu.memref_slice %arg13[%mul3A_2, %dma_wait3A_157] : memref<10000x128xf32, #tpu.memory_space<vmem_shared>> -> memref<50x128xf32, #tpu.memory_space<vmem_shared>>
    tpu.wait_dma2 semaphore(%arg12 : memref<!tpu.dma_semaphore, #tpu.memory_space<semaphore_mem>>) src(%arg8 : memref<50x128xf32, #tpu.memory_space<vmem>>) dst(%dma_wait3A_158 : memref<50x128xf32, #tpu.memory_space<vmem_shared>>)
    %dma_wait3A_159 = arith.constant 0 : i32
    %dma_wait3A_160 = tpu.memref_slice %arg13[%mul3A_2, %dma_wait3A_159] : memref<10000x128xf32, #tpu.memory_space<vmem_shared>> -> memref<50x128xf32, #tpu.memory_space<vmem_shared>>
    %dma_wait3A_161 = arith.constant 0 : i32
    %dma_wait3A_162 = tpu.memref_slice %arg13[%mul3A_2, %dma_wait3A_161] : memref<10000x128xf32, #tpu.memory_space<vmem_shared>> -> memref<50x128xf32, #tpu.memory_space<vmem_shared>>
    tpu.wait_dma2 semaphore(%arg12 : memref<!tpu.dma_semaphore, #tpu.memory_space<semaphore_mem>>) src(%arg9 : memref<50x128xf32, #tpu.memory_space<vmem>>) dst(%dma_wait3A_162 : memref<50x128xf32, #tpu.memory_space<vmem_shared>>)
    %dma_wait3A_163 = arith.constant 0 : i32
    %dma_wait3A_164 = tpu.memref_slice %arg13[%mul3A_2, %dma_wait3A_163] : memref<10000x128xf32, #tpu.memory_space<vmem_shared>> -> memref<50x128xf32, #tpu.memory_space<vmem_shared>>
    %dma_wait3A_165 = arith.constant 0 : i32
    %dma_wait3A_166 = tpu.memref_slice %arg13[%mul3A_2, %dma_wait3A_165] : memref<10000x128xf32, #tpu.memory_space<vmem_shared>> -> memref<50x128xf32, #tpu.memory_space<vmem_shared>>
    tpu.wait_dma2 semaphore(%arg12 : memref<!tpu.dma_semaphore, #tpu.memory_space<semaphore_mem>>) src(%arg8 : memref<50x128xf32, #tpu.memory_space<vmem>>) dst(%dma_wait3A_166 : memref<50x128xf32, #tpu.memory_space<vmem_shared>>)
    %dma_wait3A_167 = arith.constant 0 : i32
    %dma_wait3A_168 = tpu.memref_slice %arg13[%mul3A_2, %dma_wait3A_167] : memref<10000x128xf32, #tpu.memory_space<vmem_shared>> -> memref<50x128xf32, #tpu.memory_space<vmem_shared>>
    %dma_wait3A_169 = arith.constant 0 : i32
    %dma_wait3A_170 = tpu.memref_slice %arg13[%mul3A_2, %dma_wait3A_169] : memref<10000x128xf32, #tpu.memory_space<vmem_shared>> -> memref<50x128xf32, #tpu.memory_space<vmem_shared>>
    tpu.wait_dma2 semaphore(%arg12 : memref<!tpu.dma_semaphore, #tpu.memory_space<semaphore_mem>>) src(%arg9 : memref<50x128xf32, #tpu.memory_space<vmem>>) dst(%dma_wait3A_170 : memref<50x128xf32, #tpu.memory_space<vmem_shared>>)
    %dma_wait3A_171 = arith.constant 0 : i32
    %dma_wait3A_172 = tpu.memref_slice %arg13[%mul3A_2, %dma_wait3A_171] : memref<10000x128xf32, #tpu.memory_space<vmem_shared>> -> memref<50x128xf32, #tpu.memory_space<vmem_shared>>
    %dma_wait3A_173 = arith.constant 0 : i32
    %dma_wait3A_174 = tpu.memref_slice %arg13[%mul3A_2, %dma_wait3A_173] : memref<10000x128xf32, #tpu.memory_space<vmem_shared>> -> memref<50x128xf32, #tpu.memory_space<vmem_shared>>
    tpu.wait_dma2 semaphore(%arg12 : memref<!tpu.dma_semaphore, #tpu.memory_space<semaphore_mem>>) src(%arg8 : memref<50x128xf32, #tpu.memory_space<vmem>>) dst(%dma_wait3A_174 : memref<50x128xf32, #tpu.memory_space<vmem_shared>>)
    %dma_wait3A_175 = arith.constant 0 : i32
    %dma_wait3A_176 = tpu.memref_slice %arg13[%mul3A_2, %dma_wait3A_175] : memref<10000x128xf32, #tpu.memory_space<vmem_shared>> -> memref<50x128xf32, #tpu.memory_space<vmem_shared>>
    %dma_wait3A_177 = arith.constant 0 : i32
    %dma_wait3A_178 = tpu.memref_slice %arg13[%mul3A_2, %dma_wait3A_177] : memref<10000x128xf32, #tpu.memory_space<vmem_shared>> -> memref<50x128xf32, #tpu.memory_space<vmem_shared>>
    tpu.wait_dma2 semaphore(%arg12 : memref<!tpu.dma_semaphore, #tpu.memory_space<semaphore_mem>>) src(%arg9 : memref<50x128xf32, #tpu.memory_space<vmem>>) dst(%dma_wait3A_178 : memref<50x128xf32, #tpu.memory_space<vmem_shared>>)
    %dma_wait3A_179 = arith.constant 0 : i32
    %dma_wait3A_180 = arith.constant 0 : i32
    %dma_wait3A_181 = tpu.memref_slice %arg8[%dma_wait3A_179, %dma_wait3A_180] : memref<50x128xf32, #tpu.memory_space<vmem>> -> memref<24x128xf32, #tpu.memory_space<vmem>>
    %dma_wait3A_182 = arith.constant 0 : i32
    %dma_wait3A_183 = tpu.memref_slice %arg13[%mul3A_2, %dma_wait3A_182] : memref<10000x128xf32, #tpu.memory_space<vmem_shared>> -> memref<24x128xf32, #tpu.memory_space<vmem_shared>>
    %dma_wait3A_184 = arith.constant 0 : i32
    %dma_wait3A_185 = tpu.memref_slice %arg13[%mul3A_2, %dma_wait3A_184] : memref<10000x128xf32, #tpu.memory_space<vmem_shared>> -> memref<24x128xf32, #tpu.memory_space<vmem_shared>>
    %dma_wait3A_186 = arith.constant 0 : i32
    %dma_wait3A_187 = arith.constant 0 : i32
    %dma_wait3A_188 = tpu.memref_slice %arg8[%dma_wait3A_186, %dma_wait3A_187] : memref<50x128xf32, #tpu.memory_space<vmem>> -> memref<24x128xf32, #tpu.memory_space<vmem>>
    tpu.wait_dma2 semaphore(%arg12 : memref<!tpu.dma_semaphore, #tpu.memory_space<semaphore_mem>>) src(%dma_wait3A_188 : memref<24x128xf32, #tpu.memory_space<vmem>>) dst(%dma_wait3A_185 : memref<24x128xf32, #tpu.memory_space<vmem_shared>>)
    %dma_start3A_189 = arith.constant 0 : i32
    %dma_start3A_190 = arith.constant 0 : i32
    %dma_start3A_191 = tpu.memref_slice %arg6[%dma_start3A_189, %dma_start3A_190] : memref<100x50xi32, #tpu.memory_space<vmem>> -> memref<1x50xi32, #tpu.memory_space<vmem>>
    %dma_start3A_192 = tpu.memref_squeeze %dma_start3A_191 : memref<1x50xi32, #tpu.memory_space<vmem>> -> memref<50xi32, #tpu.memory_space<vmem>>
    %dma_start3A_193 = arith.constant 0 : i32
    %dma_start3A_194 = arith.constant 0 : i32
    %dma_start3A_195 = tpu.memref_slice %arg2[%dma_start3A_193, %dma_start3A_194] : memref<10000x128xf32, #tpu.memory_space<hbm>> -> memref<10000x128xf32, #tpu.memory_space<hbm>>
    tpu.enqueue_indirect_dma source(%dma_start3A_195 : memref<10000x128xf32, #tpu.memory_space<hbm>>) target(%arg8 : memref<50x128xf32, #tpu.memory_space<vmem>>) offsets(%dma_start3A_192 : memref<50xi32, #tpu.memory_space<vmem>>) semaphore(%arg10 : memref<!tpu.dma_semaphore, #tpu.memory_space<semaphore_mem>>)
    %barrier3A = arith.constant 0 : index
    tpu.barrier barrier_id(%barrier3A)
    %scan3A_196 = arith.constant 0 : i32
    %scan3A_197 = arith.constant 0 : i32
    %scan3A_198 = arith.constant 50 : i32
    %scan3A_199 = arith.addi %scan3A_197, %scan3A_198 : i32
    %scan3A_200 = arith.constant 1 : i32
    %scan3A_201 = scf.for %scan3A_222 = %scan3A_197 to %scan3A_199 step %scan3A_200 iter_args(%scan3A_223 = %scan3A_196) -> (i32)  : i32 {
      %mul3A_224 = arith.constant 2 : i32
      %mul3A_225 = arith.muli %scan3A_222, %mul3A_224 : i32
      %add3A_226 = arith.constant 1 : i32
      %add3A_227 = arith.addi %mul3A_225, %add3A_226 : i32
      %dma_start3A_228 = arith.constant 0 : i32
      %dma_start3A_229 = tpu.memref_slice %arg6[%add3A_227, %dma_start3A_228] : memref<100x50xi32, #tpu.memory_space<vmem>> -> memref<1x50xi32, #tpu.memory_space<vmem>>
      %dma_start3A_230 = tpu.memref_squeeze %dma_start3A_229 : memref<1x50xi32, #tpu.memory_space<vmem>> -> memref<50xi32, #tpu.memory_space<vmem>>
      %dma_start3A_231 = arith.constant 0 : i32
      %dma_start3A_232 = arith.constant 0 : i32
      %dma_start3A_233 = tpu.memref_slice %arg2[%dma_start3A_231, %dma_start3A_232] : memref<10000x128xf32, #tpu.memory_space<hbm>> -> memref<10000x128xf32, #tpu.memory_space<hbm>>
      tpu.enqueue_indirect_dma source(%dma_start3A_233 : memref<10000x128xf32, #tpu.memory_space<hbm>>) target(%arg9 : memref<50x128xf32, #tpu.memory_space<vmem>>) offsets(%dma_start3A_230 : memref<50xi32, #tpu.memory_space<vmem>>) semaphore(%arg11 : memref<!tpu.dma_semaphore, #tpu.memory_space<semaphore_mem>>)
      %dma_wait3A_234 = arith.constant 0 : i32
      %dma_wait3A_235 = tpu.memref_slice %arg6[%mul3A_225, %dma_wait3A_234] : memref<100x50xi32, #tpu.memory_space<vmem>> -> memref<1x50xi32, #tpu.memory_space<vmem>>
      %dma_wait3A_236 = tpu.memref_squeeze %dma_wait3A_235 : memref<1x50xi32, #tpu.memory_space<vmem>> -> memref<50xi32, #tpu.memory_space<vmem>>
      %dma_wait3A_237 = arith.constant 0 : i32
      %dma_wait3A_238 = arith.constant 0 : i32
      %dma_wait3A_239 = tpu.memref_slice %arg2[%dma_wait3A_237, %dma_wait3A_238] : memref<10000x128xf32, #tpu.memory_space<hbm>> -> memref<10000x128xf32, #tpu.memory_space<hbm>>
      tpu.wait_indirect_dma semaphore(%arg10 : memref<!tpu.dma_semaphore, #tpu.memory_space<semaphore_mem>>) src(%dma_wait3A_239 : memref<10000x128xf32, #tpu.memory_space<hbm>>) dst(%arg8 : memref<50x128xf32, #tpu.memory_space<vmem>>)
      "tpu.region"() ({
        %run_scoped3A_255 = tpu.sem_alloc : memref<!tpu.dma_semaphore, #tpu.memory_space<semaphore_mem>>
        %dma_start3A_256 = arith.constant 0 : i32
        %dma_start3A_257 = tpu.memref_slice %arg7[%mul3A_225, %dma_start3A_256] : memref<100x50xi32, #tpu.memory_space<vmem>> -> memref<1x50xi32, #tpu.memory_space<vmem>>
        %dma_start3A_258 = tpu.memref_squeeze %dma_start3A_257 : memref<1x50xi32, #tpu.memory_space<vmem>> -> memref<50xi32, #tpu.memory_space<vmem>>
        %dma_start3A_259 = arith.constant 0 : i32
        %dma_start3A_260 = arith.constant 0 : i32
        %dma_start3A_261 = tpu.memref_slice %arg13[%dma_start3A_259, %dma_start3A_260] : memref<10000x128xf32, #tpu.memory_space<vmem_shared>> -> memref<10000x128xf32, #tpu.memory_space<vmem_shared>>
        tpu.enqueue_indirect_dma source(%arg8 : memref<50x128xf32, #tpu.memory_space<vmem>>) target(%dma_start3A_261 : memref<10000x128xf32, #tpu.memory_space<vmem_shared>>) offsets(%dma_start3A_258 : memref<50xi32, #tpu.memory_space<vmem>>) semaphore(%run_scoped3A_255 : memref<!tpu.dma_semaphore, #tpu.memory_space<semaphore_mem>>) {add = true}
        %dma_wait3A_262 = arith.constant 0 : i32
        %dma_wait3A_263 = tpu.memref_slice %arg7[%mul3A_225, %dma_wait3A_262] : memref<100x50xi32, #tpu.memory_space<vmem>> -> memref<1x50xi32, #tpu.memory_space<vmem>>
        %dma_wait3A_264 = tpu.memref_squeeze %dma_wait3A_263 : memref<1x50xi32, #tpu.memory_space<vmem>> -> memref<50xi32, #tpu.memory_space<vmem>>
        %dma_wait3A_265 = arith.constant 0 : i32
        %dma_wait3A_266 = arith.constant 0 : i32
        %dma_wait3A_267 = tpu.memref_slice %arg13[%dma_wait3A_265, %dma_wait3A_266] : memref<10000x128xf32, #tpu.memory_space<vmem_shared>> -> memref<10000x128xf32, #tpu.memory_space<vmem_shared>>
        tpu.wait_indirect_dma semaphore(%run_scoped3A_255 : memref<!tpu.dma_semaphore, #tpu.memory_space<semaphore_mem>>) src(%arg8 : memref<50x128xf32, #tpu.memory_space<vmem>>) dst(%dma_wait3A_267 : memref<10000x128xf32, #tpu.memory_space<vmem_shared>>)
        tpu.yield
      }) : () -> ()
      %lt3A = arith.constant 49 : i32
      %lt3A_240 = arith.cmpi slt, %scan3A_222, %lt3A : i32
      %convert_element_type3A_241 = arith.extui %lt3A_240 : i1 to i32
      %cond3A_242 = arith.constant 0 : i32
      %cond3A_243 = arith.cmpi ne, %convert_element_type3A_241, %cond3A_242 : i32
      scf.if %cond3A_243 {
        %add3A_255 = arith.constant 2 : i32
        %add3A_256 = arith.addi %mul3A_225, %add3A_255 : i32
        %dma_start3A_257 = arith.constant 0 : i32
        %dma_start3A_258 = tpu.memref_slice %arg6[%add3A_256, %dma_start3A_257] : memref<100x50xi32, #tpu.memory_space<vmem>> -> memref<1x50xi32, #tpu.memory_space<vmem>>
        %dma_start3A_259 = tpu.memref_squeeze %dma_start3A_258 : memref<1x50xi32, #tpu.memory_space<vmem>> -> memref<50xi32, #tpu.memory_space<vmem>>
        %dma_start3A_260 = arith.constant 0 : i32
        %dma_start3A_261 = arith.constant 0 : i32
        %dma_start3A_262 = tpu.memref_slice %arg2[%dma_start3A_260, %dma_start3A_261] : memref<10000x128xf32, #tpu.memory_space<hbm>> -> memref<10000x128xf32, #tpu.memory_space<hbm>>
        tpu.enqueue_indirect_dma source(%dma_start3A_262 : memref<10000x128xf32, #tpu.memory_space<hbm>>) target(%arg8 : memref<50x128xf32, #tpu.memory_space<vmem>>) offsets(%dma_start3A_259 : memref<50xi32, #tpu.memory_space<vmem>>) semaphore(%arg10 : memref<!tpu.dma_semaphore, #tpu.memory_space<semaphore_mem>>)
      } else {
      }
      %add3A_244 = arith.constant 1 : i32
      %add3A_245 = arith.addi %mul3A_225, %add3A_244 : i32
      %dma_wait3A_246 = arith.constant 0 : i32
      %dma_wait3A_247 = tpu.memref_slice %arg6[%add3A_245, %dma_wait3A_246] : memref<100x50xi32, #tpu.memory_space<vmem>> -> memref<1x50xi32, #tpu.memory_space<vmem>>
      %dma_wait3A_248 = tpu.memref_squeeze %dma_wait3A_247 : memref<1x50xi32, #tpu.memory_space<vmem>> -> memref<50xi32, #tpu.memory_space<vmem>>
      %dma_wait3A_249 = arith.constant 0 : i32
      %dma_wait3A_250 = arith.constant 0 : i32
      %dma_wait3A_251 = tpu.memref_slice %arg2[%dma_wait3A_249, %dma_wait3A_250] : memref<10000x128xf32, #tpu.memory_space<hbm>> -> memref<10000x128xf32, #tpu.memory_space<hbm>>
      tpu.wait_indirect_dma semaphore(%arg11 : memref<!tpu.dma_semaphore, #tpu.memory_space<semaphore_mem>>) src(%dma_wait3A_251 : memref<10000x128xf32, #tpu.memory_space<hbm>>) dst(%arg9 : memref<50x128xf32, #tpu.memory_space<vmem>>)
      %add3A_252 = arith.constant 1 : i32
      %add3A_253 = arith.addi %mul3A_225, %add3A_252 : i32
      "tpu.region"() ({
        %run_scoped3A_255 = tpu.sem_alloc : memref<!tpu.dma_semaphore, #tpu.memory_space<semaphore_mem>>
        %dma_start3A_256 = arith.constant 0 : i32
        %dma_start3A_257 = tpu.memref_slice %arg7[%add3A_253, %dma_start3A_256] : memref<100x50xi32, #tpu.memory_space<vmem>> -> memref<1x50xi32, #tpu.memory_space<vmem>>
        %dma_start3A_258 = tpu.memref_squeeze %dma_start3A_257 : memref<1x50xi32, #tpu.memory_space<vmem>> -> memref<50xi32, #tpu.memory_space<vmem>>
        %dma_start3A_259 = arith.constant 0 : i32
        %dma_start3A_260 = arith.constant 0 : i32
        %dma_start3A_261 = tpu.memref_slice %arg13[%dma_start3A_259, %dma_start3A_260] : memref<10000x128xf32, #tpu.memory_space<vmem_shared>> -> memref<10000x128xf32, #tpu.memory_space<vmem_shared>>
        tpu.enqueue_indirect_dma source(%arg9 : memref<50x128xf32, #tpu.memory_space<vmem>>) target(%dma_start3A_261 : memref<10000x128xf32, #tpu.memory_space<vmem_shared>>) offsets(%dma_start3A_258 : memref<50xi32, #tpu.memory_space<vmem>>) semaphore(%run_scoped3A_255 : memref<!tpu.dma_semaphore, #tpu.memory_space<semaphore_mem>>) {add = true}
        %dma_wait3A_262 = arith.constant 0 : i32
        %dma_wait3A_263 = tpu.memref_slice %arg7[%add3A_253, %dma_wait3A_262] : memref<100x50xi32, #tpu.memory_space<vmem>> -> memref<1x50xi32, #tpu.memory_space<vmem>>
        %dma_wait3A_264 = tpu.memref_squeeze %dma_wait3A_263 : memref<1x50xi32, #tpu.memory_space<vmem>> -> memref<50xi32, #tpu.memory_space<vmem>>
        %dma_wait3A_265 = arith.constant 0 : i32
        %dma_wait3A_266 = arith.constant 0 : i32
        %dma_wait3A_267 = tpu.memref_slice %arg13[%dma_wait3A_265, %dma_wait3A_266] : memref<10000x128xf32, #tpu.memory_space<vmem_shared>> -> memref<10000x128xf32, #tpu.memory_space<vmem_shared>>
        tpu.wait_indirect_dma semaphore(%run_scoped3A_255 : memref<!tpu.dma_semaphore, #tpu.memory_space<semaphore_mem>>) src(%arg9 : memref<50x128xf32, #tpu.memory_space<vmem>>) dst(%dma_wait3A_267 : memref<10000x128xf32, #tpu.memory_space<vmem_shared>>)
        tpu.yield
      }) : () -> ()
      %scan3A_254 = arith.constant 0 : i32
      scf.yield %scan3A_254 : i32
    }
    %scan3A_202 = arith.constant 50 : i32
    %run_scoped3A = arith.constant 1 : i32
    "tpu.region"() ({
      %run_scoped3A_222 = tpu.sem_alloc : memref<!tpu.dma_semaphore, #tpu.memory_space<semaphore_mem>>
      %dma_start3A_223 = arith.constant 0 : i32
      %dma_start3A_224 = arith.constant 0 : i32
      %dma_start3A_225 = tpu.memref_slice %arg3[%add3A, %run_scoped3A, %dma_start3A_223, %dma_start3A_224] : memref<32x2x100x50xi32, #tpu.memory_space<hbm>> -> memref<1x1x100x50xi32, #tpu.memory_space<hbm>>
      %dma_start3A_226 = tpu.memref_squeeze %dma_start3A_225 : memref<1x1x100x50xi32, #tpu.memory_space<hbm>> -> memref<100x50xi32, #tpu.memory_space<hbm>>
      %dma_start3A_227 = arith.constant 0 : i32
      %dma_start3A_228 = arith.constant 0 : i32
      %dma_start3A_229 = tpu.memref_slice %arg3[%add3A, %run_scoped3A, %dma_start3A_227, %dma_start3A_228] : memref<32x2x100x50xi32, #tpu.memory_space<hbm>> -> memref<1x1x100x50xi32, #tpu.memory_space<hbm>>
      %dma_start3A_230 = tpu.memref_squeeze %dma_start3A_229 : memref<1x1x100x50xi32, #tpu.memory_space<hbm>> -> memref<100x50xi32, #tpu.memory_space<hbm>>
      tpu.enqueue_dma source(%dma_start3A_230 : memref<100x50xi32, #tpu.memory_space<hbm>>) target(%arg6 : memref<100x50xi32, #tpu.memory_space<vmem>>) target_semaphore(%run_scoped3A_222 : memref<!tpu.dma_semaphore, #tpu.memory_space<semaphore_mem>>)
      %dma_wait3A_231 = arith.constant 0 : i32
      %dma_wait3A_232 = arith.constant 0 : i32
      %dma_wait3A_233 = tpu.memref_slice %arg3[%add3A, %run_scoped3A, %dma_wait3A_231, %dma_wait3A_232] : memref<32x2x100x50xi32, #tpu.memory_space<hbm>> -> memref<1x1x100x50xi32, #tpu.memory_space<hbm>>
      %dma_wait3A_234 = tpu.memref_squeeze %dma_wait3A_233 : memref<1x1x100x50xi32, #tpu.memory_space<hbm>> -> memref<100x50xi32, #tpu.memory_space<hbm>>
      %dma_wait3A_235 = arith.constant 0 : i32
      %dma_wait3A_236 = arith.constant 0 : i32
      %dma_wait3A_237 = tpu.memref_slice %arg3[%add3A, %run_scoped3A, %dma_wait3A_235, %dma_wait3A_236] : memref<32x2x100x50xi32, #tpu.memory_space<hbm>> -> memref<1x1x100x50xi32, #tpu.memory_space<hbm>>
      %dma_wait3A_238 = tpu.memref_squeeze %dma_wait3A_237 : memref<1x1x100x50xi32, #tpu.memory_space<hbm>> -> memref<100x50xi32, #tpu.memory_space<hbm>>
      tpu.wait_dma2 semaphore(%run_scoped3A_222 : memref<!tpu.dma_semaphore, #tpu.memory_space<semaphore_mem>>) src(%dma_wait3A_238 : memref<100x50xi32, #tpu.memory_space<hbm>>) dst(%arg6 : memref<100x50xi32, #tpu.memory_space<vmem>>)
      tpu.yield
    }) : () -> ()
    %run_scoped3A_203 = arith.constant 1 : i32
    "tpu.region"() ({
      %run_scoped3A_222 = tpu.sem_alloc : memref<!tpu.dma_semaphore, #tpu.memory_space<semaphore_mem>>
      %dma_start3A_223 = arith.constant 0 : i32
      %dma_start3A_224 = arith.constant 0 : i32
      %dma_start3A_225 = tpu.memref_slice %arg4[%add3A, %run_scoped3A_203, %dma_start3A_223, %dma_start3A_224] : memref<32x2x100x50xi32, #tpu.memory_space<hbm>> -> memref<1x1x100x50xi32, #tpu.memory_space<hbm>>
      %dma_start3A_226 = tpu.memref_squeeze %dma_start3A_225 : memref<1x1x100x50xi32, #tpu.memory_space<hbm>> -> memref<100x50xi32, #tpu.memory_space<hbm>>
      %dma_start3A_227 = arith.constant 0 : i32
      %dma_start3A_228 = arith.constant 0 : i32
      %dma_start3A_229 = tpu.memref_slice %arg4[%add3A, %run_scoped3A_203, %dma_start3A_227, %dma_start3A_228] : memref<32x2x100x50xi32, #tpu.memory_space<hbm>> -> memref<1x1x100x50xi32, #tpu.memory_space<hbm>>
      %dma_start3A_230 = tpu.memref_squeeze %dma_start3A_229 : memref<1x1x100x50xi32, #tpu.memory_space<hbm>> -> memref<100x50xi32, #tpu.memory_space<hbm>>
      tpu.enqueue_dma source(%dma_start3A_230 : memref<100x50xi32, #tpu.memory_space<hbm>>) target(%arg7 : memref<100x50xi32, #tpu.memory_space<vmem>>) target_semaphore(%run_scoped3A_222 : memref<!tpu.dma_semaphore, #tpu.memory_space<semaphore_mem>>)
      %dma_wait3A_231 = arith.constant 0 : i32
      %dma_wait3A_232 = arith.constant 0 : i32
      %dma_wait3A_233 = tpu.memref_slice %arg4[%add3A, %run_scoped3A_203, %dma_wait3A_231, %dma_wait3A_232] : memref<32x2x100x50xi32, #tpu.memory_space<hbm>> -> memref<1x1x100x50xi32, #tpu.memory_space<hbm>>
      %dma_wait3A_234 = tpu.memref_squeeze %dma_wait3A_233 : memref<1x1x100x50xi32, #tpu.memory_space<hbm>> -> memref<100x50xi32, #tpu.memory_space<hbm>>
      %dma_wait3A_235 = arith.constant 0 : i32
      %dma_wait3A_236 = arith.constant 0 : i32
      %dma_wait3A_237 = tpu.memref_slice %arg4[%add3A, %run_scoped3A_203, %dma_wait3A_235, %dma_wait3A_236] : memref<32x2x100x50xi32, #tpu.memory_space<hbm>> -> memref<1x1x100x50xi32, #tpu.memory_space<hbm>>
      %dma_wait3A_238 = tpu.memref_squeeze %dma_wait3A_237 : memref<1x1x100x50xi32, #tpu.memory_space<hbm>> -> memref<100x50xi32, #tpu.memory_space<hbm>>
      tpu.wait_dma2 semaphore(%run_scoped3A_222 : memref<!tpu.dma_semaphore, #tpu.memory_space<semaphore_mem>>) src(%dma_wait3A_238 : memref<100x50xi32, #tpu.memory_space<hbm>>) dst(%arg7 : memref<100x50xi32, #tpu.memory_space<vmem>>)
      tpu.yield
    }) : () -> ()
    %dma_start3A_204 = arith.constant 0 : i32
    %dma_start3A_205 = arith.constant 0 : i32
    %dma_start3A_206 = tpu.memref_slice %arg6[%dma_start3A_204, %dma_start3A_205] : memref<100x50xi32, #tpu.memory_space<vmem>> -> memref<1x50xi32, #tpu.memory_space<vmem>>
    %dma_start3A_207 = tpu.memref_squeeze %dma_start3A_206 : memref<1x50xi32, #tpu.memory_space<vmem>> -> memref<50xi32, #tpu.memory_space<vmem>>
    %dma_start3A_208 = arith.constant 0 : i32
    %dma_start3A_209 = arith.constant 0 : i32
    %dma_start3A_210 = tpu.memref_slice %arg2[%dma_start3A_208, %dma_start3A_209] : memref<10000x128xf32, #tpu.memory_space<hbm>> -> memref<10000x128xf32, #tpu.memory_space<hbm>>
    tpu.enqueue_indirect_dma source(%dma_start3A_210 : memref<10000x128xf32, #tpu.memory_space<hbm>>) target(%arg8 : memref<50x128xf32, #tpu.memory_space<vmem>>) offsets(%dma_start3A_207 : memref<50xi32, #tpu.memory_space<vmem>>) semaphore(%arg10 : memref<!tpu.dma_semaphore, #tpu.memory_space<semaphore_mem>>)
    %scan3A_211 = arith.constant 0 : i32
    %scan3A_212 = arith.constant 0 : i32
    %scan3A_213 = arith.constant 50 : i32
    %scan3A_214 = arith.addi %scan3A_212, %scan3A_213 : i32
    %scan3A_215 = arith.constant 1 : i32
    %scan3A_216 = scf.for %scan3A_222 = %scan3A_212 to %scan3A_214 step %scan3A_215 iter_args(%scan3A_223 = %scan3A_211) -> (i32)  : i32 {
      %mul3A_224 = arith.constant 2 : i32
      %mul3A_225 = arith.muli %scan3A_222, %mul3A_224 : i32
      %add3A_226 = arith.constant 1 : i32
      %add3A_227 = arith.addi %mul3A_225, %add3A_226 : i32
      %dma_start3A_228 = arith.constant 0 : i32
      %dma_start3A_229 = tpu.memref_slice %arg6[%add3A_227, %dma_start3A_228] : memref<100x50xi32, #tpu.memory_space<vmem>> -> memref<1x50xi32, #tpu.memory_space<vmem>>
      %dma_start3A_230 = tpu.memref_squeeze %dma_start3A_229 : memref<1x50xi32, #tpu.memory_space<vmem>> -> memref<50xi32, #tpu.memory_space<vmem>>
      %dma_start3A_231 = arith.constant 0 : i32
      %dma_start3A_232 = arith.constant 0 : i32
      %dma_start3A_233 = tpu.memref_slice %arg2[%dma_start3A_231, %dma_start3A_232] : memref<10000x128xf32, #tpu.memory_space<hbm>> -> memref<10000x128xf32, #tpu.memory_space<hbm>>
      tpu.enqueue_indirect_dma source(%dma_start3A_233 : memref<10000x128xf32, #tpu.memory_space<hbm>>) target(%arg9 : memref<50x128xf32, #tpu.memory_space<vmem>>) offsets(%dma_start3A_230 : memref<50xi32, #tpu.memory_space<vmem>>) semaphore(%arg11 : memref<!tpu.dma_semaphore, #tpu.memory_space<semaphore_mem>>)
      %dma_wait3A_234 = arith.constant 0 : i32
      %dma_wait3A_235 = tpu.memref_slice %arg6[%mul3A_225, %dma_wait3A_234] : memref<100x50xi32, #tpu.memory_space<vmem>> -> memref<1x50xi32, #tpu.memory_space<vmem>>
      %dma_wait3A_236 = tpu.memref_squeeze %dma_wait3A_235 : memref<1x50xi32, #tpu.memory_space<vmem>> -> memref<50xi32, #tpu.memory_space<vmem>>
      %dma_wait3A_237 = arith.constant 0 : i32
      %dma_wait3A_238 = arith.constant 0 : i32
      %dma_wait3A_239 = tpu.memref_slice %arg2[%dma_wait3A_237, %dma_wait3A_238] : memref<10000x128xf32, #tpu.memory_space<hbm>> -> memref<10000x128xf32, #tpu.memory_space<hbm>>
      tpu.wait_indirect_dma semaphore(%arg10 : memref<!tpu.dma_semaphore, #tpu.memory_space<semaphore_mem>>) src(%dma_wait3A_239 : memref<10000x128xf32, #tpu.memory_space<hbm>>) dst(%arg8 : memref<50x128xf32, #tpu.memory_space<vmem>>)
      "tpu.region"() ({
        %run_scoped3A_255 = tpu.sem_alloc : memref<!tpu.dma_semaphore, #tpu.memory_space<semaphore_mem>>
        %dma_start3A_256 = arith.constant 0 : i32
        %dma_start3A_257 = tpu.memref_slice %arg7[%mul3A_225, %dma_start3A_256] : memref<100x50xi32, #tpu.memory_space<vmem>> -> memref<1x50xi32, #tpu.memory_space<vmem>>
        %dma_start3A_258 = tpu.memref_squeeze %dma_start3A_257 : memref<1x50xi32, #tpu.memory_space<vmem>> -> memref<50xi32, #tpu.memory_space<vmem>>
        %dma_start3A_259 = arith.constant 0 : i32
        %dma_start3A_260 = arith.constant 0 : i32
        %dma_start3A_261 = tpu.memref_slice %arg13[%dma_start3A_259, %dma_start3A_260] : memref<10000x128xf32, #tpu.memory_space<vmem_shared>> -> memref<10000x128xf32, #tpu.memory_space<vmem_shared>>
        tpu.enqueue_indirect_dma source(%arg8 : memref<50x128xf32, #tpu.memory_space<vmem>>) target(%dma_start3A_261 : memref<10000x128xf32, #tpu.memory_space<vmem_shared>>) offsets(%dma_start3A_258 : memref<50xi32, #tpu.memory_space<vmem>>) semaphore(%run_scoped3A_255 : memref<!tpu.dma_semaphore, #tpu.memory_space<semaphore_mem>>) {add = true}
        %dma_wait3A_262 = arith.constant 0 : i32
        %dma_wait3A_263 = tpu.memref_slice %arg7[%mul3A_225, %dma_wait3A_262] : memref<100x50xi32, #tpu.memory_space<vmem>> -> memref<1x50xi32, #tpu.memory_space<vmem>>
        %dma_wait3A_264 = tpu.memref_squeeze %dma_wait3A_263 : memref<1x50xi32, #tpu.memory_space<vmem>> -> memref<50xi32, #tpu.memory_space<vmem>>
        %dma_wait3A_265 = arith.constant 0 : i32
        %dma_wait3A_266 = arith.constant 0 : i32
        %dma_wait3A_267 = tpu.memref_slice %arg13[%dma_wait3A_265, %dma_wait3A_266] : memref<10000x128xf32, #tpu.memory_space<vmem_shared>> -> memref<10000x128xf32, #tpu.memory_space<vmem_shared>>
        tpu.wait_indirect_dma semaphore(%run_scoped3A_255 : memref<!tpu.dma_semaphore, #tpu.memory_space<semaphore_mem>>) src(%arg8 : memref<50x128xf32, #tpu.memory_space<vmem>>) dst(%dma_wait3A_267 : memref<10000x128xf32, #tpu.memory_space<vmem_shared>>)
        tpu.yield
      }) : () -> ()
      %lt3A = arith.constant 49 : i32
      %lt3A_240 = arith.cmpi slt, %scan3A_222, %lt3A : i32
      %convert_element_type3A_241 = arith.extui %lt3A_240 : i1 to i32
      %cond3A_242 = arith.constant 0 : i32
      %cond3A_243 = arith.cmpi ne, %convert_element_type3A_241, %cond3A_242 : i32
      scf.if %cond3A_243 {
        %add3A_255 = arith.constant 2 : i32
        %add3A_256 = arith.addi %mul3A_225, %add3A_255 : i32
        %dma_start3A_257 = arith.constant 0 : i32
        %dma_start3A_258 = tpu.memref_slice %arg6[%add3A_256, %dma_start3A_257] : memref<100x50xi32, #tpu.memory_space<vmem>> -> memref<1x50xi32, #tpu.memory_space<vmem>>
        %dma_start3A_259 = tpu.memref_squeeze %dma_start3A_258 : memref<1x50xi32, #tpu.memory_space<vmem>> -> memref<50xi32, #tpu.memory_space<vmem>>
        %dma_start3A_260 = arith.constant 0 : i32
        %dma_start3A_261 = arith.constant 0 : i32
        %dma_start3A_262 = tpu.memref_slice %arg2[%dma_start3A_260, %dma_start3A_261] : memref<10000x128xf32, #tpu.memory_space<hbm>> -> memref<10000x128xf32, #tpu.memory_space<hbm>>
        tpu.enqueue_indirect_dma source(%dma_start3A_262 : memref<10000x128xf32, #tpu.memory_space<hbm>>) target(%arg8 : memref<50x128xf32, #tpu.memory_space<vmem>>) offsets(%dma_start3A_259 : memref<50xi32, #tpu.memory_space<vmem>>) semaphore(%arg10 : memref<!tpu.dma_semaphore, #tpu.memory_space<semaphore_mem>>)
      } else {
      }
      %add3A_244 = arith.constant 1 : i32
      %add3A_245 = arith.addi %mul3A_225, %add3A_244 : i32
      %dma_wait3A_246 = arith.constant 0 : i32
      %dma_wait3A_247 = tpu.memref_slice %arg6[%add3A_245, %dma_wait3A_246] : memref<100x50xi32, #tpu.memory_space<vmem>> -> memref<1x50xi32, #tpu.memory_space<vmem>>
      %dma_wait3A_248 = tpu.memref_squeeze %dma_wait3A_247 : memref<1x50xi32, #tpu.memory_space<vmem>> -> memref<50xi32, #tpu.memory_space<vmem>>
      %dma_wait3A_249 = arith.constant 0 : i32
      %dma_wait3A_250 = arith.constant 0 : i32
      %dma_wait3A_251 = tpu.memref_slice %arg2[%dma_wait3A_249, %dma_wait3A_250] : memref<10000x128xf32, #tpu.memory_space<hbm>> -> memref<10000x128xf32, #tpu.memory_space<hbm>>
      tpu.wait_indirect_dma semaphore(%arg11 : memref<!tpu.dma_semaphore, #tpu.memory_space<semaphore_mem>>) src(%dma_wait3A_251 : memref<10000x128xf32, #tpu.memory_space<hbm>>) dst(%arg9 : memref<50x128xf32, #tpu.memory_space<vmem>>)
      %add3A_252 = arith.constant 1 : i32
      %add3A_253 = arith.addi %mul3A_225, %add3A_252 : i32
      "tpu.region"() ({
        %run_scoped3A_255 = tpu.sem_alloc : memref<!tpu.dma_semaphore, #tpu.memory_space<semaphore_mem>>
        %dma_start3A_256 = arith.constant 0 : i32
        %dma_start3A_257 = tpu.memref_slice %arg7[%add3A_253, %dma_start3A_256] : memref<100x50xi32, #tpu.memory_space<vmem>> -> memref<1x50xi32, #tpu.memory_space<vmem>>
        %dma_start3A_258 = tpu.memref_squeeze %dma_start3A_257 : memref<1x50xi32, #tpu.memory_space<vmem>> -> memref<50xi32, #tpu.memory_space<vmem>>
        %dma_start3A_259 = arith.constant 0 : i32
        %dma_start3A_260 = arith.constant 0 : i32
        %dma_start3A_261 = tpu.memref_slice %arg13[%dma_start3A_259, %dma_start3A_260] : memref<10000x128xf32, #tpu.memory_space<vmem_shared>> -> memref<10000x128xf32, #tpu.memory_space<vmem_shared>>
        tpu.enqueue_indirect_dma source(%arg9 : memref<50x128xf32, #tpu.memory_space<vmem>>) target(%dma_start3A_261 : memref<10000x128xf32, #tpu.memory_space<vmem_shared>>) offsets(%dma_start3A_258 : memref<50xi32, #tpu.memory_space<vmem>>) semaphore(%run_scoped3A_255 : memref<!tpu.dma_semaphore, #tpu.memory_space<semaphore_mem>>) {add = true}
        %dma_wait3A_262 = arith.constant 0 : i32
        %dma_wait3A_263 = tpu.memref_slice %arg7[%add3A_253, %dma_wait3A_262] : memref<100x50xi32, #tpu.memory_space<vmem>> -> memref<1x50xi32, #tpu.memory_space<vmem>>
        %dma_wait3A_264 = tpu.memref_squeeze %dma_wait3A_263 : memref<1x50xi32, #tpu.memory_space<vmem>> -> memref<50xi32, #tpu.memory_space<vmem>>
        %dma_wait3A_265 = arith.constant 0 : i32
        %dma_wait3A_266 = arith.constant 0 : i32
        %dma_wait3A_267 = tpu.memref_slice %arg13[%dma_wait3A_265, %dma_wait3A_266] : memref<10000x128xf32, #tpu.memory_space<vmem_shared>> -> memref<10000x128xf32, #tpu.memory_space<vmem_shared>>
        tpu.wait_indirect_dma semaphore(%run_scoped3A_255 : memref<!tpu.dma_semaphore, #tpu.memory_space<semaphore_mem>>) src(%arg9 : memref<50x128xf32, #tpu.memory_space<vmem>>) dst(%dma_wait3A_267 : memref<10000x128xf32, #tpu.memory_space<vmem_shared>>)
        tpu.yield
      }) : () -> ()
      %scan3A_254 = arith.constant 0 : i32
      scf.yield %scan3A_254 : i32
    }
    %scan3A_217 = arith.constant 50 : i32
    %barrier3A_218 = arith.constant 0 : index
    tpu.barrier barrier_id(%barrier3A_218)
    "tpu.region"() ({
      %run_scoped3A_222 = tpu.sem_alloc : memref<!tpu.dma_semaphore, #tpu.memory_space<semaphore_mem>>
      %dma_start3A_223 = arith.constant 0 : i32
      %dma_start3A_224 = tpu.memref_slice %arg5[%arg0, %mul3A_2, %dma_start3A_223] : memref<2x10000x128xf32, #tpu.memory_space<hbm>> -> memref<1x624x128xf32, #tpu.memory_space<hbm>>
      %dma_start3A_225 = tpu.memref_squeeze %dma_start3A_224 : memref<1x624x128xf32, #tpu.memory_space<hbm>> -> memref<624x128xf32, #tpu.memory_space<hbm>>
      %dma_start3A_226 = arith.constant 0 : i32
      %dma_start3A_227 = tpu.memref_slice %arg13[%mul3A_2, %dma_start3A_226] : memref<10000x128xf32, #tpu.memory_space<vmem_shared>> -> memref<624x128xf32, #tpu.memory_space<vmem_shared>>
      tpu.enqueue_dma source(%dma_start3A_227 : memref<624x128xf32, #tpu.memory_space<vmem_shared>>) target(%dma_start3A_225 : memref<624x128xf32, #tpu.memory_space<hbm>>) target_semaphore(%run_scoped3A_222 : memref<!tpu.dma_semaphore, #tpu.memory_space<semaphore_mem>>)
      %dma_wait3A_228 = arith.constant 0 : i32
      %dma_wait3A_229 = tpu.memref_slice %arg5[%arg0, %mul3A_2, %dma_wait3A_228] : memref<2x10000x128xf32, #tpu.memory_space<hbm>> -> memref<1x624x128xf32, #tpu.memory_space<hbm>>
      %dma_wait3A_230 = tpu.memref_squeeze %dma_wait3A_229 : memref<1x624x128xf32, #tpu.memory_space<hbm>> -> memref<624x128xf32, #tpu.memory_space<hbm>>
      %dma_wait3A_231 = arith.constant 0 : i32
      %dma_wait3A_232 = tpu.memref_slice %arg13[%mul3A_2, %dma_wait3A_231] : memref<10000x128xf32, #tpu.memory_space<vmem_shared>> -> memref<624x128xf32, #tpu.memory_space<vmem_shared>>
      tpu.wait_dma2 semaphore(%run_scoped3A_222 : memref<!tpu.dma_semaphore, #tpu.memory_space<semaphore_mem>>) src(%dma_wait3A_232 : memref<624x128xf32, #tpu.memory_space<vmem_shared>>) dst(%dma_wait3A_230 : memref<624x128xf32, #tpu.memory_space<hbm>>)
      tpu.yield
    }) : () -> ()
    %convert_element_type3A_219 = arith.extui %eq3A_3 : i1 to i32
    %cond3A_220 = arith.constant 0 : i32
    %cond3A_221 = arith.cmpi ne, %convert_element_type3A_219, %cond3A_220 : i32
    scf.if %cond3A_221 {
      "tpu.region"() ({
        %run_scoped3A_222 = tpu.sem_alloc : memref<!tpu.dma_semaphore, #tpu.memory_space<semaphore_mem>>
        %dma_start3A_223 = arith.constant 9984 : i32
        %dma_start3A_224 = arith.constant 0 : i32
        %dma_start3A_225 = tpu.memref_slice %arg5[%arg0, %dma_start3A_223, %dma_start3A_224] : memref<2x10000x128xf32, #tpu.memory_space<hbm>> -> memref<1x16x128xf32, #tpu.memory_space<hbm>>
        %dma_start3A_226 = tpu.memref_squeeze %dma_start3A_225 : memref<1x16x128xf32, #tpu.memory_space<hbm>> -> memref<16x128xf32, #tpu.memory_space<hbm>>
        %dma_start3A_227 = arith.constant 9984 : i32
        %dma_start3A_228 = arith.constant 0 : i32
        %dma_start3A_229 = tpu.memref_slice %arg13[%dma_start3A_227, %dma_start3A_228] : memref<10000x128xf32, #tpu.memory_space<vmem_shared>> -> memref<16x128xf32, #tpu.memory_space<vmem_shared>>
        tpu.enqueue_dma source(%dma_start3A_229 : memref<16x128xf32, #tpu.memory_space<vmem_shared>>) target(%dma_start3A_226 : memref<16x128xf32, #tpu.memory_space<hbm>>) target_semaphore(%run_scoped3A_222 : memref<!tpu.dma_semaphore, #tpu.memory_space<semaphore_mem>>)
        %dma_wait3A_230 = arith.constant 9984 : i32
        %dma_wait3A_231 = arith.constant 0 : i32
        %dma_wait3A_232 = tpu.memref_slice %arg5[%arg0, %dma_wait3A_230, %dma_wait3A_231] : memref<2x10000x128xf32, #tpu.memory_space<hbm>> -> memref<1x16x128xf32, #tpu.memory_space<hbm>>
        %dma_wait3A_233 = tpu.memref_squeeze %dma_wait3A_232 : memref<1x16x128xf32, #tpu.memory_space<hbm>> -> memref<16x128xf32, #tpu.memory_space<hbm>>
        %dma_wait3A_234 = arith.constant 9984 : i32
        %dma_wait3A_235 = arith.constant 0 : i32
        %dma_wait3A_236 = tpu.memref_slice %arg13[%dma_wait3A_234, %dma_wait3A_235] : memref<10000x128xf32, #tpu.memory_space<vmem_shared>> -> memref<16x128xf32, #tpu.memory_space<vmem_shared>>
        tpu.wait_dma2 semaphore(%run_scoped3A_222 : memref<!tpu.dma_semaphore, #tpu.memory_space<semaphore_mem>>) src(%dma_wait3A_236 : memref<16x128xf32, #tpu.memory_space<vmem_shared>>) dst(%dma_wait3A_233 : memref<16x128xf32, #tpu.memory_space<hbm>>)
        tpu.yield
      }) : () -> ()
    } else {
    }
    return
  }
}

#map = affine_map<(d0, d1) -> (0, 0)>
#map1 = affine_map<(d0, d1) -> (0, 0, 0, 0)>
#map2 = affine_map<(d0, d1) -> (0, 0, 0)>
module attributes {stable_mosaic.version = 14 : i64} {
  func.func @_sc_agg_body(%arg0: i32, %arg1: i32, %arg2: memref<10000x128xf32, #tpu.memory_space<hbm>>, %arg3: memref<32x2x100x50xi32, #tpu.memory_space<hbm>>, %arg4: memref<32x2x100x50xi32, #tpu.memory_space<hbm>>, %arg5: memref<2x10000x128xf32, #tpu.memory_space<hbm>>, %arg6: memref<100x50xi32, #tpu.memory_space<vmem>>, %arg7: memref<100x50xi32, #tpu.memory_space<vmem>>, %arg8: memref<50x128xf32, #tpu.memory_space<vmem>>, %arg9: memref<50x128xf32, #tpu.memory_space<vmem>>, %arg10: memref<!tpu.dma_semaphore, #tpu.memory_space<semaphore_mem>>, %arg11: memref<!tpu.dma_semaphore, #tpu.memory_space<semaphore_mem>>, %arg12: memref<!tpu.dma_semaphore, #tpu.memory_space<semaphore_mem>>, %arg13: memref<10000x128xf32, #tpu.memory_space<vmem_shared>>) attributes {dimension_semantics = [#tpu.dimension_semantics<core_parallel>, #tpu.dimension_semantics<subcore_parallel>], iteration_bounds = array<i64: 2, 16>, scalar_prefetch = 0 : i64, scratch_operands = 8 : i64, tpu.core_type = #tpu.core_type<sc_vector_subcore>, window_params = [{transform_indices = #map}, {transform_indices = #map1}, {transform_indices = #map1}, {transform_indices = #map2}]} {
    %mul3A = arith.constant 16 : i32
    %mul3A_0 = arith.muli %arg0, %mul3A : i32
    %add3A = arith.addi %mul3A_0, %arg1 : i32
    %mul3A_1 = arith.constant 624 : i32
    %mul3A_2 = arith.muli %arg1, %mul3A_1 : i32
    %eq3A = arith.constant 15 : i32
    %eq3A_3 = arith.cmpi eq, %arg1, %eq3A : i32
    %dma_start3A = arith.constant 0 : i32
    %dma_start3A_4 = arith.constant 0 : i32
    %dma_start3A_5 = arith.constant 0 : i32
    %dma_start3A_6 = tpu.memref_slice %arg3[%add3A, %dma_start3A, %dma_start3A_4, %dma_start3A_5] : memref<32x2x100x50xi32, #tpu.memory_space<hbm>> -> memref<1x1x100x50xi32, #tpu.memory_space<hbm>>
    %dma_start3A_7 = tpu.memref_squeeze %dma_start3A_6 : memref<1x1x100x50xi32, #tpu.memory_space<hbm>> -> memref<100x50xi32, #tpu.memory_space<hbm>>
    %dma_start3A_8 = arith.constant 0 : i32
    %dma_start3A_9 = arith.constant 0 : i32
    %dma_start3A_10 = tpu.memref_slice %arg3[%add3A, %dma_start3A, %dma_start3A_8, %dma_start3A_9] : memref<32x2x100x50xi32, #tpu.memory_space<hbm>> -> memref<1x1x100x50xi32, #tpu.memory_space<hbm>>
    %dma_start3A_11 = tpu.memref_squeeze %dma_start3A_10 : memref<1x1x100x50xi32, #tpu.memory_space<hbm>> -> memref<100x50xi32, #tpu.memory_space<hbm>>
    tpu.enqueue_dma source(%dma_start3A_11 : memref<100x50xi32, #tpu.memory_space<hbm>>) target(%arg6 : memref<100x50xi32, #tpu.memory_space<vmem>>) target_semaphore(%arg12 : memref<!tpu.dma_semaphore, #tpu.memory_space<semaphore_mem>>)
    %dma_start3A_12 = arith.constant 0 : i32
    %dma_start3A_13 = arith.constant 0 : i32
    %dma_start3A_14 = arith.constant 0 : i32
    %dma_start3A_15 = tpu.memref_slice %arg4[%add3A, %dma_start3A_12, %dma_start3A_13, %dma_start3A_14] : memref<32x2x100x50xi32, #tpu.memory_space<hbm>> -> memref<1x1x100x50xi32, #tpu.memory_space<hbm>>
    %dma_start3A_16 = tpu.memref_squeeze %dma_start3A_15 : memref<1x1x100x50xi32, #tpu.memory_space<hbm>> -> memref<100x50xi32, #tpu.memory_space<hbm>>
    %dma_start3A_17 = arith.constant 0 : i32
    %dma_start3A_18 = arith.constant 0 : i32
    %dma_start3A_19 = tpu.memref_slice %arg4[%add3A, %dma_start3A_12, %dma_start3A_17, %dma_start3A_18] : memref<32x2x100x50xi32, #tpu.memory_space<hbm>> -> memref<1x1x100x50xi32, #tpu.memory_space<hbm>>
    %dma_start3A_20 = tpu.memref_squeeze %dma_start3A_19 : memref<1x1x100x50xi32, #tpu.memory_space<hbm>> -> memref<100x50xi32, #tpu.memory_space<hbm>>
    tpu.enqueue_dma source(%dma_start3A_20 : memref<100x50xi32, #tpu.memory_space<hbm>>) target(%arg7 : memref<100x50xi32, #tpu.memory_space<vmem>>) target_semaphore(%arg12 : memref<!tpu.dma_semaphore, #tpu.memory_space<semaphore_mem>>)
    %broadcast_in_dim3A = arith.constant 0.000000e+00 : f32
    %broadcast_in_dim3A_21 = vector.broadcast %broadcast_in_dim3A : f32 to vector<16xf32>
    %scan3A = arith.constant 0 : i32
    %scan3A_22 = arith.constant 0 : i32
    %scan3A_23 = arith.constant 400 : i32
    %scan3A_24 = arith.addi %scan3A_22, %scan3A_23 : i32
    %scan3A_25 = arith.constant 1 : i32
    %scan3A_26 = scf.for %scan3A_222 = %scan3A_22 to %scan3A_24 step %scan3A_25 iter_args(%scan3A_223 = %scan3A) -> (i32)  : i32 {
      %jit3A = arith.constant 8 : i32
      %div3A = arith.divsi %scan3A_222, %jit3A : i32
      %sign3A = arith.constant 0 : i32
      %sign3A_224 = arith.cmpi sgt, %scan3A_222, %sign3A : i32
      %sign3A_225 = arith.extui %sign3A_224 : i1 to i32
      %sign3A_226 = arith.constant 0 : i32
      %sign3A_227 = arith.cmpi slt, %scan3A_222, %sign3A_226 : i32
      %sign3A_228 = arith.extui %sign3A_227 : i1 to i32
      %sign3A_229 = arith.subi %sign3A_225, %sign3A_228 : i32
      %sign3A_230 = arith.constant 0 : i32
      %sign3A_231 = arith.cmpi sgt, %jit3A, %sign3A_230 : i32
      %sign3A_232 = arith.extui %sign3A_231 : i1 to i32
      %sign3A_233 = arith.constant 0 : i32
      %sign3A_234 = arith.cmpi slt, %jit3A, %sign3A_233 : i32
      %sign3A_235 = arith.extui %sign3A_234 : i1 to i32
      %sign3A_236 = arith.subi %sign3A_232, %sign3A_235 : i32
      %ne3A = arith.cmpi ne, %sign3A_229, %sign3A_236 : i32
      %rem3A = arith.remsi %scan3A_222, %jit3A : i32
      %ne3A_237 = arith.constant 0 : i32
      %ne3A_238 = arith.cmpi ne, %rem3A, %ne3A_237 : i32
      %and3A = arith.andi %ne3A, %ne3A_238 : i1
      %sub3A_239 = arith.constant 1 : i32
      %sub3A_240 = arith.subi %div3A, %sub3A_239 : i32
      %select_n3A = arith.select %and3A, %sub3A_240, %div3A : i32
      %jit3A_241 = arith.constant 8 : i32
      %eq3A_242 = arith.constant 0 : i32
      %eq3A_243 = arith.cmpi eq, %jit3A_241, %eq3A_242 : i32
      %jit3A_244 = arith.constant 1 : i32
      %select_n3A_245 = arith.select %eq3A_243, %jit3A_244, %jit3A_241 : i32
      %rem3A_246 = arith.remsi %scan3A_222, %select_n3A_245 : i32
      %ne3A_247 = arith.constant 0 : i32
      %ne3A_248 = arith.cmpi ne, %rem3A_246, %ne3A_247 : i32
      %lt3A = arith.constant 0 : i32
      %lt3A_249 = arith.cmpi slt, %rem3A_246, %lt3A : i32
      %lt3A_250 = arith.constant 0 : i32
      %lt3A_251 = arith.cmpi slt, %select_n3A_245, %lt3A_250 : i32
      %ne3A_252 = arith.xori %lt3A_249, %lt3A_251 : i1
      %and3A_253 = arith.andi %ne3A_252, %ne3A_248 : i1
      %add3A_254 = arith.addi %rem3A_246, %select_n3A_245 : i32
      %select_n3A_255 = arith.select %and3A_253, %add3A_254, %rem3A_246 : i32
      %mul3A_256 = arith.constant 16 : i32
      %mul3A_257 = arith.muli %select_n3A_255, %mul3A_256 : i32
      %swap3A = arith.index_cast %select_n3A : i32 to index
      %swap3A_258 = arith.index_cast %mul3A_257 : i32 to index
      %swap3A_259 = tpu.vector_load %arg8[%swap3A, %swap3A_258] {strides = array<i32>} : memref<50x128xf32, #tpu.memory_space<vmem>>, vector<1x16xf32>,
      %swap3A_260 = vector.shape_cast %swap3A_259 : vector<1x16xf32> to vector<16xf32>
      %swap3A_261 = vector.shape_cast %broadcast_in_dim3A_21 : vector<16xf32> to vector<1x16xf32>
      tpu.vector_store %arg8[%swap3A, %swap3A_258], %swap3A_261 {strides = array<i32>} : memref<50x128xf32, #tpu.memory_space<vmem>>, vector<1x16xf32>,
      %jit3A_262 = arith.constant 8 : i32
      %div3A_263 = arith.divsi %scan3A_222, %jit3A_262 : i32
      %sign3A_264 = arith.constant 0 : i32
      %sign3A_265 = arith.cmpi sgt, %scan3A_222, %sign3A_264 : i32
      %sign3A_266 = arith.extui %sign3A_265 : i1 to i32
      %sign3A_267 = arith.constant 0 : i32
      %sign3A_268 = arith.cmpi slt, %scan3A_222, %sign3A_267 : i32
      %sign3A_269 = arith.extui %sign3A_268 : i1 to i32
      %sign3A_270 = arith.subi %sign3A_266, %sign3A_269 : i32
      %sign3A_271 = arith.constant 0 : i32
      %sign3A_272 = arith.cmpi sgt, %jit3A_262, %sign3A_271 : i32
      %sign3A_273 = arith.extui %sign3A_272 : i1 to i32
      %sign3A_274 = arith.constant 0 : i32
      %sign3A_275 = arith.cmpi slt, %jit3A_262, %sign3A_274 : i32
      %sign3A_276 = arith.extui %sign3A_275 : i1 to i32
      %sign3A_277 = arith.subi %sign3A_273, %sign3A_276 : i32
      %ne3A_278 = arith.cmpi ne, %sign3A_270, %sign3A_277 : i32
      %rem3A_279 = arith.remsi %scan3A_222, %jit3A_262 : i32
      %ne3A_280 = arith.constant 0 : i32
      %ne3A_281 = arith.cmpi ne, %rem3A_279, %ne3A_280 : i32
      %and3A_282 = arith.andi %ne3A_278, %ne3A_281 : i1
      %sub3A_283 = arith.constant 1 : i32
      %sub3A_284 = arith.subi %div3A_263, %sub3A_283 : i32
      %select_n3A_285 = arith.select %and3A_282, %sub3A_284, %div3A_263 : i32
      %jit3A_286 = arith.constant 8 : i32
      %eq3A_287 = arith.constant 0 : i32
      %eq3A_288 = arith.cmpi eq, %jit3A_286, %eq3A_287 : i32
      %jit3A_289 = arith.constant 1 : i32
      %select_n3A_290 = arith.select %eq3A_288, %jit3A_289, %jit3A_286 : i32
      %rem3A_291 = arith.remsi %scan3A_222, %select_n3A_290 : i32
      %ne3A_292 = arith.constant 0 : i32
      %ne3A_293 = arith.cmpi ne, %rem3A_291, %ne3A_292 : i32
      %lt3A_294 = arith.constant 0 : i32
      %lt3A_295 = arith.cmpi slt, %rem3A_291, %lt3A_294 : i32
      %lt3A_296 = arith.constant 0 : i32
      %lt3A_297 = arith.cmpi slt, %select_n3A_290, %lt3A_296 : i32
      %ne3A_298 = arith.xori %lt3A_295, %lt3A_297 : i1
      %and3A_299 = arith.andi %ne3A_298, %ne3A_293 : i1
      %add3A_300 = arith.addi %rem3A_291, %select_n3A_290 : i32
      %select_n3A_301 = arith.select %and3A_299, %add3A_300, %rem3A_291 : i32
      %mul3A_302 = arith.constant 16 : i32
      %mul3A_303 = arith.muli %select_n3A_301, %mul3A_302 : i32
      %swap3A_304 = arith.index_cast %select_n3A_285 : i32 to index
      %swap3A_305 = arith.index_cast %mul3A_303 : i32 to index
      %swap3A_306 = tpu.vector_load %arg9[%swap3A_304, %swap3A_305] {strides = array<i32>} : memref<50x128xf32, #tpu.memory_space<vmem>>, vector<1x16xf32>,
      %swap3A_307 = vector.shape_cast %swap3A_306 : vector<1x16xf32> to vector<16xf32>
      %swap3A_308 = vector.shape_cast %broadcast_in_dim3A_21 : vector<16xf32> to vector<1x16xf32>
      tpu.vector_store %arg9[%swap3A_304, %swap3A_305], %swap3A_308 {strides = array<i32>} : memref<50x128xf32, #tpu.memory_space<vmem>>, vector<1x16xf32>,
      %scan3A_309 = arith.constant 0 : i32
      scf.yield %scan3A_309 : i32
    }
    %scan3A_27 = arith.constant 400 : i32
    %dma_wait3A = arith.constant 0 : i32
    %dma_wait3A_28 = arith.constant 0 : i32
    %dma_wait3A_29 = arith.constant 0 : i32
    %dma_wait3A_30 = tpu.memref_slice %arg3[%add3A, %dma_wait3A, %dma_wait3A_28, %dma_wait3A_29] : memref<32x2x100x50xi32, #tpu.memory_space<hbm>> -> memref<1x1x100x50xi32, #tpu.memory_space<hbm>>
    %dma_wait3A_31 = tpu.memref_squeeze %dma_wait3A_30 : memref<1x1x100x50xi32, #tpu.memory_space<hbm>> -> memref<100x50xi32, #tpu.memory_space<hbm>>
    %dma_wait3A_32 = arith.constant 0 : i32
    %dma_wait3A_33 = arith.constant 0 : i32
    %dma_wait3A_34 = tpu.memref_slice %arg3[%add3A, %dma_wait3A, %dma_wait3A_32, %dma_wait3A_33] : memref<32x2x100x50xi32, #tpu.memory_space<hbm>> -> memref<1x1x100x50xi32, #tpu.memory_space<hbm>>
    %dma_wait3A_35 = tpu.memref_squeeze %dma_wait3A_34 : memref<1x1x100x50xi32, #tpu.memory_space<hbm>> -> memref<100x50xi32, #tpu.memory_space<hbm>>
    tpu.wait_dma2 semaphore(%arg12 : memref<!tpu.dma_semaphore, #tpu.memory_space<semaphore_mem>>) src(%dma_wait3A_35 : memref<100x50xi32, #tpu.memory_space<hbm>>) dst(%arg6 : memref<100x50xi32, #tpu.memory_space<vmem>>)
    %dma_wait3A_36 = arith.constant 0 : i32
    %dma_wait3A_37 = arith.constant 0 : i32
    %dma_wait3A_38 = arith.constant 0 : i32
    %dma_wait3A_39 = tpu.memref_slice %arg4[%add3A, %dma_wait3A_36, %dma_wait3A_37, %dma_wait3A_38] : memref<32x2x100x50xi32, #tpu.memory_space<hbm>> -> memref<1x1x100x50xi32, #tpu.memory_space<hbm>>
    %dma_wait3A_40 = tpu.memref_squeeze %dma_wait3A_39 : memref<1x1x100x50xi32, #tpu.memory_space<hbm>> -> memref<100x50xi32, #tpu.memory_space<hbm>>
    %dma_wait3A_41 = arith.constant 0 : i32
    %dma_wait3A_42 = arith.constant 0 : i32
    %dma_wait3A_43 = tpu.memref_slice %arg4[%add3A, %dma_wait3A_36, %dma_wait3A_41, %dma_wait3A_42] : memref<32x2x100x50xi32, #tpu.memory_space<hbm>> -> memref<1x1x100x50xi32, #tpu.memory_space<hbm>>
    %dma_wait3A_44 = tpu.memref_squeeze %dma_wait3A_43 : memref<1x1x100x50xi32, #tpu.memory_space<hbm>> -> memref<100x50xi32, #tpu.memory_space<hbm>>
    tpu.wait_dma2 semaphore(%arg12 : memref<!tpu.dma_semaphore, #tpu.memory_space<semaphore_mem>>) src(%dma_wait3A_44 : memref<100x50xi32, #tpu.memory_space<hbm>>) dst(%arg7 : memref<100x50xi32, #tpu.memory_space<vmem>>)
    %add3A_45 = arith.constant 0 : i32
    %add3A_46 = arith.addi %mul3A_2, %add3A_45 : i32
    %dma_start3A_47 = arith.constant 0 : i32
    %dma_start3A_48 = tpu.memref_slice %arg13[%add3A_46, %dma_start3A_47] : memref<10000x128xf32, #tpu.memory_space<vmem_shared>> -> memref<50x128xf32, #tpu.memory_space<vmem_shared>>
    %dma_start3A_49 = arith.constant 0 : i32
    %dma_start3A_50 = tpu.memref_slice %arg13[%add3A_46, %dma_start3A_49] : memref<10000x128xf32, #tpu.memory_space<vmem_shared>> -> memref<50x128xf32, #tpu.memory_space<vmem_shared>>
    tpu.enqueue_dma source(%arg8 : memref<50x128xf32, #tpu.memory_space<vmem>>) target(%dma_start3A_50 : memref<50x128xf32, #tpu.memory_space<vmem_shared>>) target_semaphore(%arg12 : memref<!tpu.dma_semaphore, #tpu.memory_space<semaphore_mem>>)
    %add3A_51 = arith.constant 50 : i32
    %add3A_52 = arith.addi %mul3A_2, %add3A_51 : i32
    %dma_start3A_53 = arith.constant 0 : i32
    %dma_start3A_54 = tpu.memref_slice %arg13[%add3A_52, %dma_start3A_53] : memref<10000x128xf32, #tpu.memory_space<vmem_shared>> -> memref<50x128xf32, #tpu.memory_space<vmem_shared>>
    %dma_start3A_55 = arith.constant 0 : i32
    %dma_start3A_56 = tpu.memref_slice %arg13[%add3A_52, %dma_start3A_55] : memref<10000x128xf32, #tpu.memory_space<vmem_shared>> -> memref<50x128xf32, #tpu.memory_space<vmem_shared>>
    tpu.enqueue_dma source(%arg9 : memref<50x128xf32, #tpu.memory_space<vmem>>) target(%dma_start3A_56 : memref<50x128xf32, #tpu.memory_space<vmem_shared>>) target_semaphore(%arg12 : memref<!tpu.dma_semaphore, #tpu.memory_space<semaphore_mem>>)
    %add3A_57 = arith.constant 100 : i32
    %add3A_58 = arith.addi %mul3A_2, %add3A_57 : i32
    %dma_start3A_59 = arith.constant 0 : i32
    %dma_start3A_60 = tpu.memref_slice %arg13[%add3A_58, %dma_start3A_59] : memref<10000x128xf32, #tpu.memory_space<vmem_shared>> -> memref<50x128xf32, #tpu.memory_space<vmem_shared>>
    %dma_start3A_61 = arith.constant 0 : i32
    %dma_start3A_62 = tpu.memref_slice %arg13[%add3A_58, %dma_start3A_61] : memref<10000x128xf32, #tpu.memory_space<vmem_shared>> -> memref<50x128xf32, #tpu.memory_space<vmem_shared>>
    tpu.enqueue_dma source(%arg8 : memref<50x128xf32, #tpu.memory_space<vmem>>) target(%dma_start3A_62 : memref<50x128xf32, #tpu.memory_space<vmem_shared>>) target_semaphore(%arg12 : memref<!tpu.dma_semaphore, #tpu.memory_space<semaphore_mem>>)
    %add3A_63 = arith.constant 150 : i32
    %add3A_64 = arith.addi %mul3A_2, %add3A_63 : i32
    %dma_start3A_65 = arith.constant 0 : i32
    %dma_start3A_66 = tpu.memref_slice %arg13[%add3A_64, %dma_start3A_65] : memref<10000x128xf32, #tpu.memory_space<vmem_shared>> -> memref<50x128xf32, #tpu.memory_space<vmem_shared>>
    %dma_start3A_67 = arith.constant 0 : i32
    %dma_start3A_68 = tpu.memref_slice %arg13[%add3A_64, %dma_start3A_67] : memref<10000x128xf32, #tpu.memory_space<vmem_shared>> -> memref<50x128xf32, #tpu.memory_space<vmem_shared>>
    tpu.enqueue_dma source(%arg9 : memref<50x128xf32, #tpu.memory_space<vmem>>) target(%dma_start3A_68 : memref<50x128xf32, #tpu.memory_space<vmem_shared>>) target_semaphore(%arg12 : memref<!tpu.dma_semaphore, #tpu.memory_space<semaphore_mem>>)
    %add3A_69 = arith.constant 200 : i32
    %add3A_70 = arith.addi %mul3A_2, %add3A_69 : i32
    %dma_start3A_71 = arith.constant 0 : i32
    %dma_start3A_72 = tpu.memref_slice %arg13[%add3A_70, %dma_start3A_71] : memref<10000x128xf32, #tpu.memory_space<vmem_shared>> -> memref<50x128xf32, #tpu.memory_space<vmem_shared>>
    %dma_start3A_73 = arith.constant 0 : i32
    %dma_start3A_74 = tpu.memref_slice %arg13[%add3A_70, %dma_start3A_73] : memref<10000x128xf32, #tpu.memory_space<vmem_shared>> -> memref<50x128xf32, #tpu.memory_space<vmem_shared>>
    tpu.enqueue_dma source(%arg8 : memref<50x128xf32, #tpu.memory_space<vmem>>) target(%dma_start3A_74 : memref<50x128xf32, #tpu.memory_space<vmem_shared>>) target_semaphore(%arg12 : memref<!tpu.dma_semaphore, #tpu.memory_space<semaphore_mem>>)
    %add3A_75 = arith.constant 250 : i32
    %add3A_76 = arith.addi %mul3A_2, %add3A_75 : i32
    %dma_start3A_77 = arith.constant 0 : i32
    %dma_start3A_78 = tpu.memref_slice %arg13[%add3A_76, %dma_start3A_77] : memref<10000x128xf32, #tpu.memory_space<vmem_shared>> -> memref<50x128xf32, #tpu.memory_space<vmem_shared>>
    %dma_start3A_79 = arith.constant 0 : i32
    %dma_start3A_80 = tpu.memref_slice %arg13[%add3A_76, %dma_start3A_79] : memref<10000x128xf32, #tpu.memory_space<vmem_shared>> -> memref<50x128xf32, #tpu.memory_space<vmem_shared>>
    tpu.enqueue_dma source(%arg9 : memref<50x128xf32, #tpu.memory_space<vmem>>) target(%dma_start3A_80 : memref<50x128xf32, #tpu.memory_space<vmem_shared>>) target_semaphore(%arg12 : memref<!tpu.dma_semaphore, #tpu.memory_space<semaphore_mem>>)
    %add3A_81 = arith.constant 300 : i32
    %add3A_82 = arith.addi %mul3A_2, %add3A_81 : i32
    %dma_start3A_83 = arith.constant 0 : i32
    %dma_start3A_84 = tpu.memref_slice %arg13[%add3A_82, %dma_start3A_83] : memref<10000x128xf32, #tpu.memory_space<vmem_shared>> -> memref<50x128xf32, #tpu.memory_space<vmem_shared>>
    %dma_start3A_85 = arith.constant 0 : i32
    %dma_start3A_86 = tpu.memref_slice %arg13[%add3A_82, %dma_start3A_85] : memref<10000x128xf32, #tpu.memory_space<vmem_shared>> -> memref<50x128xf32, #tpu.memory_space<vmem_shared>>
    tpu.enqueue_dma source(%arg8 : memref<50x128xf32, #tpu.memory_space<vmem>>) target(%dma_start3A_86 : memref<50x128xf32, #tpu.memory_space<vmem_shared>>) target_semaphore(%arg12 : memref<!tpu.dma_semaphore, #tpu.memory_space<semaphore_mem>>)
    %add3A_87 = arith.constant 350 : i32
    %add3A_88 = arith.addi %mul3A_2, %add3A_87 : i32
    %dma_start3A_89 = arith.constant 0 : i32
    %dma_start3A_90 = tpu.memref_slice %arg13[%add3A_88, %dma_start3A_89] : memref<10000x128xf32, #tpu.memory_space<vmem_shared>> -> memref<50x128xf32, #tpu.memory_space<vmem_shared>>
    %dma_start3A_91 = arith.constant 0 : i32
    %dma_start3A_92 = tpu.memref_slice %arg13[%add3A_88, %dma_start3A_91] : memref<10000x128xf32, #tpu.memory_space<vmem_shared>> -> memref<50x128xf32, #tpu.memory_space<vmem_shared>>
    tpu.enqueue_dma source(%arg9 : memref<50x128xf32, #tpu.memory_space<vmem>>) target(%dma_start3A_92 : memref<50x128xf32, #tpu.memory_space<vmem_shared>>) target_semaphore(%arg12 : memref<!tpu.dma_semaphore, #tpu.memory_space<semaphore_mem>>)
    %add3A_93 = arith.constant 400 : i32
    %add3A_94 = arith.addi %mul3A_2, %add3A_93 : i32
    %dma_start3A_95 = arith.constant 0 : i32
    %dma_start3A_96 = tpu.memref_slice %arg13[%add3A_94, %dma_start3A_95] : memref<10000x128xf32, #tpu.memory_space<vmem_shared>> -> memref<50x128xf32, #tpu.memory_space<vmem_shared>>
    %dma_start3A_97 = arith.constant 0 : i32
    %dma_start3A_98 = tpu.memref_slice %arg13[%add3A_94, %dma_start3A_97] : memref<10000x128xf32, #tpu.memory_space<vmem_shared>> -> memref<50x128xf32, #tpu.memory_space<vmem_shared>>
    tpu.enqueue_dma source(%arg8 : memref<50x128xf32, #tpu.memory_space<vmem>>) target(%dma_start3A_98 : memref<50x128xf32, #tpu.memory_space<vmem_shared>>) target_semaphore(%arg12 : memref<!tpu.dma_semaphore, #tpu.memory_space<semaphore_mem>>)
    %add3A_99 = arith.constant 450 : i32
    %add3A_100 = arith.addi %mul3A_2, %add3A_99 : i32
    %dma_start3A_101 = arith.constant 0 : i32
    %dma_start3A_102 = tpu.memref_slice %arg13[%add3A_100, %dma_start3A_101] : memref<10000x128xf32, #tpu.memory_space<vmem_shared>> -> memref<50x128xf32, #tpu.memory_space<vmem_shared>>
    %dma_start3A_103 = arith.constant 0 : i32
    %dma_start3A_104 = tpu.memref_slice %arg13[%add3A_100, %dma_start3A_103] : memref<10000x128xf32, #tpu.memory_space<vmem_shared>> -> memref<50x128xf32, #tpu.memory_space<vmem_shared>>
    tpu.enqueue_dma source(%arg9 : memref<50x128xf32, #tpu.memory_space<vmem>>) target(%dma_start3A_104 : memref<50x128xf32, #tpu.memory_space<vmem_shared>>) target_semaphore(%arg12 : memref<!tpu.dma_semaphore, #tpu.memory_space<semaphore_mem>>)
    %add3A_105 = arith.constant 500 : i32
    %add3A_106 = arith.addi %mul3A_2, %add3A_105 : i32
    %dma_start3A_107 = arith.constant 0 : i32
    %dma_start3A_108 = tpu.memref_slice %arg13[%add3A_106, %dma_start3A_107] : memref<10000x128xf32, #tpu.memory_space<vmem_shared>> -> memref<50x128xf32, #tpu.memory_space<vmem_shared>>
    %dma_start3A_109 = arith.constant 0 : i32
    %dma_start3A_110 = tpu.memref_slice %arg13[%add3A_106, %dma_start3A_109] : memref<10000x128xf32, #tpu.memory_space<vmem_shared>> -> memref<50x128xf32, #tpu.memory_space<vmem_shared>>
    tpu.enqueue_dma source(%arg8 : memref<50x128xf32, #tpu.memory_space<vmem>>) target(%dma_start3A_110 : memref<50x128xf32, #tpu.memory_space<vmem_shared>>) target_semaphore(%arg12 : memref<!tpu.dma_semaphore, #tpu.memory_space<semaphore_mem>>)
    %add3A_111 = arith.constant 550 : i32
    %add3A_112 = arith.addi %mul3A_2, %add3A_111 : i32
    %dma_start3A_113 = arith.constant 0 : i32
    %dma_start3A_114 = tpu.memref_slice %arg13[%add3A_112, %dma_start3A_113] : memref<10000x128xf32, #tpu.memory_space<vmem_shared>> -> memref<50x128xf32, #tpu.memory_space<vmem_shared>>
    %dma_start3A_115 = arith.constant 0 : i32
    %dma_start3A_116 = tpu.memref_slice %arg13[%add3A_112, %dma_start3A_115] : memref<10000x128xf32, #tpu.memory_space<vmem_shared>> -> memref<50x128xf32, #tpu.memory_space<vmem_shared>>
    tpu.enqueue_dma source(%arg9 : memref<50x128xf32, #tpu.memory_space<vmem>>) target(%dma_start3A_116 : memref<50x128xf32, #tpu.memory_space<vmem_shared>>) target_semaphore(%arg12 : memref<!tpu.dma_semaphore, #tpu.memory_space<semaphore_mem>>)
    %add3A_117 = arith.constant 624 : i32
    %add3A_118 = arith.addi %mul3A_2, %add3A_117 : i32
    %sub3A = arith.constant 24 : i32
    %sub3A_119 = arith.subi %add3A_118, %sub3A : i32
    %dma_start3A_120 = arith.constant 0 : i32
    %dma_start3A_121 = arith.constant 0 : i32
    %dma_start3A_122 = tpu.memref_slice %arg8[%dma_start3A_120, %dma_start3A_121] : memref<50x128xf32, #tpu.memory_space<vmem>> -> memref<24x128xf32, #tpu.memory_space<vmem>>
    %dma_start3A_123 = arith.constant 0 : i32
    %dma_start3A_124 = tpu.memref_slice %arg13[%sub3A_119, %dma_start3A_123] : memref<10000x128xf32, #tpu.memory_space<vmem_shared>> -> memref<24x128xf32, #tpu.memory_space<vmem_shared>>
    %dma_start3A_125 = arith.constant 0 : i32
    %dma_start3A_126 = tpu.memref_slice %arg13[%sub3A_119, %dma_start3A_125] : memref<10000x128xf32, #tpu.memory_space<vmem_shared>> -> memref<24x128xf32, #tpu.memory_space<vmem_shared>>
    %dma_start3A_127 = arith.constant 0 : i32
    %dma_start3A_128 = arith.constant 0 : i32
    %dma_start3A_129 = tpu.memref_slice %arg8[%dma_start3A_127, %dma_start3A_128] : memref<50x128xf32, #tpu.memory_space<vmem>> -> memref<24x128xf32, #tpu.memory_space<vmem>>
    tpu.enqueue_dma source(%dma_start3A_129 : memref<24x128xf32, #tpu.memory_space<vmem>>) target(%dma_start3A_126 : memref<24x128xf32, #tpu.memory_space<vmem_shared>>) target_semaphore(%arg12 : memref<!tpu.dma_semaphore, #tpu.memory_space<semaphore_mem>>)
    %convert_element_type3A = arith.extui %eq3A_3 : i1 to i32
    %cond3A = arith.constant 0 : i32
    %cond3A_130 = arith.cmpi ne, %convert_element_type3A, %cond3A : i32
    scf.if %cond3A_130 {
      "tpu.region"() ({
        %run_scoped3A_222 = tpu.sem_alloc : memref<!tpu.dma_semaphore, #tpu.memory_space<semaphore_mem>>
        %dma_start3A_223 = arith.constant 0 : i32
        %dma_start3A_224 = arith.constant 0 : i32
        %dma_start3A_225 = tpu.memref_slice %arg9[%dma_start3A_223, %dma_start3A_224] : memref<50x128xf32, #tpu.memory_space<vmem>> -> memref<16x128xf32, #tpu.memory_space<vmem>>
        %dma_start3A_226 = arith.constant 9984 : i32
        %dma_start3A_227 = arith.constant 0 : i32
        %dma_start3A_228 = tpu.memref_slice %arg13[%dma_start3A_226, %dma_start3A_227] : memref<10000x128xf32, #tpu.memory_space<vmem_shared>> -> memref<16x128xf32, #tpu.memory_space<vmem_shared>>
        %dma_start3A_229 = arith.constant 9984 : i32
        %dma_start3A_230 = arith.constant 0 : i32
        %dma_start3A_231 = tpu.memref_slice %arg13[%dma_start3A_229, %dma_start3A_230] : memref<10000x128xf32, #tpu.memory_space<vmem_shared>> -> memref<16x128xf32, #tpu.memory_space<vmem_shared>>
        %dma_start3A_232 = arith.constant 0 : i32
        %dma_start3A_233 = arith.constant 0 : i32
        %dma_start3A_234 = tpu.memref_slice %arg9[%dma_start3A_232, %dma_start3A_233] : memref<50x128xf32, #tpu.memory_space<vmem>> -> memref<16x128xf32, #tpu.memory_space<vmem>>
        tpu.enqueue_dma source(%dma_start3A_234 : memref<16x128xf32, #tpu.memory_space<vmem>>) target(%dma_start3A_231 : memref<16x128xf32, #tpu.memory_space<vmem_shared>>) target_semaphore(%run_scoped3A_222 : memref<!tpu.dma_semaphore, #tpu.memory_space<semaphore_mem>>)
        %dma_wait3A_235 = arith.constant 0 : i32
        %dma_wait3A_236 = arith.constant 0 : i32
        %dma_wait3A_237 = tpu.memref_slice %arg9[%dma_wait3A_235, %dma_wait3A_236] : memref<50x128xf32, #tpu.memory_space<vmem>> -> memref<16x128xf32, #tpu.memory_space<vmem>>
        %dma_wait3A_238 = arith.constant 9984 : i32
        %dma_wait3A_239 = arith.constant 0 : i32
        %dma_wait3A_240 = tpu.memref_slice %arg13[%dma_wait3A_238, %dma_wait3A_239] : memref<10000x128xf32, #tpu.memory_space<vmem_shared>> -> memref<16x128xf32, #tpu.memory_space<vmem_shared>>
        %dma_wait3A_241 = arith.constant 9984 : i32
        %dma_wait3A_242 = arith.constant 0 : i32
        %dma_wait3A_243 = tpu.memref_slice %arg13[%dma_wait3A_241, %dma_wait3A_242] : memref<10000x128xf32, #tpu.memory_space<vmem_shared>> -> memref<16x128xf32, #tpu.memory_space<vmem_shared>>
        %dma_wait3A_244 = arith.constant 0 : i32
        %dma_wait3A_245 = arith.constant 0 : i32
        %dma_wait3A_246 = tpu.memref_slice %arg9[%dma_wait3A_244, %dma_wait3A_245] : memref<50x128xf32, #tpu.memory_space<vmem>> -> memref<16x128xf32, #tpu.memory_space<vmem>>
        tpu.wait_dma2 semaphore(%run_scoped3A_222 : memref<!tpu.dma_semaphore, #tpu.memory_space<semaphore_mem>>) src(%dma_wait3A_246 : memref<16x128xf32, #tpu.memory_space<vmem>>) dst(%dma_wait3A_243 : memref<16x128xf32, #tpu.memory_space<vmem_shared>>)
        tpu.yield
      }) : () -> ()
    } else {
    }
    %dma_wait3A_131 = arith.constant 0 : i32
    %dma_wait3A_132 = tpu.memref_slice %arg13[%mul3A_2, %dma_wait3A_131] : memref<10000x128xf32, #tpu.memory_space<vmem_shared>> -> memref<50x128xf32, #tpu.memory_space<vmem_shared>>
    %dma_wait3A_133 = arith.constant 0 : i32
    %dma_wait3A_134 = tpu.memref_slice %arg13[%mul3A_2, %dma_wait3A_133] : memref<10000x128xf32, #tpu.memory_space<vmem_shared>> -> memref<50x128xf32, #tpu.memory_space<vmem_shared>>
    tpu.wait_dma2 semaphore(%arg12 : memref<!tpu.dma_semaphore, #tpu.memory_space<semaphore_mem>>) src(%arg8 : memref<50x128xf32, #tpu.memory_space<vmem>>) dst(%dma_wait3A_134 : memref<50x128xf32, #tpu.memory_space<vmem_shared>>)
    %dma_wait3A_135 = arith.constant 0 : i32
    %dma_wait3A_136 = tpu.memref_slice %arg13[%mul3A_2, %dma_wait3A_135] : memref<10000x128xf32, #tpu.memory_space<vmem_shared>> -> memref<50x128xf32, #tpu.memory_space<vmem_shared>>
    %dma_wait3A_137 = arith.constant 0 : i32
    %dma_wait3A_138 = tpu.memref_slice %arg13[%mul3A_2, %dma_wait3A_137] : memref<10000x128xf32, #tpu.memory_space<vmem_shared>> -> memref<50x128xf32, #tpu.memory_space<vmem_shared>>
    tpu.wait_dma2 semaphore(%arg12 : memref<!tpu.dma_semaphore, #tpu.memory_space<semaphore_mem>>) src(%arg9 : memref<50x128xf32, #tpu.memory_space<vmem>>) dst(%dma_wait3A_138 : memref<50x128xf32, #tpu.memory_space<vmem_shared>>)
    %dma_wait3A_139 = arith.constant 0 : i32
    %dma_wait3A_140 = tpu.memref_slice %arg13[%mul3A_2, %dma_wait3A_139] : memref<10000x128xf32, #tpu.memory_space<vmem_shared>> -> memref<50x128xf32, #tpu.memory_space<vmem_shared>>
    %dma_wait3A_141 = arith.constant 0 : i32
    %dma_wait3A_142 = tpu.memref_slice %arg13[%mul3A_2, %dma_wait3A_141] : memref<10000x128xf32, #tpu.memory_space<vmem_shared>> -> memref<50x128xf32, #tpu.memory_space<vmem_shared>>
    tpu.wait_dma2 semaphore(%arg12 : memref<!tpu.dma_semaphore, #tpu.memory_space<semaphore_mem>>) src(%arg8 : memref<50x128xf32, #tpu.memory_space<vmem>>) dst(%dma_wait3A_142 : memref<50x128xf32, #tpu.memory_space<vmem_shared>>)
    %dma_wait3A_143 = arith.constant 0 : i32
    %dma_wait3A_144 = tpu.memref_slice %arg13[%mul3A_2, %dma_wait3A_143] : memref<10000x128xf32, #tpu.memory_space<vmem_shared>> -> memref<50x128xf32, #tpu.memory_space<vmem_shared>>
    %dma_wait3A_145 = arith.constant 0 : i32
    %dma_wait3A_146 = tpu.memref_slice %arg13[%mul3A_2, %dma_wait3A_145] : memref<10000x128xf32, #tpu.memory_space<vmem_shared>> -> memref<50x128xf32, #tpu.memory_space<vmem_shared>>
    tpu.wait_dma2 semaphore(%arg12 : memref<!tpu.dma_semaphore, #tpu.memory_space<semaphore_mem>>) src(%arg9 : memref<50x128xf32, #tpu.memory_space<vmem>>) dst(%dma_wait3A_146 : memref<50x128xf32, #tpu.memory_space<vmem_shared>>)
    %dma_wait3A_147 = arith.constant 0 : i32
    %dma_wait3A_148 = tpu.memref_slice %arg13[%mul3A_2, %dma_wait3A_147] : memref<10000x128xf32, #tpu.memory_space<vmem_shared>> -> memref<50x128xf32, #tpu.memory_space<vmem_shared>>
    %dma_wait3A_149 = arith.constant 0 : i32
    %dma_wait3A_150 = tpu.memref_slice %arg13[%mul3A_2, %dma_wait3A_149] : memref<10000x128xf32, #tpu.memory_space<vmem_shared>> -> memref<50x128xf32, #tpu.memory_space<vmem_shared>>
    tpu.wait_dma2 semaphore(%arg12 : memref<!tpu.dma_semaphore, #tpu.memory_space<semaphore_mem>>) src(%arg8 : memref<50x128xf32, #tpu.memory_space<vmem>>) dst(%dma_wait3A_150 : memref<50x128xf32, #tpu.memory_space<vmem_shared>>)
    %dma_wait3A_151 = arith.constant 0 : i32
    %dma_wait3A_152 = tpu.memref_slice %arg13[%mul3A_2, %dma_wait3A_151] : memref<10000x128xf32, #tpu.memory_space<vmem_shared>> -> memref<50x128xf32, #tpu.memory_space<vmem_shared>>
    %dma_wait3A_153 = arith.constant 0 : i32
    %dma_wait3A_154 = tpu.memref_slice %arg13[%mul3A_2, %dma_wait3A_153] : memref<10000x128xf32, #tpu.memory_space<vmem_shared>> -> memref<50x128xf32, #tpu.memory_space<vmem_shared>>
    tpu.wait_dma2 semaphore(%arg12 : memref<!tpu.dma_semaphore, #tpu.memory_space<semaphore_mem>>) src(%arg9 : memref<50x128xf32, #tpu.memory_space<vmem>>) dst(%dma_wait3A_154 : memref<50x128xf32, #tpu.memory_space<vmem_shared>>)
    %dma_wait3A_155 = arith.constant 0 : i32
    %dma_wait3A_156 = tpu.memref_slice %arg13[%mul3A_2, %dma_wait3A_155] : memref<10000x128xf32, #tpu.memory_space<vmem_shared>> -> memref<50x128xf32, #tpu.memory_space<vmem_shared>>
    %dma_wait3A_157 = arith.constant 0 : i32
    %dma_wait3A_158 = tpu.memref_slice %arg13[%mul3A_2, %dma_wait3A_157] : memref<10000x128xf32, #tpu.memory_space<vmem_shared>> -> memref<50x128xf32, #tpu.memory_space<vmem_shared>>
    tpu.wait_dma2 semaphore(%arg12 : memref<!tpu.dma_semaphore, #tpu.memory_space<semaphore_mem>>) src(%arg8 : memref<50x128xf32, #tpu.memory_space<vmem>>) dst(%dma_wait3A_158 : memref<50x128xf32, #tpu.memory_space<vmem_shared>>)
    %dma_wait3A_159 = arith.constant 0 : i32
    %dma_wait3A_160 = tpu.memref_slice %arg13[%mul3A_2, %dma_wait3A_159] : memref<10000x128xf32, #tpu.memory_space<vmem_shared>> -> memref<50x128xf32, #tpu.memory_space<vmem_shared>>
    %dma_wait3A_161 = arith.constant 0 : i32
    %dma_wait3A_162 = tpu.memref_slice %arg13[%mul3A_2, %dma_wait3A_161] : memref<10000x128xf32, #tpu.memory_space<vmem_shared>> -> memref<50x128xf32, #tpu.memory_space<vmem_shared>>
    tpu.wait_dma2 semaphore(%arg12 : memref<!tpu.dma_semaphore, #tpu.memory_space<semaphore_mem>>) src(%arg9 : memref<50x128xf32, #tpu.memory_space<vmem>>) dst(%dma_wait3A_162 : memref<50x128xf32, #tpu.memory_space<vmem_shared>>)
    %dma_wait3A_163 = arith.constant 0 : i32
    %dma_wait3A_164 = tpu.memref_slice %arg13[%mul3A_2, %dma_wait3A_163] : memref<10000x128xf32, #tpu.memory_space<vmem_shared>> -> memref<50x128xf32, #tpu.memory_space<vmem_shared>>
    %dma_wait3A_165 = arith.constant 0 : i32
    %dma_wait3A_166 = tpu.memref_slice %arg13[%mul3A_2, %dma_wait3A_165] : memref<10000x128xf32, #tpu.memory_space<vmem_shared>> -> memref<50x128xf32, #tpu.memory_space<vmem_shared>>
    tpu.wait_dma2 semaphore(%arg12 : memref<!tpu.dma_semaphore, #tpu.memory_space<semaphore_mem>>) src(%arg8 : memref<50x128xf32, #tpu.memory_space<vmem>>) dst(%dma_wait3A_166 : memref<50x128xf32, #tpu.memory_space<vmem_shared>>)
    %dma_wait3A_167 = arith.constant 0 : i32
    %dma_wait3A_168 = tpu.memref_slice %arg13[%mul3A_2, %dma_wait3A_167] : memref<10000x128xf32, #tpu.memory_space<vmem_shared>> -> memref<50x128xf32, #tpu.memory_space<vmem_shared>>
    %dma_wait3A_169 = arith.constant 0 : i32
    %dma_wait3A_170 = tpu.memref_slice %arg13[%mul3A_2, %dma_wait3A_169] : memref<10000x128xf32, #tpu.memory_space<vmem_shared>> -> memref<50x128xf32, #tpu.memory_space<vmem_shared>>
    tpu.wait_dma2 semaphore(%arg12 : memref<!tpu.dma_semaphore, #tpu.memory_space<semaphore_mem>>) src(%arg9 : memref<50x128xf32, #tpu.memory_space<vmem>>) dst(%dma_wait3A_170 : memref<50x128xf32, #tpu.memory_space<vmem_shared>>)
    %dma_wait3A_171 = arith.constant 0 : i32
    %dma_wait3A_172 = tpu.memref_slice %arg13[%mul3A_2, %dma_wait3A_171] : memref<10000x128xf32, #tpu.memory_space<vmem_shared>> -> memref<50x128xf32, #tpu.memory_space<vmem_shared>>
    %dma_wait3A_173 = arith.constant 0 : i32
    %dma_wait3A_174 = tpu.memref_slice %arg13[%mul3A_2, %dma_wait3A_173] : memref<10000x128xf32, #tpu.memory_space<vmem_shared>> -> memref<50x128xf32, #tpu.memory_space<vmem_shared>>
    tpu.wait_dma2 semaphore(%arg12 : memref<!tpu.dma_semaphore, #tpu.memory_space<semaphore_mem>>) src(%arg8 : memref<50x128xf32, #tpu.memory_space<vmem>>) dst(%dma_wait3A_174 : memref<50x128xf32, #tpu.memory_space<vmem_shared>>)
    %dma_wait3A_175 = arith.constant 0 : i32
    %dma_wait3A_176 = tpu.memref_slice %arg13[%mul3A_2, %dma_wait3A_175] : memref<10000x128xf32, #tpu.memory_space<vmem_shared>> -> memref<50x128xf32, #tpu.memory_space<vmem_shared>>
    %dma_wait3A_177 = arith.constant 0 : i32
    %dma_wait3A_178 = tpu.memref_slice %arg13[%mul3A_2, %dma_wait3A_177] : memref<10000x128xf32, #tpu.memory_space<vmem_shared>> -> memref<50x128xf32, #tpu.memory_space<vmem_shared>>
    tpu.wait_dma2 semaphore(%arg12 : memref<!tpu.dma_semaphore, #tpu.memory_space<semaphore_mem>>) src(%arg9 : memref<50x128xf32, #tpu.memory_space<vmem>>) dst(%dma_wait3A_178 : memref<50x128xf32, #tpu.memory_space<vmem_shared>>)
    %dma_wait3A_179 = arith.constant 0 : i32
    %dma_wait3A_180 = arith.constant 0 : i32
    %dma_wait3A_181 = tpu.memref_slice %arg8[%dma_wait3A_179, %dma_wait3A_180] : memref<50x128xf32, #tpu.memory_space<vmem>> -> memref<24x128xf32, #tpu.memory_space<vmem>>
    %dma_wait3A_182 = arith.constant 0 : i32
    %dma_wait3A_183 = tpu.memref_slice %arg13[%mul3A_2, %dma_wait3A_182] : memref<10000x128xf32, #tpu.memory_space<vmem_shared>> -> memref<24x128xf32, #tpu.memory_space<vmem_shared>>
    %dma_wait3A_184 = arith.constant 0 : i32
    %dma_wait3A_185 = tpu.memref_slice %arg13[%mul3A_2, %dma_wait3A_184] : memref<10000x128xf32, #tpu.memory_space<vmem_shared>> -> memref<24x128xf32, #tpu.memory_space<vmem_shared>>
    %dma_wait3A_186 = arith.constant 0 : i32
    %dma_wait3A_187 = arith.constant 0 : i32
    %dma_wait3A_188 = tpu.memref_slice %arg8[%dma_wait3A_186, %dma_wait3A_187] : memref<50x128xf32, #tpu.memory_space<vmem>> -> memref<24x128xf32, #tpu.memory_space<vmem>>
    tpu.wait_dma2 semaphore(%arg12 : memref<!tpu.dma_semaphore, #tpu.memory_space<semaphore_mem>>) src(%dma_wait3A_188 : memref<24x128xf32, #tpu.memory_space<vmem>>) dst(%dma_wait3A_185 : memref<24x128xf32, #tpu.memory_space<vmem_shared>>)
    %dma_start3A_189 = arith.constant 0 : i32
    %dma_start3A_190 = arith.constant 0 : i32
    %dma_start3A_191 = tpu.memref_slice %arg6[%dma_start3A_189, %dma_start3A_190] : memref<100x50xi32, #tpu.memory_space<vmem>> -> memref<1x50xi32, #tpu.memory_space<vmem>>
    %dma_start3A_192 = tpu.memref_squeeze %dma_start3A_191 : memref<1x50xi32, #tpu.memory_space<vmem>> -> memref<50xi32, #tpu.memory_space<vmem>>
    %dma_start3A_193 = arith.constant 0 : i32
    %dma_start3A_194 = arith.constant 0 : i32
    %dma_start3A_195 = tpu.memref_slice %arg2[%dma_start3A_193, %dma_start3A_194] : memref<10000x128xf32, #tpu.memory_space<hbm>> -> memref<10000x128xf32, #tpu.memory_space<hbm>>
    tpu.enqueue_indirect_dma source(%dma_start3A_195 : memref<10000x128xf32, #tpu.memory_space<hbm>>) target(%arg8 : memref<50x128xf32, #tpu.memory_space<vmem>>) offsets(%dma_start3A_192 : memref<50xi32, #tpu.memory_space<vmem>>) semaphore(%arg10 : memref<!tpu.dma_semaphore, #tpu.memory_space<semaphore_mem>>)
    %barrier3A = arith.constant 0 : index
    tpu.barrier barrier_id(%barrier3A)
    %scan3A_196 = arith.constant 0 : i32
    %scan3A_197 = arith.constant 0 : i32
    %scan3A_198 = arith.constant 50 : i32
    %scan3A_199 = arith.addi %scan3A_197, %scan3A_198 : i32
    %scan3A_200 = arith.constant 1 : i32
    %scan3A_201 = scf.for %scan3A_222 = %scan3A_197 to %scan3A_199 step %scan3A_200 iter_args(%scan3A_223 = %scan3A_196) -> (i32)  : i32 {
      %mul3A_224 = arith.constant 2 : i32
      %mul3A_225 = arith.muli %scan3A_222, %mul3A_224 : i32
      %add3A_226 = arith.constant 1 : i32
      %add3A_227 = arith.addi %mul3A_225, %add3A_226 : i32
      %dma_start3A_228 = arith.constant 0 : i32
      %dma_start3A_229 = tpu.memref_slice %arg6[%add3A_227, %dma_start3A_228] : memref<100x50xi32, #tpu.memory_space<vmem>> -> memref<1x50xi32, #tpu.memory_space<vmem>>
      %dma_start3A_230 = tpu.memref_squeeze %dma_start3A_229 : memref<1x50xi32, #tpu.memory_space<vmem>> -> memref<50xi32, #tpu.memory_space<vmem>>
      %dma_start3A_231 = arith.constant 0 : i32
      %dma_start3A_232 = arith.constant 0 : i32
      %dma_start3A_233 = tpu.memref_slice %arg2[%dma_start3A_231, %dma_start3A_232] : memref<10000x128xf32, #tpu.memory_space<hbm>> -> memref<10000x128xf32, #tpu.memory_space<hbm>>
      tpu.enqueue_indirect_dma source(%dma_start3A_233 : memref<10000x128xf32, #tpu.memory_space<hbm>>) target(%arg9 : memref<50x128xf32, #tpu.memory_space<vmem>>) offsets(%dma_start3A_230 : memref<50xi32, #tpu.memory_space<vmem>>) semaphore(%arg11 : memref<!tpu.dma_semaphore, #tpu.memory_space<semaphore_mem>>)
      %dma_wait3A_234 = arith.constant 0 : i32
      %dma_wait3A_235 = tpu.memref_slice %arg6[%mul3A_225, %dma_wait3A_234] : memref<100x50xi32, #tpu.memory_space<vmem>> -> memref<1x50xi32, #tpu.memory_space<vmem>>
      %dma_wait3A_236 = tpu.memref_squeeze %dma_wait3A_235 : memref<1x50xi32, #tpu.memory_space<vmem>> -> memref<50xi32, #tpu.memory_space<vmem>>
      %dma_wait3A_237 = arith.constant 0 : i32
      %dma_wait3A_238 = arith.constant 0 : i32
      %dma_wait3A_239 = tpu.memref_slice %arg2[%dma_wait3A_237, %dma_wait3A_238] : memref<10000x128xf32, #tpu.memory_space<hbm>> -> memref<10000x128xf32, #tpu.memory_space<hbm>>
      tpu.wait_indirect_dma semaphore(%arg10 : memref<!tpu.dma_semaphore, #tpu.memory_space<semaphore_mem>>) src(%dma_wait3A_239 : memref<10000x128xf32, #tpu.memory_space<hbm>>) dst(%arg8 : memref<50x128xf32, #tpu.memory_space<vmem>>)
      "tpu.region"() ({
        %run_scoped3A_255 = tpu.sem_alloc : memref<!tpu.dma_semaphore, #tpu.memory_space<semaphore_mem>>
        %dma_start3A_256 = arith.constant 0 : i32
        %dma_start3A_257 = tpu.memref_slice %arg7[%mul3A_225, %dma_start3A_256] : memref<100x50xi32, #tpu.memory_space<vmem>> -> memref<1x50xi32, #tpu.memory_space<vmem>>
        %dma_start3A_258 = tpu.memref_squeeze %dma_start3A_257 : memref<1x50xi32, #tpu.memory_space<vmem>> -> memref<50xi32, #tpu.memory_space<vmem>>
        %dma_start3A_259 = arith.constant 0 : i32
        %dma_start3A_260 = arith.constant 0 : i32
        %dma_start3A_261 = tpu.memref_slice %arg13[%dma_start3A_259, %dma_start3A_260] : memref<10000x128xf32, #tpu.memory_space<vmem_shared>> -> memref<10000x128xf32, #tpu.memory_space<vmem_shared>>
        tpu.enqueue_indirect_dma source(%arg8 : memref<50x128xf32, #tpu.memory_space<vmem>>) target(%dma_start3A_261 : memref<10000x128xf32, #tpu.memory_space<vmem_shared>>) offsets(%dma_start3A_258 : memref<50xi32, #tpu.memory_space<vmem>>) semaphore(%run_scoped3A_255 : memref<!tpu.dma_semaphore, #tpu.memory_space<semaphore_mem>>) {add = true}
        %dma_wait3A_262 = arith.constant 0 : i32
        %dma_wait3A_263 = tpu.memref_slice %arg7[%mul3A_225, %dma_wait3A_262] : memref<100x50xi32, #tpu.memory_space<vmem>> -> memref<1x50xi32, #tpu.memory_space<vmem>>
        %dma_wait3A_264 = tpu.memref_squeeze %dma_wait3A_263 : memref<1x50xi32, #tpu.memory_space<vmem>> -> memref<50xi32, #tpu.memory_space<vmem>>
        %dma_wait3A_265 = arith.constant 0 : i32
        %dma_wait3A_266 = arith.constant 0 : i32
        %dma_wait3A_267 = tpu.memref_slice %arg13[%dma_wait3A_265, %dma_wait3A_266] : memref<10000x128xf32, #tpu.memory_space<vmem_shared>> -> memref<10000x128xf32, #tpu.memory_space<vmem_shared>>
        tpu.wait_indirect_dma semaphore(%run_scoped3A_255 : memref<!tpu.dma_semaphore, #tpu.memory_space<semaphore_mem>>) src(%arg8 : memref<50x128xf32, #tpu.memory_space<vmem>>) dst(%dma_wait3A_267 : memref<10000x128xf32, #tpu.memory_space<vmem_shared>>)
        tpu.yield
      }) : () -> ()
      %lt3A = arith.constant 49 : i32
      %lt3A_240 = arith.cmpi slt, %scan3A_222, %lt3A : i32
      %convert_element_type3A_241 = arith.extui %lt3A_240 : i1 to i32
      %cond3A_242 = arith.constant 0 : i32
      %cond3A_243 = arith.cmpi ne, %convert_element_type3A_241, %cond3A_242 : i32
      scf.if %cond3A_243 {
        %add3A_255 = arith.constant 2 : i32
        %add3A_256 = arith.addi %mul3A_225, %add3A_255 : i32
        %dma_start3A_257 = arith.constant 0 : i32
        %dma_start3A_258 = tpu.memref_slice %arg6[%add3A_256, %dma_start3A_257] : memref<100x50xi32, #tpu.memory_space<vmem>> -> memref<1x50xi32, #tpu.memory_space<vmem>>
        %dma_start3A_259 = tpu.memref_squeeze %dma_start3A_258 : memref<1x50xi32, #tpu.memory_space<vmem>> -> memref<50xi32, #tpu.memory_space<vmem>>
        %dma_start3A_260 = arith.constant 0 : i32
        %dma_start3A_261 = arith.constant 0 : i32
        %dma_start3A_262 = tpu.memref_slice %arg2[%dma_start3A_260, %dma_start3A_261] : memref<10000x128xf32, #tpu.memory_space<hbm>> -> memref<10000x128xf32, #tpu.memory_space<hbm>>
        tpu.enqueue_indirect_dma source(%dma_start3A_262 : memref<10000x128xf32, #tpu.memory_space<hbm>>) target(%arg8 : memref<50x128xf32, #tpu.memory_space<vmem>>) offsets(%dma_start3A_259 : memref<50xi32, #tpu.memory_space<vmem>>) semaphore(%arg10 : memref<!tpu.dma_semaphore, #tpu.memory_space<semaphore_mem>>)
      } else {
      }
      %add3A_244 = arith.constant 1 : i32
      %add3A_245 = arith.addi %mul3A_225, %add3A_244 : i32
      %dma_wait3A_246 = arith.constant 0 : i32
      %dma_wait3A_247 = tpu.memref_slice %arg6[%add3A_245, %dma_wait3A_246] : memref<100x50xi32, #tpu.memory_space<vmem>> -> memref<1x50xi32, #tpu.memory_space<vmem>>
      %dma_wait3A_248 = tpu.memref_squeeze %dma_wait3A_247 : memref<1x50xi32, #tpu.memory_space<vmem>> -> memref<50xi32, #tpu.memory_space<vmem>>
      %dma_wait3A_249 = arith.constant 0 : i32
      %dma_wait3A_250 = arith.constant 0 : i32
      %dma_wait3A_251 = tpu.memref_slice %arg2[%dma_wait3A_249, %dma_wait3A_250] : memref<10000x128xf32, #tpu.memory_space<hbm>> -> memref<10000x128xf32, #tpu.memory_space<hbm>>
      tpu.wait_indirect_dma semaphore(%arg11 : memref<!tpu.dma_semaphore, #tpu.memory_space<semaphore_mem>>) src(%dma_wait3A_251 : memref<10000x128xf32, #tpu.memory_space<hbm>>) dst(%arg9 : memref<50x128xf32, #tpu.memory_space<vmem>>)
      %add3A_252 = arith.constant 1 : i32
      %add3A_253 = arith.addi %mul3A_225, %add3A_252 : i32
      "tpu.region"() ({
        %run_scoped3A_255 = tpu.sem_alloc : memref<!tpu.dma_semaphore, #tpu.memory_space<semaphore_mem>>
        %dma_start3A_256 = arith.constant 0 : i32
        %dma_start3A_257 = tpu.memref_slice %arg7[%add3A_253, %dma_start3A_256] : memref<100x50xi32, #tpu.memory_space<vmem>> -> memref<1x50xi32, #tpu.memory_space<vmem>>
        %dma_start3A_258 = tpu.memref_squeeze %dma_start3A_257 : memref<1x50xi32, #tpu.memory_space<vmem>> -> memref<50xi32, #tpu.memory_space<vmem>>
        %dma_start3A_259 = arith.constant 0 : i32
        %dma_start3A_260 = arith.constant 0 : i32
        %dma_start3A_261 = tpu.memref_slice %arg13[%dma_start3A_259, %dma_start3A_260] : memref<10000x128xf32, #tpu.memory_space<vmem_shared>> -> memref<10000x128xf32, #tpu.memory_space<vmem_shared>>
        tpu.enqueue_indirect_dma source(%arg9 : memref<50x128xf32, #tpu.memory_space<vmem>>) target(%dma_start3A_261 : memref<10000x128xf32, #tpu.memory_space<vmem_shared>>) offsets(%dma_start3A_258 : memref<50xi32, #tpu.memory_space<vmem>>) semaphore(%run_scoped3A_255 : memref<!tpu.dma_semaphore, #tpu.memory_space<semaphore_mem>>) {add = true}
        %dma_wait3A_262 = arith.constant 0 : i32
        %dma_wait3A_263 = tpu.memref_slice %arg7[%add3A_253, %dma_wait3A_262] : memref<100x50xi32, #tpu.memory_space<vmem>> -> memref<1x50xi32, #tpu.memory_space<vmem>>
        %dma_wait3A_264 = tpu.memref_squeeze %dma_wait3A_263 : memref<1x50xi32, #tpu.memory_space<vmem>> -> memref<50xi32, #tpu.memory_space<vmem>>
        %dma_wait3A_265 = arith.constant 0 : i32
        %dma_wait3A_266 = arith.constant 0 : i32
        %dma_wait3A_267 = tpu.memref_slice %arg13[%dma_wait3A_265, %dma_wait3A_266] : memref<10000x128xf32, #tpu.memory_space<vmem_shared>> -> memref<10000x128xf32, #tpu.memory_space<vmem_shared>>
        tpu.wait_indirect_dma semaphore(%run_scoped3A_255 : memref<!tpu.dma_semaphore, #tpu.memory_space<semaphore_mem>>) src(%arg9 : memref<50x128xf32, #tpu.memory_space<vmem>>) dst(%dma_wait3A_267 : memref<10000x128xf32, #tpu.memory_space<vmem_shared>>)
        tpu.yield
      }) : () -> ()
      %scan3A_254 = arith.constant 0 : i32
      scf.yield %scan3A_254 : i32
    }
    %scan3A_202 = arith.constant 50 : i32
    %run_scoped3A = arith.constant 1 : i32
    "tpu.region"() ({
      %run_scoped3A_222 = tpu.sem_alloc : memref<!tpu.dma_semaphore, #tpu.memory_space<semaphore_mem>>
      %dma_start3A_223 = arith.constant 0 : i32
      %dma_start3A_224 = arith.constant 0 : i32
      %dma_start3A_225 = tpu.memref_slice %arg3[%add3A, %run_scoped3A, %dma_start3A_223, %dma_start3A_224] : memref<32x2x100x50xi32, #tpu.memory_space<hbm>> -> memref<1x1x100x50xi32, #tpu.memory_space<hbm>>
      %dma_start3A_226 = tpu.memref_squeeze %dma_start3A_225 : memref<1x1x100x50xi32, #tpu.memory_space<hbm>> -> memref<100x50xi32, #tpu.memory_space<hbm>>
      %dma_start3A_227 = arith.constant 0 : i32
      %dma_start3A_228 = arith.constant 0 : i32
      %dma_start3A_229 = tpu.memref_slice %arg3[%add3A, %run_scoped3A, %dma_start3A_227, %dma_start3A_228] : memref<32x2x100x50xi32, #tpu.memory_space<hbm>> -> memref<1x1x100x50xi32, #tpu.memory_space<hbm>>
      %dma_start3A_230 = tpu.memref_squeeze %dma_start3A_229 : memref<1x1x100x50xi32, #tpu.memory_space<hbm>> -> memref<100x50xi32, #tpu.memory_space<hbm>>
      tpu.enqueue_dma source(%dma_start3A_230 : memref<100x50xi32, #tpu.memory_space<hbm>>) target(%arg6 : memref<100x50xi32, #tpu.memory_space<vmem>>) target_semaphore(%run_scoped3A_222 : memref<!tpu.dma_semaphore, #tpu.memory_space<semaphore_mem>>)
      %dma_wait3A_231 = arith.constant 0 : i32
      %dma_wait3A_232 = arith.constant 0 : i32
      %dma_wait3A_233 = tpu.memref_slice %arg3[%add3A, %run_scoped3A, %dma_wait3A_231, %dma_wait3A_232] : memref<32x2x100x50xi32, #tpu.memory_space<hbm>> -> memref<1x1x100x50xi32, #tpu.memory_space<hbm>>
      %dma_wait3A_234 = tpu.memref_squeeze %dma_wait3A_233 : memref<1x1x100x50xi32, #tpu.memory_space<hbm>> -> memref<100x50xi32, #tpu.memory_space<hbm>>
      %dma_wait3A_235 = arith.constant 0 : i32
      %dma_wait3A_236 = arith.constant 0 : i32
      %dma_wait3A_237 = tpu.memref_slice %arg3[%add3A, %run_scoped3A, %dma_wait3A_235, %dma_wait3A_236] : memref<32x2x100x50xi32, #tpu.memory_space<hbm>> -> memref<1x1x100x50xi32, #tpu.memory_space<hbm>>
      %dma_wait3A_238 = tpu.memref_squeeze %dma_wait3A_237 : memref<1x1x100x50xi32, #tpu.memory_space<hbm>> -> memref<100x50xi32, #tpu.memory_space<hbm>>
      tpu.wait_dma2 semaphore(%run_scoped3A_222 : memref<!tpu.dma_semaphore, #tpu.memory_space<semaphore_mem>>) src(%dma_wait3A_238 : memref<100x50xi32, #tpu.memory_space<hbm>>) dst(%arg6 : memref<100x50xi32, #tpu.memory_space<vmem>>)
      tpu.yield
    }) : () -> ()
    %run_scoped3A_203 = arith.constant 1 : i32
    "tpu.region"() ({
      %run_scoped3A_222 = tpu.sem_alloc : memref<!tpu.dma_semaphore, #tpu.memory_space<semaphore_mem>>
      %dma_start3A_223 = arith.constant 0 : i32
      %dma_start3A_224 = arith.constant 0 : i32
      %dma_start3A_225 = tpu.memref_slice %arg4[%add3A, %run_scoped3A_203, %dma_start3A_223, %dma_start3A_224] : memref<32x2x100x50xi32, #tpu.memory_space<hbm>> -> memref<1x1x100x50xi32, #tpu.memory_space<hbm>>
      %dma_start3A_226 = tpu.memref_squeeze %dma_start3A_225 : memref<1x1x100x50xi32, #tpu.memory_space<hbm>> -> memref<100x50xi32, #tpu.memory_space<hbm>>
      %dma_start3A_227 = arith.constant 0 : i32
      %dma_start3A_228 = arith.constant 0 : i32
      %dma_start3A_229 = tpu.memref_slice %arg4[%add3A, %run_scoped3A_203, %dma_start3A_227, %dma_start3A_228] : memref<32x2x100x50xi32, #tpu.memory_space<hbm>> -> memref<1x1x100x50xi32, #tpu.memory_space<hbm>>
      %dma_start3A_230 = tpu.memref_squeeze %dma_start3A_229 : memref<1x1x100x50xi32, #tpu.memory_space<hbm>> -> memref<100x50xi32, #tpu.memory_space<hbm>>
      tpu.enqueue_dma source(%dma_start3A_230 : memref<100x50xi32, #tpu.memory_space<hbm>>) target(%arg7 : memref<100x50xi32, #tpu.memory_space<vmem>>) target_semaphore(%run_scoped3A_222 : memref<!tpu.dma_semaphore, #tpu.memory_space<semaphore_mem>>)
      %dma_wait3A_231 = arith.constant 0 : i32
      %dma_wait3A_232 = arith.constant 0 : i32
      %dma_wait3A_233 = tpu.memref_slice %arg4[%add3A, %run_scoped3A_203, %dma_wait3A_231, %dma_wait3A_232] : memref<32x2x100x50xi32, #tpu.memory_space<hbm>> -> memref<1x1x100x50xi32, #tpu.memory_space<hbm>>
      %dma_wait3A_234 = tpu.memref_squeeze %dma_wait3A_233 : memref<1x1x100x50xi32, #tpu.memory_space<hbm>> -> memref<100x50xi32, #tpu.memory_space<hbm>>
      %dma_wait3A_235 = arith.constant 0 : i32
      %dma_wait3A_236 = arith.constant 0 : i32
      %dma_wait3A_237 = tpu.memref_slice %arg4[%add3A, %run_scoped3A_203, %dma_wait3A_235, %dma_wait3A_236] : memref<32x2x100x50xi32, #tpu.memory_space<hbm>> -> memref<1x1x100x50xi32, #tpu.memory_space<hbm>>
      %dma_wait3A_238 = tpu.memref_squeeze %dma_wait3A_237 : memref<1x1x100x50xi32, #tpu.memory_space<hbm>> -> memref<100x50xi32, #tpu.memory_space<hbm>>
      tpu.wait_dma2 semaphore(%run_scoped3A_222 : memref<!tpu.dma_semaphore, #tpu.memory_space<semaphore_mem>>) src(%dma_wait3A_238 : memref<100x50xi32, #tpu.memory_space<hbm>>) dst(%arg7 : memref<100x50xi32, #tpu.memory_space<vmem>>)
      tpu.yield
    }) : () -> ()
    %dma_start3A_204 = arith.constant 0 : i32
    %dma_start3A_205 = arith.constant 0 : i32
    %dma_start3A_206 = tpu.memref_slice %arg6[%dma_start3A_204, %dma_start3A_205] : memref<100x50xi32, #tpu.memory_space<vmem>> -> memref<1x50xi32, #tpu.memory_space<vmem>>
    %dma_start3A_207 = tpu.memref_squeeze %dma_start3A_206 : memref<1x50xi32, #tpu.memory_space<vmem>> -> memref<50xi32, #tpu.memory_space<vmem>>
    %dma_start3A_208 = arith.constant 0 : i32
    %dma_start3A_209 = arith.constant 0 : i32
    %dma_start3A_210 = tpu.memref_slice %arg2[%dma_start3A_208, %dma_start3A_209] : memref<10000x128xf32, #tpu.memory_space<hbm>> -> memref<10000x128xf32, #tpu.memory_space<hbm>>
    tpu.enqueue_indirect_dma source(%dma_start3A_210 : memref<10000x128xf32, #tpu.memory_space<hbm>>) target(%arg8 : memref<50x128xf32, #tpu.memory_space<vmem>>) offsets(%dma_start3A_207 : memref<50xi32, #tpu.memory_space<vmem>>) semaphore(%arg10 : memref<!tpu.dma_semaphore, #tpu.memory_space<semaphore_mem>>)
    %scan3A_211 = arith.constant 0 : i32
    %scan3A_212 = arith.constant 0 : i32
    %scan3A_213 = arith.constant 50 : i32
    %scan3A_214 = arith.addi %scan3A_212, %scan3A_213 : i32
    %scan3A_215 = arith.constant 1 : i32
    %scan3A_216 = scf.for %scan3A_222 = %scan3A_212 to %scan3A_214 step %scan3A_215 iter_args(%scan3A_223 = %scan3A_211) -> (i32)  : i32 {
      %mul3A_224 = arith.constant 2 : i32
      %mul3A_225 = arith.muli %scan3A_222, %mul3A_224 : i32
      %add3A_226 = arith.constant 1 : i32
      %add3A_227 = arith.addi %mul3A_225, %add3A_226 : i32
      %dma_start3A_228 = arith.constant 0 : i32
      %dma_start3A_229 = tpu.memref_slice %arg6[%add3A_227, %dma_start3A_228] : memref<100x50xi32, #tpu.memory_space<vmem>> -> memref<1x50xi32, #tpu.memory_space<vmem>>
      %dma_start3A_230 = tpu.memref_squeeze %dma_start3A_229 : memref<1x50xi32, #tpu.memory_space<vmem>> -> memref<50xi32, #tpu.memory_space<vmem>>
      %dma_start3A_231 = arith.constant 0 : i32
      %dma_start3A_232 = arith.constant 0 : i32
      %dma_start3A_233 = tpu.memref_slice %arg2[%dma_start3A_231, %dma_start3A_232] : memref<10000x128xf32, #tpu.memory_space<hbm>> -> memref<10000x128xf32, #tpu.memory_space<hbm>>
      tpu.enqueue_indirect_dma source(%dma_start3A_233 : memref<10000x128xf32, #tpu.memory_space<hbm>>) target(%arg9 : memref<50x128xf32, #tpu.memory_space<vmem>>) offsets(%dma_start3A_230 : memref<50xi32, #tpu.memory_space<vmem>>) semaphore(%arg11 : memref<!tpu.dma_semaphore, #tpu.memory_space<semaphore_mem>>)
      %dma_wait3A_234 = arith.constant 0 : i32
      %dma_wait3A_235 = tpu.memref_slice %arg6[%mul3A_225, %dma_wait3A_234] : memref<100x50xi32, #tpu.memory_space<vmem>> -> memref<1x50xi32, #tpu.memory_space<vmem>>
      %dma_wait3A_236 = tpu.memref_squeeze %dma_wait3A_235 : memref<1x50xi32, #tpu.memory_space<vmem>> -> memref<50xi32, #tpu.memory_space<vmem>>
      %dma_wait3A_237 = arith.constant 0 : i32
      %dma_wait3A_238 = arith.constant 0 : i32
      %dma_wait3A_239 = tpu.memref_slice %arg2[%dma_wait3A_237, %dma_wait3A_238] : memref<10000x128xf32, #tpu.memory_space<hbm>> -> memref<10000x128xf32, #tpu.memory_space<hbm>>
      tpu.wait_indirect_dma semaphore(%arg10 : memref<!tpu.dma_semaphore, #tpu.memory_space<semaphore_mem>>) src(%dma_wait3A_239 : memref<10000x128xf32, #tpu.memory_space<hbm>>) dst(%arg8 : memref<50x128xf32, #tpu.memory_space<vmem>>)
      "tpu.region"() ({
        %run_scoped3A_255 = tpu.sem_alloc : memref<!tpu.dma_semaphore, #tpu.memory_space<semaphore_mem>>
        %dma_start3A_256 = arith.constant 0 : i32
        %dma_start3A_257 = tpu.memref_slice %arg7[%mul3A_225, %dma_start3A_256] : memref<100x50xi32, #tpu.memory_space<vmem>> -> memref<1x50xi32, #tpu.memory_space<vmem>>
        %dma_start3A_258 = tpu.memref_squeeze %dma_start3A_257 : memref<1x50xi32, #tpu.memory_space<vmem>> -> memref<50xi32, #tpu.memory_space<vmem>>
        %dma_start3A_259 = arith.constant 0 : i32
        %dma_start3A_260 = arith.constant 0 : i32
        %dma_start3A_261 = tpu.memref_slice %arg13[%dma_start3A_259, %dma_start3A_260] : memref<10000x128xf32, #tpu.memory_space<vmem_shared>> -> memref<10000x128xf32, #tpu.memory_space<vmem_shared>>
        tpu.enqueue_indirect_dma source(%arg8 : memref<50x128xf32, #tpu.memory_space<vmem>>) target(%dma_start3A_261 : memref<10000x128xf32, #tpu.memory_space<vmem_shared>>) offsets(%dma_start3A_258 : memref<50xi32, #tpu.memory_space<vmem>>) semaphore(%run_scoped3A_255 : memref<!tpu.dma_semaphore, #tpu.memory_space<semaphore_mem>>) {add = true}
        %dma_wait3A_262 = arith.constant 0 : i32
        %dma_wait3A_263 = tpu.memref_slice %arg7[%mul3A_225, %dma_wait3A_262] : memref<100x50xi32, #tpu.memory_space<vmem>> -> memref<1x50xi32, #tpu.memory_space<vmem>>
        %dma_wait3A_264 = tpu.memref_squeeze %dma_wait3A_263 : memref<1x50xi32, #tpu.memory_space<vmem>> -> memref<50xi32, #tpu.memory_space<vmem>>
        %dma_wait3A_265 = arith.constant 0 : i32
        %dma_wait3A_266 = arith.constant 0 : i32
        %dma_wait3A_267 = tpu.memref_slice %arg13[%dma_wait3A_265, %dma_wait3A_266] : memref<10000x128xf32, #tpu.memory_space<vmem_shared>> -> memref<10000x128xf32, #tpu.memory_space<vmem_shared>>
        tpu.wait_indirect_dma semaphore(%run_scoped3A_255 : memref<!tpu.dma_semaphore, #tpu.memory_space<semaphore_mem>>) src(%arg8 : memref<50x128xf32, #tpu.memory_space<vmem>>) dst(%dma_wait3A_267 : memref<10000x128xf32, #tpu.memory_space<vmem_shared>>)
        tpu.yield
      }) : () -> ()
      %lt3A = arith.constant 49 : i32
      %lt3A_240 = arith.cmpi slt, %scan3A_222, %lt3A : i32
      %convert_element_type3A_241 = arith.extui %lt3A_240 : i1 to i32
      %cond3A_242 = arith.constant 0 : i32
      %cond3A_243 = arith.cmpi ne, %convert_element_type3A_241, %cond3A_242 : i32
      scf.if %cond3A_243 {
        %add3A_255 = arith.constant 2 : i32
        %add3A_256 = arith.addi %mul3A_225, %add3A_255 : i32
        %dma_start3A_257 = arith.constant 0 : i32
        %dma_start3A_258 = tpu.memref_slice %arg6[%add3A_256, %dma_start3A_257] : memref<100x50xi32, #tpu.memory_space<vmem>> -> memref<1x50xi32, #tpu.memory_space<vmem>>
        %dma_start3A_259 = tpu.memref_squeeze %dma_start3A_258 : memref<1x50xi32, #tpu.memory_space<vmem>> -> memref<50xi32, #tpu.memory_space<vmem>>
        %dma_start3A_260 = arith.constant 0 : i32
        %dma_start3A_261 = arith.constant 0 : i32
        %dma_start3A_262 = tpu.memref_slice %arg2[%dma_start3A_260, %dma_start3A_261] : memref<10000x128xf32, #tpu.memory_space<hbm>> -> memref<10000x128xf32, #tpu.memory_space<hbm>>
        tpu.enqueue_indirect_dma source(%dma_start3A_262 : memref<10000x128xf32, #tpu.memory_space<hbm>>) target(%arg8 : memref<50x128xf32, #tpu.memory_space<vmem>>) offsets(%dma_start3A_259 : memref<50xi32, #tpu.memory_space<vmem>>) semaphore(%arg10 : memref<!tpu.dma_semaphore, #tpu.memory_space<semaphore_mem>>)
      } else {
      }
      %add3A_244 = arith.constant 1 : i32
      %add3A_245 = arith.addi %mul3A_225, %add3A_244 : i32
      %dma_wait3A_246 = arith.constant 0 : i32
      %dma_wait3A_247 = tpu.memref_slice %arg6[%add3A_245, %dma_wait3A_246] : memref<100x50xi32, #tpu.memory_space<vmem>> -> memref<1x50xi32, #tpu.memory_space<vmem>>
      %dma_wait3A_248 = tpu.memref_squeeze %dma_wait3A_247 : memref<1x50xi32, #tpu.memory_space<vmem>> -> memref<50xi32, #tpu.memory_space<vmem>>
      %dma_wait3A_249 = arith.constant 0 : i32
      %dma_wait3A_250 = arith.constant 0 : i32
      %dma_wait3A_251 = tpu.memref_slice %arg2[%dma_wait3A_249, %dma_wait3A_250] : memref<10000x128xf32, #tpu.memory_space<hbm>> -> memref<10000x128xf32, #tpu.memory_space<hbm>>
      tpu.wait_indirect_dma semaphore(%arg11 : memref<!tpu.dma_semaphore, #tpu.memory_space<semaphore_mem>>) src(%dma_wait3A_251 : memref<10000x128xf32, #tpu.memory_space<hbm>>) dst(%arg9 : memref<50x128xf32, #tpu.memory_space<vmem>>)
      %add3A_252 = arith.constant 1 : i32
      %add3A_253 = arith.addi %mul3A_225, %add3A_252 : i32
      "tpu.region"() ({
        %run_scoped3A_255 = tpu.sem_alloc : memref<!tpu.dma_semaphore, #tpu.memory_space<semaphore_mem>>
        %dma_start3A_256 = arith.constant 0 : i32
        %dma_start3A_257 = tpu.memref_slice %arg7[%add3A_253, %dma_start3A_256] : memref<100x50xi32, #tpu.memory_space<vmem>> -> memref<1x50xi32, #tpu.memory_space<vmem>>
        %dma_start3A_258 = tpu.memref_squeeze %dma_start3A_257 : memref<1x50xi32, #tpu.memory_space<vmem>> -> memref<50xi32, #tpu.memory_space<vmem>>
        %dma_start3A_259 = arith.constant 0 : i32
        %dma_start3A_260 = arith.constant 0 : i32
        %dma_start3A_261 = tpu.memref_slice %arg13[%dma_start3A_259, %dma_start3A_260] : memref<10000x128xf32, #tpu.memory_space<vmem_shared>> -> memref<10000x128xf32, #tpu.memory_space<vmem_shared>>
        tpu.enqueue_indirect_dma source(%arg9 : memref<50x128xf32, #tpu.memory_space<vmem>>) target(%dma_start3A_261 : memref<10000x128xf32, #tpu.memory_space<vmem_shared>>) offsets(%dma_start3A_258 : memref<50xi32, #tpu.memory_space<vmem>>) semaphore(%run_scoped3A_255 : memref<!tpu.dma_semaphore, #tpu.memory_space<semaphore_mem>>) {add = true}
        %dma_wait3A_262 = arith.constant 0 : i32
        %dma_wait3A_263 = tpu.memref_slice %arg7[%add3A_253, %dma_wait3A_262] : memref<100x50xi32, #tpu.memory_space<vmem>> -> memref<1x50xi32, #tpu.memory_space<vmem>>
        %dma_wait3A_264 = tpu.memref_squeeze %dma_wait3A_263 : memref<1x50xi32, #tpu.memory_space<vmem>> -> memref<50xi32, #tpu.memory_space<vmem>>
        %dma_wait3A_265 = arith.constant 0 : i32
        %dma_wait3A_266 = arith.constant 0 : i32
        %dma_wait3A_267 = tpu.memref_slice %arg13[%dma_wait3A_265, %dma_wait3A_266] : memref<10000x128xf32, #tpu.memory_space<vmem_shared>> -> memref<10000x128xf32, #tpu.memory_space<vmem_shared>>
        tpu.wait_indirect_dma semaphore(%run_scoped3A_255 : memref<!tpu.dma_semaphore, #tpu.memory_space<semaphore_mem>>) src(%arg9 : memref<50x128xf32, #tpu.memory_space<vmem>>) dst(%dma_wait3A_267 : memref<10000x128xf32, #tpu.memory_space<vmem_shared>>)
        tpu.yield
      }) : () -> ()
      %scan3A_254 = arith.constant 0 : i32
      scf.yield %scan3A_254 : i32
    }
    %scan3A_217 = arith.constant 50 : i32
    %barrier3A_218 = arith.constant 0 : index
    tpu.barrier barrier_id(%barrier3A_218)
    "tpu.region"() ({
      %run_scoped3A_222 = tpu.sem_alloc : memref<!tpu.dma_semaphore, #tpu.memory_space<semaphore_mem>>
      %dma_start3A_223 = arith.constant 0 : i32
      %dma_start3A_224 = tpu.memref_slice %arg5[%arg0, %mul3A_2, %dma_start3A_223] : memref<2x10000x128xf32, #tpu.memory_space<hbm>> -> memref<1x624x128xf32, #tpu.memory_space<hbm>>
      %dma_start3A_225 = tpu.memref_squeeze %dma_start3A_224 : memref<1x624x128xf32, #tpu.memory_space<hbm>> -> memref<624x128xf32, #tpu.memory_space<hbm>>
      %dma_start3A_226 = arith.constant 0 : i32
      %dma_start3A_227 = tpu.memref_slice %arg13[%mul3A_2, %dma_start3A_226] : memref<10000x128xf32, #tpu.memory_space<vmem_shared>> -> memref<624x128xf32, #tpu.memory_space<vmem_shared>>
      tpu.enqueue_dma source(%dma_start3A_227 : memref<624x128xf32, #tpu.memory_space<vmem_shared>>) target(%dma_start3A_225 : memref<624x128xf32, #tpu.memory_space<hbm>>) target_semaphore(%run_scoped3A_222 : memref<!tpu.dma_semaphore, #tpu.memory_space<semaphore_mem>>)
      %dma_wait3A_228 = arith.constant 0 : i32
      %dma_wait3A_229 = tpu.memref_slice %arg5[%arg0, %mul3A_2, %dma_wait3A_228] : memref<2x10000x128xf32, #tpu.memory_space<hbm>> -> memref<1x624x128xf32, #tpu.memory_space<hbm>>
      %dma_wait3A_230 = tpu.memref_squeeze %dma_wait3A_229 : memref<1x624x128xf32, #tpu.memory_space<hbm>> -> memref<624x128xf32, #tpu.memory_space<hbm>>
      %dma_wait3A_231 = arith.constant 0 : i32
      %dma_wait3A_232 = tpu.memref_slice %arg13[%mul3A_2, %dma_wait3A_231] : memref<10000x128xf32, #tpu.memory_space<vmem_shared>> -> memref<624x128xf32, #tpu.memory_space<vmem_shared>>
      tpu.wait_dma2 semaphore(%run_scoped3A_222 : memref<!tpu.dma_semaphore, #tpu.memory_space<semaphore_mem>>) src(%dma_wait3A_232 : memref<624x128xf32, #tpu.memory_space<vmem_shared>>) dst(%dma_wait3A_230 : memref<624x128xf32, #tpu.memory_space<hbm>>)
      tpu.yield
    }) : () -> ()
    %convert_element_type3A_219 = arith.extui %eq3A_3 : i1 to i32
    %cond3A_220 = arith.constant 0 : i32
    %cond3A_221 = arith.cmpi ne, %convert_element_type3A_219, %cond3A_220 : i32
    scf.if %cond3A_221 {
      "tpu.region"() ({
        %run_scoped3A_222 = tpu.sem_alloc : memref<!tpu.dma_semaphore, #tpu.memory_space<semaphore_mem>>
        %dma_start3A_223 = arith.constant 9984 : i32
        %dma_start3A_224 = arith.constant 0 : i32
        %dma_start3A_225 = tpu.memref_slice %arg5[%arg0, %dma_start3A_223, %dma_start3A_224] : memref<2x10000x128xf32, #tpu.memory_space<hbm>> -> memref<1x16x128xf32, #tpu.memory_space<hbm>>
        %dma_start3A_226 = tpu.memref_squeeze %dma_start3A_225 : memref<1x16x128xf32, #tpu.memory_space<hbm>> -> memref<16x128xf32, #tpu.memory_space<hbm>>
        %dma_start3A_227 = arith.constant 9984 : i32
        %dma_start3A_228 = arith.constant 0 : i32
        %dma_start3A_229 = tpu.memref_slice %arg13[%dma_start3A_227, %dma_start3A_228] : memref<10000x128xf32, #tpu.memory_space<vmem_shared>> -> memref<16x128xf32, #tpu.memory_space<vmem_shared>>
        tpu.enqueue_dma source(%dma_start3A_229 : memref<16x128xf32, #tpu.memory_space<vmem_shared>>) target(%dma_start3A_226 : memref<16x128xf32, #tpu.memory_space<hbm>>) target_semaphore(%run_scoped3A_222 : memref<!tpu.dma_semaphore, #tpu.memory_space<semaphore_mem>>)
        %dma_wait3A_230 = arith.constant 9984 : i32
        %dma_wait3A_231 = arith.constant 0 : i32
        %dma_wait3A_232 = tpu.memref_slice %arg5[%arg0, %dma_wait3A_230, %dma_wait3A_231] : memref<2x10000x128xf32, #tpu.memory_space<hbm>> -> memref<1x16x128xf32, #tpu.memory_space<hbm>>
        %dma_wait3A_233 = tpu.memref_squeeze %dma_wait3A_232 : memref<1x16x128xf32, #tpu.memory_space<hbm>> -> memref<16x128xf32, #tpu.memory_space<hbm>>
        %dma_wait3A_234 = arith.constant 9984 : i32
        %dma_wait3A_235 = arith.constant 0 : i32
        %dma_wait3A_236 = tpu.memref_slice %arg13[%dma_wait3A_234, %dma_wait3A_235] : memref<10000x128xf32, #tpu.memory_space<vmem_shared>> -> memref<16x128xf32, #tpu.memory_space<vmem_shared>>
        tpu.wait_dma2 semaphore(%run_scoped3A_222 : memref<!tpu.dma_semaphore, #tpu.memory_space<semaphore_mem>>) src(%dma_wait3A_236 : memref<16x128xf32, #tpu.memory_space<vmem_shared>>) dst(%dma_wait3A_233 : memref<16x128xf32, #tpu.memory_space<hbm>>)
        tpu.yield
      }) : () -> ()
    } else {
    }
    return
  }
}

module attributes {stable_mosaic.version = 14 : i64} {
  func.func @_mlp1_body(%arg0: i32, %arg1: memref<2000x128xf32, #tpu.memory_space<vmem>>, %arg2: memref<2x2000x128xf32, #tpu.memory_space<vmem>>, %arg3: memref<128x128xf32, #tpu.memory_space<vmem>>, %arg4: memref<1x128xf32, #tpu.memory_space<vmem>>, %arg5: memref<128x128xf32, #tpu.memory_space<vmem>>, %arg6: memref<1x128xf32, #tpu.memory_space<vmem>>, %arg7: memref<2000x128xf32, #tpu.memory_space<vmem>>) attributes {dimension_semantics = [#tpu.dimension_semantics<arbitrary>], iteration_bounds = array<i64: 5>, scalar_prefetch = 0 : i64, scratch_operands = 0 : i64, tpu.core_type = #tpu.core_type<tc>, window_params = [{transform_indices = @transform_0, window_bounds = array<i64: 2000, 128>}, {transform_indices = @transform_1, window_bounds = array<i64: 2, 2000, 128>}, {pipeline_mode = #tpu.pipeline_mode<synchronous>, transform_indices = @transform_2, window_bounds = array<i64: 128, 128>}, {pipeline_mode = #tpu.pipeline_mode<synchronous>, transform_indices = @transform_3, window_bounds = array<i64: 1, 128>}, {pipeline_mode = #tpu.pipeline_mode<synchronous>, transform_indices = @transform_4, window_bounds = array<i64: 128, 128>}, {pipeline_mode = #tpu.pipeline_mode<synchronous>, transform_indices = @transform_5, window_bounds = array<i64: 1, 128>}, {transform_indices = @transform_6, window_bounds = array<i64: 2000, 128>}]} {
    %get3A = arith.constant 0 : index
    %get3A_0 = arith.constant 0 : index
    %get3A_1 = arith.constant 0 : index
    %get3A_2 = vector.load %arg2[%get3A, %get3A_0, %get3A_1] : memref<2x2000x128xf32, #tpu.memory_space<vmem>>, vector<2x2000x128xf32>
    %get3A_3 = arith.constant 0 : index
    %get3A_4 = arith.constant 0 : index
    %get3A_5 = vector.load %arg1[%get3A_3, %get3A_4] : memref<2000x128xf32, #tpu.memory_space<vmem>>, vector<2000x128xf32>
    %slice3A = vector.extract_strided_slice %get3A_2 {offsets = [0, 0, 0], sizes = [1, 2000, 128], strides = [1, 1, 1]} : vector<2x2000x128xf32> to vector<1x2000x128xf32>
    %squeeze3A = vector.shape_cast %slice3A : vector<1x2000x128xf32> to vector<2000x128xf32>
    %add3A = arith.addf %get3A_5, %squeeze3A : vector<2000x128xf32>
    %slice3A_6 = vector.extract_strided_slice %get3A_2 {offsets = [1, 0, 0], sizes = [1, 2000, 128], strides = [1, 1, 1]} : vector<2x2000x128xf32> to vector<1x2000x128xf32>
    %squeeze3A_7 = vector.shape_cast %slice3A_6 : vector<1x2000x128xf32> to vector<2000x128xf32>
    %add3A_8 = arith.addf %add3A, %squeeze3A_7 : vector<2000x128xf32>
    %convert_element_type3A = arith.truncf %add3A_8 : vector<2000x128xf32> to vector<2000x128xbf16>
    %get3A_9 = arith.constant 0 : index
    %get3A_10 = arith.constant 0 : index
    %get3A_11 = vector.load %arg3[%get3A_9, %get3A_10] : memref<128x128xf32, #tpu.memory_space<vmem>>, vector<128x128xf32>
    %convert_element_type3A_12 = arith.truncf %get3A_11 : vector<128x128xf32> to vector<128x128xbf16>
    %dot_general3A = arith.constant dense<0.000000e+00> : vector<2000x128xf32>
    %dot_general3A_13 = tpu.matmul %convert_element_type3A, %convert_element_type3A_12, %dot_general3A {dimension_numbers = #tpu.dot_dimension_numbers<[1], [0], [0], [1], [0, 0, 1, 1], [], []>, transpose_lhs_hint = false} : vector<2000x128xbf16>, vector<128x128xbf16>, vector<2000x128xf32> -> vector<2000x128xf32>
    %get3A_14 = arith.constant 0 : index
    %get3A_15 = arith.constant 0 : index
    %get3A_16 = vector.load %arg4[%get3A_14, %get3A_15] : memref<1x128xf32, #tpu.memory_space<vmem>>, vector<1x128xf32>
    %add3A_17 = vector.broadcast %get3A_16 : vector<1x128xf32> to vector<2000x128xf32>
    %add3A_18 = arith.addf %dot_general3A_13, %add3A_17 : vector<2000x128xf32>
    %max3A = arith.constant 0.000000e+00 : f32
    %max3A_19 = vector.broadcast %max3A : f32 to vector<2000x128xf32>
    %max3A_20 = arith.maximumf %add3A_18, %max3A_19 : vector<2000x128xf32>
    %convert_element_type3A_21 = arith.truncf %max3A_20 : vector<2000x128xf32> to vector<2000x128xbf16>
    %get3A_22 = arith.constant 0 : index
    %get3A_23 = arith.constant 0 : index
    %get3A_24 = vector.load %arg5[%get3A_22, %get3A_23] : memref<128x128xf32, #tpu.memory_space<vmem>>, vector<128x128xf32>
    %convert_element_type3A_25 = arith.truncf %get3A_24 : vector<128x128xf32> to vector<128x128xbf16>
    %dot_general3A_26 = arith.constant dense<0.000000e+00> : vector<2000x128xf32>
    %dot_general3A_27 = tpu.matmul %convert_element_type3A_21, %convert_element_type3A_25, %dot_general3A_26 {dimension_numbers = #tpu.dot_dimension_numbers<[1], [0], [0], [1], [0, 0, 1, 1], [], []>, transpose_lhs_hint = false} : vector<2000x128xbf16>, vector<128x128xbf16>, vector<2000x128xf32> -> vector<2000x128xf32>
    %get3A_28 = arith.constant 0 : index
    %get3A_29 = arith.constant 0 : index
    %get3A_30 = vector.load %arg6[%get3A_28, %get3A_29] : memref<1x128xf32, #tpu.memory_space<vmem>>, vector<1x128xf32>
    %add3A_31 = vector.broadcast %get3A_30 : vector<1x128xf32> to vector<2000x128xf32>
    %add3A_32 = arith.addf %dot_general3A_27, %add3A_31 : vector<2000x128xf32>
    %max3A_33 = arith.constant 0.000000e+00 : f32
    %max3A_34 = vector.broadcast %max3A_33 : f32 to vector<2000x128xf32>
    %max3A_35 = arith.maximumf %add3A_32, %max3A_34 : vector<2000x128xf32>
    %swap3A = arith.constant 0 : index
    %swap3A_36 = arith.constant 0 : index
    %swap3A_37 = vector.load %arg7[%swap3A, %swap3A_36] : memref<2000x128xf32, #tpu.memory_space<vmem>>, vector<2000x128xf32>
    tpu.vector_store %arg7[%swap3A, %swap3A_36], %max3A_35 {strides = array<i32>} : memref<2000x128xf32, #tpu.memory_space<vmem>>, vector<2000x128xf32>,
    return
  }
  func.func @transform_0(%arg0: i32) -> (i32, i32) {
    %c0_i32 = arith.constant 0 : i32
    %c0_i32_0 = arith.constant 0 : i32
    return %arg0, %c0_i32 : i32, i32
  }
  func.func @transform_1(%arg0: i32) -> (i32, i32, i32) {
    %c0_i32 = arith.constant 0 : i32
    %c0_i32_0 = arith.constant 0 : i32
    %c0_i32_1 = arith.constant 0 : i32
    return %c0_i32, %arg0, %c0_i32_0 : i32, i32, i32
  }
  func.func @transform_2(%arg0: i32) -> (i32, i32) {
    %c0_i32 = arith.constant 0 : i32
    %c0_i32_0 = arith.constant 0 : i32
    %c0_i32_1 = arith.constant 0 : i32
    return %c0_i32, %c0_i32_0 : i32, i32
  }
  func.func @transform_3(%arg0: i32) -> (i32, i32) {
    %c0_i32 = arith.constant 0 : i32
    %c0_i32_0 = arith.constant 0 : i32
    %c0_i32_1 = arith.constant 0 : i32
    return %c0_i32, %c0_i32_0 : i32, i32
  }
  func.func @transform_4(%arg0: i32) -> (i32, i32) {
    %c0_i32 = arith.constant 0 : i32
    %c0_i32_0 = arith.constant 0 : i32
    %c0_i32_1 = arith.constant 0 : i32
    return %c0_i32, %c0_i32_0 : i32, i32
  }
  func.func @transform_5(%arg0: i32) -> (i32, i32) {
    %c0_i32 = arith.constant 0 : i32
    %c0_i32_0 = arith.constant 0 : i32
    %c0_i32_1 = arith.constant 0 : i32
    return %c0_i32, %c0_i32_0 : i32, i32
  }
  func.func @transform_6(%arg0: i32) -> (i32, i32) {
    %c0_i32 = arith.constant 0 : i32
    %c0_i32_0 = arith.constant 0 : i32
    return %arg0, %c0_i32 : i32, i32
  }
}

module attributes {stable_mosaic.version = 14 : i64} {
  func.func @_mlp2_body(%arg0: i32, %arg1: memref<2000x128xf32, #tpu.memory_space<vmem>>, %arg2: memref<2x2000x128xf32, #tpu.memory_space<vmem>>, %arg3: memref<1x1x2000xi32, #tpu.memory_space<vmem>>, %arg4: memref<128x128xf32, #tpu.memory_space<vmem>>, %arg5: memref<1x128xf32, #tpu.memory_space<vmem>>, %arg6: memref<128x128xf32, #tpu.memory_space<vmem>>, %arg7: memref<1x128xf32, #tpu.memory_space<vmem>>, %arg8: memref<128x128xf32, #tpu.memory_space<vmem>>, %arg9: memref<1x128xf32, #tpu.memory_space<vmem>>, %arg10: memref<128x128xf32, #tpu.memory_space<vmem>>, %arg11: memref<1x128xf32, #tpu.memory_space<vmem>>, %arg12: memref<1x128xf32, #tpu.memory_space<vmem>>, %arg13: memref<1x1xf32, #tpu.memory_space<vmem>>, %arg14: memref<64x128xf32, #tpu.memory_space<vmem>>, %arg15: memref<64x128xf32, #tpu.memory_space<vmem>>, %arg16: memref<64x128xf32, #tpu.memory_space<vmem>>) attributes {dimension_semantics = [#tpu.dimension_semantics<arbitrary>], iteration_bounds = array<i64: 5>, scalar_prefetch = 0 : i64, scratch_operands = 2 : i64, tpu.core_type = #tpu.core_type<tc>, window_params = [{transform_indices = @transform_0, window_bounds = array<i64: 2000, 128>}, {transform_indices = @transform_1, window_bounds = array<i64: 2, 2000, 128>}, {transform_indices = @transform_2, window_bounds = array<i64: 1, 1, 2000>}, {pipeline_mode = #tpu.pipeline_mode<synchronous>, transform_indices = @transform_3, window_bounds = array<i64: 128, 128>}, {pipeline_mode = #tpu.pipeline_mode<synchronous>, transform_indices = @transform_4, window_bounds = array<i64: 1, 128>}, {pipeline_mode = #tpu.pipeline_mode<synchronous>, transform_indices = @transform_5, window_bounds = array<i64: 128, 128>}, {pipeline_mode = #tpu.pipeline_mode<synchronous>, transform_indices = @transform_6, window_bounds = array<i64: 1, 128>}, {pipeline_mode = #tpu.pipeline_mode<synchronous>, transform_indices = @transform_7, window_bounds = array<i64: 128, 128>}, {pipeline_mode = #tpu.pipeline_mode<synchronous>, transform_indices = @transform_8, window_bounds = array<i64: 1, 128>}, {pipeline_mode = #tpu.pipeline_mode<synchronous>, transform_indices = @transform_9, window_bounds = array<i64: 128, 128>}, {pipeline_mode = #tpu.pipeline_mode<synchronous>, transform_indices = @transform_10, window_bounds = array<i64: 1, 128>}, {pipeline_mode = #tpu.pipeline_mode<synchronous>, transform_indices = @transform_11, window_bounds = array<i64: 1, 128>}, {pipeline_mode = #tpu.pipeline_mode<synchronous>, transform_indices = @transform_12, window_bounds = array<i64: 1, 1>}, {pipeline_mode = #tpu.pipeline_mode<synchronous>, transform_indices = @transform_13, window_bounds = array<i64: 64, 128>}]} {
    %eq3A = arith.constant 0 : i32
    %eq3A_0 = arith.cmpi eq, %arg0, %eq3A : i32
    %convert_element_type3A = arith.extui %eq3A_0 : i1 to i32
    %cond3A = arith.constant 0 : i32
    %cond3A_1 = arith.cmpi ne, %convert_element_type3A, %cond3A : i32
    scf.if %cond3A_1 {
      %broadcast_in_dim3A_72 = arith.constant 0.000000e+00 : f32
      %broadcast_in_dim3A_73 = vector.broadcast %broadcast_in_dim3A_72 : f32 to vector<64x128xf32>
      %swap3A_74 = arith.constant 0 : index
      %swap3A_75 = arith.constant 0 : index
      %swap3A_76 = vector.load %arg15[%swap3A_74, %swap3A_75] : memref<64x128xf32, #tpu.memory_space<vmem>>, vector<64x128xf32>
      tpu.vector_store %arg15[%swap3A_74, %swap3A_75], %broadcast_in_dim3A_73 {strides = array<i32>} : memref<64x128xf32, #tpu.memory_space<vmem>>, vector<64x128xf32>,
      %broadcast_in_dim3A_77 = arith.constant 0.000000e+00 : f32
      %broadcast_in_dim3A_78 = vector.broadcast %broadcast_in_dim3A_77 : f32 to vector<64x128xf32>
      %swap3A_79 = arith.constant 0 : index
      %swap3A_80 = arith.constant 0 : index
      %swap3A_81 = vector.load %arg16[%swap3A_79, %swap3A_80] : memref<64x128xf32, #tpu.memory_space<vmem>>, vector<64x128xf32>
      tpu.vector_store %arg16[%swap3A_79, %swap3A_80], %broadcast_in_dim3A_78 {strides = array<i32>} : memref<64x128xf32, #tpu.memory_space<vmem>>, vector<64x128xf32>,
    } else {
    }
    %get3A = arith.constant 0 : index
    %get3A_2 = arith.constant 0 : index
    %get3A_3 = arith.constant 0 : index
    %get3A_4 = vector.load %arg2[%get3A, %get3A_2, %get3A_3] : memref<2x2000x128xf32, #tpu.memory_space<vmem>>, vector<2x2000x128xf32>
    %get3A_5 = arith.constant 0 : index
    %get3A_6 = arith.constant 0 : index
    %get3A_7 = vector.load %arg1[%get3A_5, %get3A_6] : memref<2000x128xf32, #tpu.memory_space<vmem>>, vector<2000x128xf32>
    %slice3A = vector.extract_strided_slice %get3A_4 {offsets = [0, 0, 0], sizes = [1, 2000, 128], strides = [1, 1, 1]} : vector<2x2000x128xf32> to vector<1x2000x128xf32>
    %squeeze3A = vector.shape_cast %slice3A : vector<1x2000x128xf32> to vector<2000x128xf32>
    %add3A = arith.addf %get3A_7, %squeeze3A : vector<2000x128xf32>
    %slice3A_8 = vector.extract_strided_slice %get3A_4 {offsets = [1, 0, 0], sizes = [1, 2000, 128], strides = [1, 1, 1]} : vector<2x2000x128xf32> to vector<1x2000x128xf32>
    %squeeze3A_9 = vector.shape_cast %slice3A_8 : vector<1x2000x128xf32> to vector<2000x128xf32>
    %add3A_10 = arith.addf %add3A, %squeeze3A_9 : vector<2000x128xf32>
    %convert_element_type3A_11 = arith.truncf %add3A_10 : vector<2000x128xf32> to vector<2000x128xbf16>
    %get3A_12 = arith.constant 0 : index
    %get3A_13 = arith.constant 0 : index
    %get3A_14 = vector.load %arg4[%get3A_12, %get3A_13] : memref<128x128xf32, #tpu.memory_space<vmem>>, vector<128x128xf32>
    %convert_element_type3A_15 = arith.truncf %get3A_14 : vector<128x128xf32> to vector<128x128xbf16>
    %dot_general3A = arith.constant dense<0.000000e+00> : vector<2000x128xf32>
    %dot_general3A_16 = tpu.matmul %convert_element_type3A_11, %convert_element_type3A_15, %dot_general3A {dimension_numbers = #tpu.dot_dimension_numbers<[1], [0], [0], [1], [0, 0, 1, 1], [], []>, transpose_lhs_hint = false} : vector<2000x128xbf16>, vector<128x128xbf16>, vector<2000x128xf32> -> vector<2000x128xf32>
    %get3A_17 = arith.constant 0 : index
    %get3A_18 = arith.constant 0 : index
    %get3A_19 = vector.load %arg5[%get3A_17, %get3A_18] : memref<1x128xf32, #tpu.memory_space<vmem>>, vector<1x128xf32>
    %add3A_20 = vector.broadcast %get3A_19 : vector<1x128xf32> to vector<2000x128xf32>
    %add3A_21 = arith.addf %dot_general3A_16, %add3A_20 : vector<2000x128xf32>
    %max3A = arith.constant 0.000000e+00 : f32
    %max3A_22 = vector.broadcast %max3A : f32 to vector<2000x128xf32>
    %max3A_23 = arith.maximumf %add3A_21, %max3A_22 : vector<2000x128xf32>
    %convert_element_type3A_24 = arith.truncf %max3A_23 : vector<2000x128xf32> to vector<2000x128xbf16>
    %get3A_25 = arith.constant 0 : index
    %get3A_26 = arith.constant 0 : index
    %get3A_27 = vector.load %arg6[%get3A_25, %get3A_26] : memref<128x128xf32, #tpu.memory_space<vmem>>, vector<128x128xf32>
    %convert_element_type3A_28 = arith.truncf %get3A_27 : vector<128x128xf32> to vector<128x128xbf16>
    %dot_general3A_29 = arith.constant dense<0.000000e+00> : vector<2000x128xf32>
    %dot_general3A_30 = tpu.matmul %convert_element_type3A_24, %convert_element_type3A_28, %dot_general3A_29 {dimension_numbers = #tpu.dot_dimension_numbers<[1], [0], [0], [1], [0, 0, 1, 1], [], []>, transpose_lhs_hint = false} : vector<2000x128xbf16>, vector<128x128xbf16>, vector<2000x128xf32> -> vector<2000x128xf32>
    %get3A_31 = arith.constant 0 : index
    %get3A_32 = arith.constant 0 : index
    %get3A_33 = vector.load %arg7[%get3A_31, %get3A_32] : memref<1x128xf32, #tpu.memory_space<vmem>>, vector<1x128xf32>
    %add3A_34 = vector.broadcast %get3A_33 : vector<1x128xf32> to vector<2000x128xf32>
    %add3A_35 = arith.addf %dot_general3A_30, %add3A_34 : vector<2000x128xf32>
    %max3A_36 = arith.constant 0.000000e+00 : f32
    %max3A_37 = vector.broadcast %max3A_36 : f32 to vector<2000x128xf32>
    %max3A_38 = arith.maximumf %add3A_35, %max3A_37 : vector<2000x128xf32>
    %get3A_39 = arith.constant 0 : index
    %get3A_40 = arith.constant 0 : index
    %get3A_41 = arith.constant 0 : index
    %get3A_42 = vector.load %arg3[%get3A_39, %get3A_40, %get3A_41] : memref<1x1x2000xi32, #tpu.memory_space<vmem>>, vector<1x1x2000xi32>
    %get3A_43 = vector.shape_cast %get3A_42 : vector<1x1x2000xi32> to vector<2000xi32>
    %broadcast_in_dim3A = vector.shape_cast %get3A_43 : vector<2000xi32> to vector<2000x1xi32>
    %iota3A = tpu.iota {dimensions = array<i32: 1>} : vector<2000x64xi32>
    %eq3A_44 = vector.broadcast %broadcast_in_dim3A : vector<2000x1xi32> to vector<2000x64xi32>
    %eq3A_45 = arith.cmpi eq, %eq3A_44, %iota3A : vector<2000x64xi32>
    %convert_element_type3A_46 = arith.extui %eq3A_45 : vector<2000x64xi1> to vector<2000x64xi32>
    %convert_element_type3A_47 = arith.sitofp %convert_element_type3A_46 : vector<2000x64xi32> to vector<2000x64xf32>
    %get3A_48 = arith.constant 0 : index
    %get3A_49 = arith.constant 0 : index
    %get3A_50 = vector.load %arg15[%get3A_48, %get3A_49] : memref<64x128xf32, #tpu.memory_space<vmem>>, vector<64x128xf32>
    %dot_general3A_51 = arith.constant dense<0.000000e+00> : vector<64x128xf32>
    %dot_general3A_52 = tpu.matmul %convert_element_type3A_47, %max3A_38, %dot_general3A_51 {dimension_numbers = #tpu.dot_dimension_numbers<[0], [0], [1], [1], [0, 1, 1, 1], [], []>, precision = #tpu.contract_precision<fp32>, transpose_lhs_hint = false} : vector<2000x64xf32>, vector<2000x128xf32>, vector<64x128xf32> -> vector<64x128xf32>
    %add3A_53 = arith.addf %get3A_50, %dot_general3A_52 : vector<64x128xf32>
    %swap3A = arith.constant 0 : index
    %swap3A_54 = arith.constant 0 : index
    %swap3A_55 = vector.load %arg15[%swap3A, %swap3A_54] : memref<64x128xf32, #tpu.memory_space<vmem>>, vector<64x128xf32>
    tpu.vector_store %arg15[%swap3A, %swap3A_54], %add3A_53 {strides = array<i32>} : memref<64x128xf32, #tpu.memory_space<vmem>>, vector<64x128xf32>,
    %get3A_56 = arith.constant 0 : index
    %get3A_57 = arith.constant 0 : index
    %get3A_58 = vector.load %arg16[%get3A_56, %get3A_57] : memref<64x128xf32, #tpu.memory_space<vmem>>, vector<64x128xf32>
    %reduce_sum3A = arith.constant dense<0.000000e+00> : vector<64xf32>
    %reduce_sum3A_59 = vector.multi_reduction <add>, %convert_element_type3A_47, %reduce_sum3A [0] : vector<2000x64xf32> to vector<64xf32>
    %broadcast_in_dim3A_60 = vector.shape_cast %reduce_sum3A_59 : vector<64xf32> to vector<64x1xf32>
    %broadcast_in_dim3A_61 = vector.shape_cast %broadcast_in_dim3A_60 : vector<64x1xf32> to vector<64x1xf32>
    %broadcast_in_dim3A_62 = vector.broadcast %broadcast_in_dim3A_61 : vector<64x1xf32> to vector<64x128xf32>
    %add3A_63 = arith.addf %get3A_58, %broadcast_in_dim3A_62 : vector<64x128xf32>
    %swap3A_64 = arith.constant 0 : index
    %swap3A_65 = arith.constant 0 : index
    %swap3A_66 = vector.load %arg16[%swap3A_64, %swap3A_65] : memref<64x128xf32, #tpu.memory_space<vmem>>, vector<64x128xf32>
    tpu.vector_store %arg16[%swap3A_64, %swap3A_65], %add3A_63 {strides = array<i32>} : memref<64x128xf32, #tpu.memory_space<vmem>>, vector<64x128xf32>,
    %eq3A_67 = arith.constant 4 : i32
    %eq3A_68 = arith.cmpi eq, %arg0, %eq3A_67 : i32
    %convert_element_type3A_69 = arith.extui %eq3A_68 : i1 to i32
    %cond3A_70 = arith.constant 0 : i32
    %cond3A_71 = arith.cmpi ne, %convert_element_type3A_69, %cond3A_70 : i32
    scf.if %cond3A_71 {
      %get3A_72 = arith.constant 0 : index
      %get3A_73 = arith.constant 0 : index
      %get3A_74 = vector.load %arg15[%get3A_72, %get3A_73] : memref<64x128xf32, #tpu.memory_space<vmem>>, vector<64x128xf32>
      %get3A_75 = arith.constant 0 : index
      %get3A_76 = arith.constant 0 : index
      %get3A_77 = vector.load %arg16[%get3A_75, %get3A_76] : memref<64x128xf32, #tpu.memory_space<vmem>>, vector<64x128xf32>
      %max3A_78 = arith.constant 1.000000e+00 : f32
      %max3A_79 = vector.broadcast %max3A_78 : f32 to vector<64x128xf32>
      %max3A_80 = arith.maximumf %get3A_77, %max3A_79 : vector<64x128xf32>
      %div3A = arith.divf %get3A_74, %max3A_80 : vector<64x128xf32>
      %convert_element_type3A_81 = arith.truncf %div3A : vector<64x128xf32> to vector<64x128xbf16>
      %get3A_82 = arith.constant 0 : index
      %get3A_83 = arith.constant 0 : index
      %get3A_84 = vector.load %arg8[%get3A_82, %get3A_83] : memref<128x128xf32, #tpu.memory_space<vmem>>, vector<128x128xf32>
      %convert_element_type3A_85 = arith.truncf %get3A_84 : vector<128x128xf32> to vector<128x128xbf16>
      %dot_general3A_86 = arith.constant dense<0.000000e+00> : vector<64x128xf32>
      %dot_general3A_87 = tpu.matmul %convert_element_type3A_81, %convert_element_type3A_85, %dot_general3A_86 {dimension_numbers = #tpu.dot_dimension_numbers<[1], [0], [0], [1], [0, 0, 1, 1], [], []>, transpose_lhs_hint = false} : vector<64x128xbf16>, vector<128x128xbf16>, vector<64x128xf32> -> vector<64x128xf32>
      %get3A_88 = arith.constant 0 : index
      %get3A_89 = arith.constant 0 : index
      %get3A_90 = vector.load %arg9[%get3A_88, %get3A_89] : memref<1x128xf32, #tpu.memory_space<vmem>>, vector<1x128xf32>
      %add3A_91 = vector.broadcast %get3A_90 : vector<1x128xf32> to vector<64x128xf32>
      %add3A_92 = arith.addf %dot_general3A_87, %add3A_91 : vector<64x128xf32>
      %max3A_93 = arith.constant 0.000000e+00 : f32
      %max3A_94 = vector.broadcast %max3A_93 : f32 to vector<64x128xf32>
      %max3A_95 = arith.maximumf %add3A_92, %max3A_94 : vector<64x128xf32>
      %convert_element_type3A_96 = arith.truncf %max3A_95 : vector<64x128xf32> to vector<64x128xbf16>
      %get3A_97 = arith.constant 0 : index
      %get3A_98 = arith.constant 0 : index
      %get3A_99 = vector.load %arg10[%get3A_97, %get3A_98] : memref<128x128xf32, #tpu.memory_space<vmem>>, vector<128x128xf32>
      %convert_element_type3A_100 = arith.truncf %get3A_99 : vector<128x128xf32> to vector<128x128xbf16>
      %dot_general3A_101 = arith.constant dense<0.000000e+00> : vector<64x128xf32>
      %dot_general3A_102 = tpu.matmul %convert_element_type3A_96, %convert_element_type3A_100, %dot_general3A_101 {dimension_numbers = #tpu.dot_dimension_numbers<[1], [0], [0], [1], [0, 0, 1, 1], [], []>, transpose_lhs_hint = false} : vector<64x128xbf16>, vector<128x128xbf16>, vector<64x128xf32> -> vector<64x128xf32>
      %get3A_103 = arith.constant 0 : index
      %get3A_104 = arith.constant 0 : index
      %get3A_105 = vector.load %arg11[%get3A_103, %get3A_104] : memref<1x128xf32, #tpu.memory_space<vmem>>, vector<1x128xf32>
      %add3A_106 = vector.broadcast %get3A_105 : vector<1x128xf32> to vector<64x128xf32>
      %add3A_107 = arith.addf %dot_general3A_102, %add3A_106 : vector<64x128xf32>
      %max3A_108 = arith.constant 0.000000e+00 : f32
      %max3A_109 = vector.broadcast %max3A_108 : f32 to vector<64x128xf32>
      %max3A_110 = arith.maximumf %add3A_107, %max3A_109 : vector<64x128xf32>
      %convert_element_type3A_111 = arith.truncf %max3A_110 : vector<64x128xf32> to vector<64x128xbf16>
      %convert_element_type3A_112 = arith.extf %convert_element_type3A_111 : vector<64x128xbf16> to vector<64x128xf32>
      %get3A_113 = arith.constant 0 : index
      %get3A_114 = arith.constant 0 : index
      %get3A_115 = vector.load %arg12[%get3A_113, %get3A_114] : memref<1x128xf32, #tpu.memory_space<vmem>>, vector<1x128xf32>
      %convert_element_type3A_116 = arith.truncf %get3A_115 : vector<1x128xf32> to vector<1x128xbf16>
      %convert_element_type3A_117 = arith.extf %convert_element_type3A_116 : vector<1x128xbf16> to vector<1x128xf32>
      %mul3A = vector.broadcast %convert_element_type3A_117 : vector<1x128xf32> to vector<64x128xf32>
      %mul3A_118 = arith.mulf %convert_element_type3A_112, %mul3A : vector<64x128xf32>
      %reduce_sum3A_119 = arith.constant dense<0.000000e+00> : vector<64xf32>
      %reduce_sum3A_120 = vector.multi_reduction <add>, %mul3A_118, %reduce_sum3A_119 [1] : vector<64x128xf32> to vector<64xf32>
      %broadcast_in_dim3A_121 = vector.shape_cast %reduce_sum3A_120 : vector<64xf32> to vector<64x1xf32>
      %get3A_122 = arith.constant 0 : index
      %get3A_123 = arith.constant 0 : index
      %get3A_124 = vector.load %arg13[%get3A_122, %get3A_123] : memref<1x1xf32, #tpu.memory_space<vmem>>, vector<1x1xf32>
      %add3A_125 = vector.broadcast %get3A_124 : vector<1x1xf32> to vector<64x1xf32>
      %add3A_126 = arith.addf %broadcast_in_dim3A_121, %add3A_125 : vector<64x1xf32>
      %broadcast_in_dim3A_127 = vector.shape_cast %add3A_126 : vector<64x1xf32> to vector<64x1xf32>
      %broadcast_in_dim3A_128 = vector.broadcast %broadcast_in_dim3A_127 : vector<64x1xf32> to vector<64x128xf32>
      %swap3A_129 = arith.constant 0 : index
      %swap3A_130 = arith.constant 0 : index
      %swap3A_131 = vector.load %arg14[%swap3A_129, %swap3A_130] : memref<64x128xf32, #tpu.memory_space<vmem>>, vector<64x128xf32>
      tpu.vector_store %arg14[%swap3A_129, %swap3A_130], %broadcast_in_dim3A_128 {strides = array<i32>} : memref<64x128xf32, #tpu.memory_space<vmem>>, vector<64x128xf32>,
    } else {
    }
    return
  }
  func.func @transform_0(%arg0: i32) -> (i32, i32) {
    %c0_i32 = arith.constant 0 : i32
    %c0_i32_0 = arith.constant 0 : i32
    return %arg0, %c0_i32 : i32, i32
  }
  func.func @transform_1(%arg0: i32) -> (i32, i32, i32) {
    %c0_i32 = arith.constant 0 : i32
    %c0_i32_0 = arith.constant 0 : i32
    %c0_i32_1 = arith.constant 0 : i32
    return %c0_i32, %arg0, %c0_i32_0 : i32, i32, i32
  }
  func.func @transform_2(%arg0: i32) -> (i32, i32, i32) {
    %c0_i32 = arith.constant 0 : i32
    %c0_i32_0 = arith.constant 0 : i32
    %c0_i32_1 = arith.constant 0 : i32
    return %arg0, %c0_i32, %c0_i32_0 : i32, i32, i32
  }
  func.func @transform_3(%arg0: i32) -> (i32, i32) {
    %c0_i32 = arith.constant 0 : i32
    %c0_i32_0 = arith.constant 0 : i32
    %c0_i32_1 = arith.constant 0 : i32
    return %c0_i32, %c0_i32_0 : i32, i32
  }
  func.func @transform_4(%arg0: i32) -> (i32, i32) {
    %c0_i32 = arith.constant 0 : i32
    %c0_i32_0 = arith.constant 0 : i32
    %c0_i32_1 = arith.constant 0 : i32
    return %c0_i32, %c0_i32_0 : i32, i32
  }
  func.func @transform_5(%arg0: i32) -> (i32, i32) {
    %c0_i32 = arith.constant 0 : i32
    %c0_i32_0 = arith.constant 0 : i32
    %c0_i32_1 = arith.constant 0 : i32
    return %c0_i32, %c0_i32_0 : i32, i32
  }
  func.func @transform_6(%arg0: i32) -> (i32, i32) {
    %c0_i32 = arith.constant 0 : i32
    %c0_i32_0 = arith.constant 0 : i32
    %c0_i32_1 = arith.constant 0 : i32
    return %c0_i32, %c0_i32_0 : i32, i32
  }
  func.func @transform_7(%arg0: i32) -> (i32, i32) {
    %c0_i32 = arith.constant 0 : i32
    %c0_i32_0 = arith.constant 0 : i32
    %c0_i32_1 = arith.constant 0 : i32
    return %c0_i32, %c0_i32_0 : i32, i32
  }
  func.func @transform_8(%arg0: i32) -> (i32, i32) {
    %c0_i32 = arith.constant 0 : i32
    %c0_i32_0 = arith.constant 0 : i32
    %c0_i32_1 = arith.constant 0 : i32
    return %c0_i32, %c0_i32_0 : i32, i32
  }
  func.func @transform_9(%arg0: i32) -> (i32, i32) {
    %c0_i32 = arith.constant 0 : i32
    %c0_i32_0 = arith.constant 0 : i32
    %c0_i32_1 = arith.constant 0 : i32
    return %c0_i32, %c0_i32_0 : i32, i32
  }
  func.func @transform_10(%arg0: i32) -> (i32, i32) {
    %c0_i32 = arith.constant 0 : i32
    %c0_i32_0 = arith.constant 0 : i32
    %c0_i32_1 = arith.constant 0 : i32
    return %c0_i32, %c0_i32_0 : i32, i32
  }
  func.func @transform_11(%arg0: i32) -> (i32, i32) {
    %c0_i32 = arith.constant 0 : i32
    %c0_i32_0 = arith.constant 0 : i32
    %c0_i32_1 = arith.constant 0 : i32
    return %c0_i32, %c0_i32_0 : i32, i32
  }
  func.func @transform_12(%arg0: i32) -> (i32, i32) {
    %c0_i32 = arith.constant 0 : i32
    %c0_i32_0 = arith.constant 0 : i32
    %c0_i32_1 = arith.constant 0 : i32
    return %c0_i32, %c0_i32_0 : i32, i32
  }
  func.func @transform_13(%arg0: i32) -> (i32, i32) {
    %c0_i32 = arith.constant 0 : i32
    %c0_i32_0 = arith.constant 0 : i32
    %c0_i32_1 = arith.constant 0 : i32
    return %c0_i32, %c0_i32_0 : i32, i32
  }
}

</mosaic_0001>

<sc_bundles>
// kernel: kernel.6.cloned.1.call-start
scs
__scs_entry_jumppad:
0x0: {  	(pc) =	sbr.rel $0x88, $3  }
0x1: {  	(tag) =	ssettag $0x0;
	lr =	simm.s32 $0x1  }
0x2: {  	[smem:$0x3F90] =	sst lr;
	_ =	strace $0xD0000000  }
0x3: {  	_ = 	snop  }
0x4: {  	_ = 	snop  }
0x5: {  	_ = 	snop  }
0x6: {  	_ = 	snop  }
0x7: {  	_ = 	snop  }
__scs_overlays_trampoline_lowered:
0x8: {  	[smem:$0x3F9F] =	sst s0  }
0x9: {  	[smem:$0x3FA0] =	sst s1  }
0xa: {  	[smem:$0x3FA1] =	sst s2  }
0xb: {  	[smem:$0x3FA2] =	sst s3  }
0xc: {  	[smem:$0x3FA3] =	sst s4  }
0xd: {  	[smem:$0x3FA4] =	sst s5  }
0xe: {  	[smem:$0x3FA5] =	sst s6  }
0xf: {  	[smem:$0x3FA6] =	sst s7  }
0x10: {  	[smem:$0x3FA7] =	sst s8  }
0x11: {  	[smem:$0x3FA8] =	sst s9;
	s0 =	simm.s32 @!p0 $0x0  }
0x12: {  	s1 =	sld [smem:$0x3F8E];
	s0 =	simm.s32 @p0 $0x1  }
0x13: {  	[smem:$0x3FA9] =	sst s0;
	s0 =	simm.s32 @!p1 $0x0  }
0x14: {  	s2 =	sld [smem:$0x3F8D];
	s0 =	simm.s32 @p1 $0x1  }
0x15: {  	[smem:$0x3FAA] =	sst s0;
	s0 =	simm.s32 @!p2 $0x0  }
0x16: {  	s3 =	sld [smem:$0x3FDB];
	s0 =	simm.s32 @p2 $0x1  }
0x17: {  	s4 =	simm.s32 $0x1BF5;
	[smem:$0x3FAC] =	sst s0  }
0x18: {  	s0 =	sld [smem:$0x3F8F];
	_ =	swait.ge [sflag:s4], $0x0  }
0x19: {  	s7 =	sld [smem:$0x3F90]  }
0x1a: {  	s8 =	sadd.s32 $0xFFFFE003, lr  }
0x1b: {  	s9 =	sadd.s32 $0xFFFFFEF7, lr;
	s5 =	simm.s32 $0xFFFFFFFF;
	p2 =	slt.u32 s8, $0xFFFFF086  }
0x1c: {  	p1 =	slt.u32 s9, $0xF7A;
	s5 =	simm.s32 @!p2 $0x0  }
0x1d: {  	s5 =	simm.s32 @p1 $0x1;
	p0 =	seq.s32 s7, s2  }
0x1e: {  	s7 =	smul.u32 @!p0 $0xF7A, s2;
	p2 =	seq.s32 @!p0 s5, $0x0  }
0x1f: {  	s9 =	smul.u32 $0xF7A, s1;
	s8 =	simm.s32 @!p0 $0x1BF5;
	p2 =	por !p2, p0  }
0x20: {  	[sflag:s8] =	ssyncset.s32 @!p0 $0xFFFFF086;
	s6 =	sadd.s32 @!p0 s3, s7;
	s7 =	simm.s32 @!p0 $0x108  }
0x21: {  	s3 =	sadd.s32 s3, s9;
	s6 =	sadd.s32 @!p0 $0x88, s6;
	s7 =	simm.s32 @p2 $0x1082  }
0x22: {  	[simem:s7], [sflag:s8] =	dma.local @!p0 [hbm:s6], $0xF7A  }
0x23: {  	s9 =	sor.u32 $0xD0000000, s2;
	s6 =	simm.s32 $0x108;
	_ =	swait.ge @!p0 [sflag:s8], $0x0  }
0x24: {  	s3 =	sadd.s32 $0x88, s3;
	s6 =	simm.s32 @!p1 $0x1082;
	[sflag:s4] =	ssyncset.s32 $0xFFFFF086  }
0x25: {  	[simem:s6], [sflag:s4] =	dma.local [hbm:s3], $0xF7A  }
0x26: {  	[smem:$0x3F90] =	sst s1;
	(tag) =	ssettag s2;
	_ =	strace s9  }
0x27: {  	s1 =	sld [smem:$0x3FA0]  }
0x28: {  	s2 =	sld [smem:$0x3FA1]  }
0x29: {  	s4 =	sld [smem:$0x3FA3]  }
0x2a: {  	p0 =	seq.s32 s5, $0x0;
	s5 =	sld [smem:$0x3FA4]  }
0x2b: {  	s6 =	sld [smem:$0x3FA5]  }
0x2c: {  	s7 =	sld [smem:$0x3FA6]  }
0x2d: {  	s3 =	simm.s32 $0x108;
	s8 =	sld [smem:$0x3FA7]  }
0x2e: {  	s3 =	simm.s32 @!p0 $0x1082;
	s9 =	sld [smem:$0x3FA8]  }
0x2f: {  	lr =	sadd.s32 s0, s3;
	s0 =	sld [smem:$0x3F9F]  }
0x30: {  	s3 =	sld [smem:$0x3FA2]  }
0x31: {  	[smem:$0x3FAB] =	sst s10  }
0x32: {  	s10 =	sld [smem:$0x3FA9];
	_ =	sdelay $0x3  }
0x33: {  	p0 =	seq.s32 s10, $0x1;
	s10 =	sld [smem:$0x3FAB];
	_ =	sdelay $0x3  }
0x34: {  	[smem:$0x3FAB] =	sst s10  }
0x35: {  	s10 =	sld [smem:$0x3FAA];
	_ =	sdelay $0x3  }
0x36: {  	p1 =	seq.s32 s10, $0x1;
	s10 =	sld [smem:$0x3FAB];
	_ =	sdelay $0x3  }
0x37: {  	[smem:$0x3FAB] =	sst s10  }
0x38: {  	s10 =	sld [smem:$0x3FAC]  }
0x39: {  	_ = 	snop;
	(pc) =	sbr.ind lr, $3  }
0x3a: {  	_ = 	snop  }
0x3b: {  	_ = 	snop  }
0x3c: {  	p2 =	seq.s32 s10, $0x1;
	s10 =	sld [smem:$0x3FAB]  }
0x3d: {  	_ =	shalt  }
0x3e: {  	_ =	shalt  }
0x3f: {  	_ =	shalt  }
0x40: {  	_ =	shalt  }
0x41: {  	_ =	shalt  }
0x42: {  	_ =	shalt  }
0x43: {  	_ =	shalt  }
0x44: {  	_ =	shalt  }
0x45: {  	_ =	shalt  }
0x46: {  	_ =	shalt  }
0x47: {  	_ =	shalt  }
0x48: {  	_ =	shalt  }
0x49: {  	_ =	shalt  }
0x4a: {  	_ =	shalt  }
0x4b: {  	_ =	shalt  }
0x4c: {  	_ =	shalt  }
0x4d: {  	_ =	shalt  }
0x4e: {  	_ =	shalt  }
0x4f: {  	_ =	shalt  }
0x50: {  	_ =	shalt  }
0x51: {  	_ =	shalt  }
0x52: {  	_ =	shalt  }
0x53: {  	_ =	shalt  }
0x54: {  	_ =	shalt  }
0x55: {  	_ =	shalt  }
0x56: {  	_ =	shalt  }
0x57: {  	_ =	shalt  }
0x58: {  	_ =	shalt  }
0x59: {  	_ =	shalt  }
0x5a: {  	_ =	shalt  }
0x5b: {  	_ =	shalt  }
0x5c: {  	_ =	shalt  }
0x5d: {  	_ =	shalt  }
0x5e: {  	_ =	shalt  }
0x5f: {  	_ =	shalt  }
0x60: {  	_ =	shalt  }
0x61: {  	_ =	shalt  }
0x62: {  	_ =	shalt  }
0x63: {  	_ =	shalt  }
0x64: {  	_ =	shalt  }
0x65: {  	_ =	shalt  }
0x66: {  	_ =	shalt  }
0x67: {  	_ =	shalt  }
0x68: {  	_ =	shalt  }
0x69: {  	_ =	shalt  }
0x6a: {  	_ =	shalt  }
0x6b: {  	_ =	shalt  }
0x6c: {  	_ =	shalt  }
0x6d: {  	_ =	shalt  }
0x6e: {  	_ =	shalt  }
0x6f: {  	_ =	shalt  }
0x70: {  	_ =	shalt  }
0x71: {  	_ =	shalt  }
0x72: {  	_ =	shalt  }
0x73: {  	_ =	shalt  }
0x74: {  	_ =	shalt  }
0x75: {  	_ =	shalt  }
0x76: {  	_ =	shalt  }
0x77: {  	_ =	shalt  }
0x78: {  	_ =	shalt  }
0x79: {  	_ =	shalt  }
0x7a: {  	_ =	shalt  }
0x7b: {  	_ =	shalt  }
0x7c: {  	_ =	shalt  }
0x7d: {  	_ =	shalt  }
0x7e: {  	_ =	shalt  }
0x7f: {  	_ =	shalt  }
0x80: {  	_ =	shalt  }
0x81: {  	_ =	shalt  }
0x82: {  	_ =	shalt  }
0x83: {  	_ =	shalt  }
0x84: {  	_ =	shalt  }
0x85: {  	_ =	shalt  }
0x86: {  	_ =	shalt  }
0x87: {  	_ =	shalt  }
.Lfunc_end0:
.L_simem_size_0:
called_computation_lowered:
.L_overlay_start_0:
0x88: {  	s2 =	sld [smem:$0x3FD9]  }
0x89: {  	s3 =	sld [smem:$0x3FFE];
	_ =	sdelay $0x1  }
0x8a: {  	s1 =	srdreg.scid  }
0x8b: {  	s0 =	sand.u32 $0x1, s1  }
0x8c: {  	s17 =	sshll.u32 s0, $0xA;
	s2 =	sadd.s32 s3, s2  }
0x8d: {  	s2 =	sadd.s32 s2, s17  }
0x8e: {  	[smem:$0x3FB7] =	sst s2  }
0x8f: {  	_ = 	snop  }
0x90: {  	s2 =	sld [smem:$0x3FC9];
	(tm) =	ssettm $0x1  }
0x91: {  	s18 =	sld [smem:$0x3FFB];
	_ =	sdelay $0x3  }
0x92: {  	_ =	strace s18  }
0x93: {  	s3 =	sld [smem:$0x3FFC];
	_ =	sdelay $0x3  }
0x94: {  	_ =	strace s3  }
0x95: {  	s3 =	sld [smem:$0x3FFD];
	_ =	sdelay $0x3  }
0x96: {  	_ =	strace s3  }
0x97: {  	_ =	strace $0x8FFFFFFF  }
0x98: {  	s19 =	sld [smem:$0x3FDB];
	_ =	sdelay $0x1  }
0x99: {  	s4 =	simm.s32 $_scs_section_size  }
0x9a: {  	s5 =	simm.s32 $_size__tile_overlayer_lowered;
	s6 =	simm.s32 $_tile_overlayer_lowered  }
0x9b: {  	s22 =	simm.s32 $0x1BFF;
	s21 =	sshll.u32 s6, $0x1;
	s3 =	sadd.s32 s4, s19  }
0x9c: {  	s7 =	simm.s32 $0x0;
	s20 =	sshll.u32 s5, $0x1;
	s5 =	sadd.s32 s21, s3  }
0x9d: {  	[timem:s7], [sflag:s22] =	dma.local [hbm:s5], s20  }
0x9e: {  	_ =	swait.ge [sflag:s22], s20  }
0x9f: {  	s4 =	ssub.s32 $0x0, s20;
	[sflag:s22] =	ssyncset.done $0x0  }
0xa0: {  	[sflag:s22] =	ssyncadd.s32 s4;
	_ =	sdelay $0x1  }
0xa1: {  	s23 =	simm.s32 $0x1B8B  }
0xa2: {  	_ =	swait.ge [sflag:s23], $0x1  }
0xa3: {  	[sflag:s23] =	ssyncset.done $0x0  }
0xa4: {  	s25 =	simm.s32 $0x1B8E;
	s24 =	sld [smem:$0x3FFE];
	[sflag:s23] =	ssyncadd.s32 $0xFFFFFFFF  }
0xa5: {  	s26 =	simm.s32 $execute0_lowered;
	[smem:$0x3FD2] =	sst s25  }
0xa6: {  	s5 =	sshll.u32 s26, $0x1;
	_ =	strace $0x80000046;
	[dreg:$0x1] =	wrdreg $0xFFFFFFFF  }
0xa7: {  	s28 =	simm.s32 $_size_execute0_lowered;
	s3 =	sadd.s32 s3, s5;
	[dreg:$0x0] =	wrdreg $0x0  }
0xa8: {  	s5 =	sshll.u32 s28, $0x1;
	[dreg:$0x2] =	wrdreg s3  }
0xa9: {  	[dreg:$0x3] =	wrdreg s5  }
0xaa: {  	[dreg:$0x4] =	wrdreg $0xC0  }
0xab: {  	_ =	task [dreg:s7], $0x5FFFF  }
0xac: {  	[dreg:$0x1] =	wrdreg $0xFFFFFFFF  }
0xad: {  	[dreg:$0x0] =	wrdreg $0x60  }
0xae: {  	[dreg:$0x2] =	wrdreg s2  }
0xaf: {  	[dreg:$0x3] =	wrdreg s24  }
0xb0: {  	[dreg:$0x4] =	wrdreg $0xA0000  }
0xb1: {  	[dreg:$0x5] =	wrdreg $0x9  }
0xb2: {  	_ =	task.clear_ibuf [dreg:s7], $0x6FFFF;
	_ =	strace $0x90000046  }
0xb3: {  	s29 =	simm.s32 $0x9;
	_ =	strace $0x80000048  }
0xb4: {  	_ =	swait.ge [sflag:s29], $0x1  }
0xb5: {  	[sflag:s29] =	ssyncadd.s32 $0xFFFFFFFF  }
0xb6: {  	_ =	strace $0x90000048  }
0xb7: {  	_ =	sfence  }
0xb8: {  	s30 =	sld [smem:$0x0];
	_ =	sdelay $0x2  }
0xb9: {  	s31 =	sshll.u32 s1, $0xD;
	s1 =	sshrl.u32 s1, $0x2  }
0xba: {  	s3 =	sand.u32 $0x4000, s31;
	s1 =	sadd.s32 s1, s30  }
0xbb: {  	s0 =	sor.u32 s3, s0;
	s1 =	sshll.u32 s1, $0x11  }
0xbc: {  	s0 =	sor.u32 s1, s0  }
0xbd: {  	s0 =	sadd.s32 $0x8F2B, s0  }
0xbe: {  	[sflag:s0] =	ssyncadd.remote.s32 $0x1  }
0xbf: {  	_ =	sfence.sel $0xFFFF  }
0xc0: {  	[dreg:$0x0] =	wrdreg $0xFFFFFFFF;
	(pc) =	sbr.abs _section_cstart, $3  }
0xc1: {  	[dreg:$0x1] =	wrdreg $0xFFFFFFFF  }
0xc2: {  	_ =	task.clear_ibuf [dreg:s7], $0x2FFFF;
	_ =	strace $0x9FFFFFFF  }
0xc3: {  	(tm) =	ssettm $0x7FFFFFFF  }
tec
execute0_lowered:
.L_overlay_start_1:
0x0: {  	(tag) =	ssettag $0x1  }
0x1: {  	s0 =	rddreg [dreg:$0x0]  }
0x2: {  	s1 =	srdreg.scid;
	s2 =	rddreg [dreg:$0x1]  }
0x3: {  	s3 =	rddreg [dreg:$0x2];
	s10 =	stileid.u32  }
0x4: {  	s5 =	simm.s32 $0x0;
	s28 =	simm.s32 $0x3;
	s29 =	simm.s32 $0x6800  }
0x5: {  	s30 =	simm.s32 $0x8400;
	s31 =	simm.s32 $0x32;
	s1 =	sand.u32 $0x1, s1  }
0x6: {  	[smem:$0x7FF] =	sst s5;
	s14 =	sadd.s32 $0x2600, s2;
	s6 =	smul.u32 $0x4E000, s10  }
0x7: {  	s7 =	sadd.s32 $0x1C600, s2;
	s2 =	sadd.s32 $0x36600, s2;
	s25 =	smul.u32 $0x13800, s10  }
0x8: {  	p0 =	sne.s32 s10, $0xF;
	s5 =	simm.s32 $0x3180;
	s4 =	sshll.u32 s1, $0x4  }
0x9: {  	_ =	strace $0x80000047;
	s8 =	ssub.s32 $0x2, s1;
	s1 =	smul.u32 $0x138800, s1  }
0xa: {  	s4 =	sor.u32 s10, s4;
	s9 =	sshrl.u32 s8, $0x1;
	s6 =	sshrl.u32 s6, $0x2  }
0xb: {  	s4 =	smul.u32 $0x6800, s4;
	s8 =	ssub.s32 s8, s9;
	s6 =	sadd.s32 s6, s3  }
0xc: {  	s26 =	sadd.s32 s25, s1;
	s1 =	sshrl.u32 s1, $0x3;
	s18 =	sadd.s32 $0x1900, s6  }
0xd: {  	s9 =	simm.s32 $0x0;
	s19 =	sadd.s32 $0x3200, s6;
	[dreg:$0x6] =	wrdreg s18  }
0xe: {  	s20 =	sadd.s32 $0x4B00, s6;
	s21 =	sadd.s32 $0x6400, s6;
	[dreg:$0x7] =	wrdreg s19  }
0xf: {  	s22 =	sadd.s32 $0x7D00, s6;
	s23 =	sadd.s32 $0x9600, s6;
	[dreg:$0x8] =	wrdreg s20  }
0x10: {  	s24 =	sadd.s32 $0xAF00, s6;
	s15 =	sadd.s32 $0xC800, s6;
	[dreg:$0x9] =	wrdreg s21  }
0x11: {  	s1 =	sadd.s32 s2, s1;
	s25 =	smax.u32 s8, $0x1;
	[dreg:$0xa] =	wrdreg s22  }
0x12: {  	s8 =	simm.s32 $0x6580;
	s4 =	sshrl.u32 s4, $0x3;
	[dreg:$0xb] =	wrdreg s23  }
0x13: {  	[dreg:$0xc] =	wrdreg s24;
	s18 =	sadd.s32 $0x11300, s6;
	s21 =	sadd.s32 $0x12C00, s6  }
0x14: {  	s23 =	sadd.s32 $0x138000, s3;
	s24 =	sadd.s32 $0x27000, s1;
	s16 =	sadd.s32 s14, s4  }
0x15: {  	s1 =	simm.s32 $0x1;
	s17 =	sadd.s32 s7, s4;
	[dreg:$0x4] =	wrdreg s16  }
0x16: {  	s4 =	sadd.s32 $0x680, s4;
	[dreg:$0x5] =	wrdreg s17;
	s16 =	sadd.s32 $0xE100, s6  }
0x17: {  	s17 =	sadd.s32 $0xFA00, s6;
	s19 =	sadd.s32 s14, s4;
	s20 =	sadd.s32 s7, s4  }
0x18: {  	s4 =	sshrl.u32 s26, $0x3;
	s26 =	simm.s32 $0x3400;
	s7 =	simm.s32 $0x6500  }
0x19: {  	v0 =	vimm.f32 $0.0e+00;
	s22 =	sadd.s32 s2, s4;
	s2 =	simm.s32 $0x4;
	s4 =	simm.s32 $0x2  }
.LBB2_1:
0x1a: {  	s10 =	simm.s32 $0x0;
	s11 =	rddreg [dreg:$0x4]  }
0x1b: {  	[tilespmem:s10], [sflag:$0x3] =	stream.linear.gather [hbm4b:s11+s10], $0x3200, $0x38;
	[tilespmem:$0x1D880] =	vst v63  }
0x1c: {  	s14 =	rddreg [dreg:$0x5]  }
0x1d: {  	[tilespmem:s26], [sflag:$0x3] =	stream.linear.gather [hbm4b:s14+s10], $0x3200, $0x38;
	[tilespmem:$0x1D880] =	vst v63  }
0x1e: {  	s11 =	simm.s32 $0x0;
	s10 =	simm.s32 $0x40  }
.LBB2_2:
0x1f: {  	p1 =	sne.s32 s10, $0x63C0;
	[tilespmem:s11+$0x6800] =	vst v0;
	s12 =	smov.u32 s10;
	s10 =	sadd.s32 $0x40, s10  }
.Ltmp0:
0x20: {  	[tilespmem:s11+$0x8400] =	vst v0;
	(pc) =	sbr.rel @p1 .LBB2_2-.Ltmp0, $2  }
0x21: {  	_ =	sdelay $0x2  }
0x22: {  	s11 =	sshra.s32 s12, $0x2  }
0x23: {  	[tilespmem:s11+$0x6800] =	vst v0  }
0x24: {  	[tilespmem:s11+$0x8400] =	vst v0  }
0x25: {  	_ =	swait.ge [sflag:s28], $0x3200  }
0x26: {  	[sflag:s28] =	ssyncset.done $0x0  }
0x27: {  	[sflag:s28] =	ssyncadd.s32 $0xFFFFCE00  }
0x28: {  	_ =	swait.ge [sflag:s28], $0x3200  }
0x29: {  	[sflag:s28] =	ssyncset.done $0x0  }
0x2a: {  	[sflag:s28] =	ssyncadd.s32 $0xFFFFCE00  }
0x2b: {  	[spmem:s6] =	stream.linear.scatter [tilespmem:s29], [sflag:$0x3], $0x1900, $0x38;
	[tilespmem:$0x1D880] =	vst v63  }
0x2c: {  	s10 =	rddreg [dreg:$0x6]  }
0x2d: {  	[spmem:s10] =	stream.linear.scatter [tilespmem:s30], [sflag:$0x3], $0x1900, $0x38;
	[tilespmem:$0x1D880] =	vst v63  }
0x2e: {  	s12 =	rddreg [dreg:$0x7]  }
0x2f: {  	[spmem:s12] =	stream.linear.scatter [tilespmem:s29], [sflag:$0x3], $0x1900, $0x38;
	[tilespmem:$0x1D880] =	vst v63  }
0x30: {  	s13 =	rddreg [dreg:$0x8]  }
0x31: {  	[spmem:s13] =	stream.linear.scatter [tilespmem:s30], [sflag:$0x3], $0x1900, $0x38;
	[tilespmem:$0x1D880] =	vst v63  }
0x32: {  	s14 =	rddreg [dreg:$0x9]  }
0x33: {  	[spmem:s14] =	stream.linear.scatter [tilespmem:s29], [sflag:$0x3], $0x1900, $0x38;
	[tilespmem:$0x1D880] =	vst v63  }
0x34: {  	s11 =	rddreg [dreg:$0xa]  }
0x35: {  	[spmem:s11] =	stream.linear.scatter [tilespmem:s30], [sflag:$0x3], $0x1900, $0x38;
	[tilespmem:$0x1D880] =	vst v63  }
0x36: {  	s12 =	rddreg [dreg:$0xb]  }
0x37: {  	[spmem:s12] =	stream.linear.scatter [tilespmem:s29], [sflag:$0x3], $0x1900, $0x38;
	[tilespmem:$0x1D880] =	vst v63  }
0x38: {  	s13 =	rddreg [dreg:$0xc]  }
0x39: {  	[spmem:s13] =	stream.linear.scatter [tilespmem:s30], [sflag:$0x3], $0x1900, $0x38;
	[tilespmem:$0x1D880] =	vst v63  }
0x3a: {  	_ = 	snop  }
0x3b: {  	[spmem:s15] =	stream.linear.scatter [tilespmem:s29], [sflag:$0x3], $0x1900, $0x38;
	[tilespmem:$0x1D880] =	vst v63  }
0x3c: {  	_ = 	snop  }
0x3d: {  	[spmem:s16] =	stream.linear.scatter [tilespmem:s30], [sflag:$0x3], $0x1900, $0x38;
	[tilespmem:$0x1D880] =	vst v63  }
0x3e: {  	_ = 	snop  }
0x3f: {  	[spmem:s17] =	stream.linear.scatter [tilespmem:s29], [sflag:$0x3], $0x1900, $0x38;
	[tilespmem:$0x1D880] =	vst v63  }
0x40: {  	_ = 	snop  }
0x41: {  	[spmem:s18] =	stream.linear.scatter [tilespmem:s30], [sflag:$0x3], $0x1900, $0x38;
	[tilespmem:$0x1D880] =	vst v63  }
0x42: {  	_ = 	snop  }
0x43: {  	[spmem:s21] =	stream.linear.scatter [tilespmem:s29], [sflag:$0x3], $0xC00, $0x38;
	[tilespmem:$0x1D880] =	vst v63  }
0x44: {  	s10 =	simm.s32 @!p0 $0x8400  }
0x45: {  	[spmem:s23] =	stream.linear.scatter @!p0 [tilespmem:s10], [sflag:$0x4], $0x800, $0x38;
	[tilespmem:$0x1D880] =	vst v63  }
0x46: {  	s10 =	simm.s32 @!p0 $0x4  }
0x47: {  	_ =	swait.ge @!p0 [sflag:s10], $0x800  }
0x48: {  	[sflag:s10] =	ssyncset.done @!p0 $0x0  }
0x49: {  	[sflag:s10] =	ssyncadd.s32 @!p0 $0xFFFFF800  }
0x4a: {  	_ =	swait.ge [sflag:s28], $0x1900  }
0x4b: {  	[sflag:s28] =	ssyncset.done $0x0  }
0x4c: {  	[sflag:s28] =	ssyncadd.s32 $0xFFFFE700  }
0x4d: {  	_ =	swait.ge [sflag:s28], $0x1900  }
0x4e: {  	[sflag:s28] =	ssyncset.done $0x0  }
0x4f: {  	[sflag:s28] =	ssyncadd.s32 $0xFFFFE700  }
0x50: {  	_ =	swait.ge [sflag:s28], $0x1900  }
0x51: {  	[sflag:s28] =	ssyncset.done $0x0  }
0x52: {  	[sflag:s28] =	ssyncadd.s32 $0xFFFFE700  }
0x53: {  	_ =	swait.ge [sflag:s28], $0x1900  }
0x54: {  	[sflag:s28] =	ssyncset.done $0x0  }
0x55: {  	[sflag:s28] =	ssyncadd.s32 $0xFFFFE700  }
0x56: {  	_ =	swait.ge [sflag:s28], $0x1900  }
0x57: {  	[sflag:s28] =	ssyncset.done $0x0  }
0x58: {  	[sflag:s28] =	ssyncadd.s32 $0xFFFFE700  }
0x59: {  	_ =	swait.ge [sflag:s28], $0x1900  }
0x5a: {  	[sflag:s28] =	ssyncset.done $0x0  }
0x5b: {  	[sflag:s28] =	ssyncadd.s32 $0xFFFFE700  }
0x5c: {  	_ =	swait.ge [sflag:s28], $0x1900  }
0x5d: {  	[sflag:s28] =	ssyncset.done $0x0  }
0x5e: {  	[sflag:s28] =	ssyncadd.s32 $0xFFFFE700  }
0x5f: {  	_ =	swait.ge [sflag:s28], $0x1900  }
0x60: {  	[sflag:s28] =	ssyncset.done $0x0  }
0x61: {  	[sflag:s28] =	ssyncadd.s32 $0xFFFFE700  }
0x62: {  	_ =	swait.ge [sflag:s28], $0x1900  }
0x63: {  	[sflag:s28] =	ssyncset.done $0x0  }
0x64: {  	[sflag:s28] =	ssyncadd.s32 $0xFFFFE700  }
0x65: {  	_ =	swait.ge [sflag:s28], $0x1900  }
0x66: {  	[sflag:s28] =	ssyncset.done $0x0  }
0x67: {  	[sflag:s28] =	ssyncadd.s32 $0xFFFFE700  }
0x68: {  	_ =	swait.ge [sflag:s28], $0x1900  }
0x69: {  	[sflag:s28] =	ssyncset.done $0x0  }
0x6a: {  	[sflag:s28] =	ssyncadd.s32 $0xFFFFE700  }
0x6b: {  	_ =	swait.ge [sflag:s28], $0x1900  }
0x6c: {  	[sflag:s28] =	ssyncset.done $0x0  }
0x6d: {  	[sflag:s28] =	ssyncadd.s32 $0xFFFFE700  }
0x6e: {  	_ =	swait.ge [sflag:s28], $0xC00  }
0x6f: {  	[sflag:s28] =	ssyncset.done $0x0  }
0x70: {  	s14 =	simm.s32 $0x0;
	[sflag:s28] =	ssyncadd.s32 $0xFFFFF400  }
0x71: {  	[tilespmem:s29], [sflag:$0x1] =	stream.indirect.gather [hbm4b:s0+s31], $0x80, s14, s31, $0xb8;
	[tilespmem:$0x1D880] =	vst v63  }
0x72: {  	s11 =	simm.s32 $0x80;
	[bflag:$0x0] =	sbarrier.arrive $0xFFFF  }
0x73: {  	[tilespmem:s30], [sflag:$0x2] =	stream.indirect.gather [hbm4b:s0+s31], $0x80, s11, s31, $0xb8;
	[tilespmem:$0x1D880] =	vst v63  }
0x74: {  	_ =	swait.ge [sflag:s1], $0x1900  }
0x75: {  	[sflag:s1] =	ssyncset.done $0x0  }
0x76: {  	s12 =	simm.s32 $0x3400;
	[sflag:s1] =	ssyncadd.s32 $0xFFFFE700  }
0x77: {  	[spmem:s3] =	stream.indirect.scatter.add.f32 [tilespmem:s29], [sflag:$0x4], $0x80, s12, s31, $0xb8;
	[tilespmem:$0x1D880] =	vst v63  }
0x78: {  	_ =	swait.ge [sflag:s2], $0x1900  }
0x79: {  	[sflag:s2] =	ssyncset.done $0x0  }
0x7a: {  	s13 =	simm.s32 $0x100;
	[sflag:s2] =	ssyncadd.s32 $0xFFFFE700  }
0x7b: {  	[tilespmem:s29], [sflag:$0x1] =	stream.indirect.gather [hbm4b:s0+s31], $0x80, s13, s31, $0xb8;
	[tilespmem:$0x1D880] =	vst v63  }
0x7c: {  	_ =	swait.ge [sflag:s4], $0x1900  }
0x7d: {  	[sflag:s4] =	ssyncset.done $0x0  }
0x7e: {  	s14 =	simm.s32 $0x3480;
	[sflag:s4] =	ssyncadd.s32 $0xFFFFE700  }
0x7f: {  	[spmem:s3] =	stream.indirect.scatter.add.f32 [tilespmem:s30], [sflag:$0x4], $0x80, s14, s31, $0xb8;
	[tilespmem:$0x1D880] =	vst v63  }
0x80: {  	_ =	swait.ge [sflag:s2], $0x1900  }
0x81: {  	s10 =	simm.s32 $0x100;
	s11 =	simm.s32 $0x800;
	[sflag:s2] =	ssyncset.done $0x0  }
.LBB2_4:
0x82: {  	s12 =	sadd.s32 $0x80, s10  }
0x83: {  	[sflag:s2] =	ssyncadd.s32 $0xFFFFE700;
	s13 =	smov.u32 s11;
	s14 =	sadd.s32 $0x400, s11  }
0x84: {  	[tilespmem:s30], [sflag:$0x2] =	stream.indirect.gather [hbm4b:s0+s31], $0x80, s12, s31, $0xb8;
	[tilespmem:$0x1D880] =	vst v63  }
0x85: {  	p1 =	sne.s32 s11, $0xC000;
	_ =	swait.ge [sflag:s1], $0x1900  }
0x86: {  	[sflag:s1] =	ssyncset.done $0x0  }
0x87: {  	s11 =	sadd.s32 $0x3400, s10;
	[sflag:s1] =	ssyncadd.s32 $0xFFFFE700  }
0x88: {  	[spmem:s3] =	stream.indirect.scatter.add.f32 [tilespmem:s29], [sflag:$0x4], $0x80, s11, s31, $0xb8;
	[tilespmem:$0x1D880] =	vst v63  }
0x89: {  	_ =	swait.ge [sflag:s2], $0x1900  }
0x8a: {  	[sflag:s2] =	ssyncset.done $0x0  }
0x8b: {  	s11 =	sadd.s32 $0x100, s10;
	[sflag:s2] =	ssyncadd.s32 $0xFFFFE700  }
0x8c: {  	[tilespmem:s29], [sflag:$0x1] =	stream.indirect.gather [hbm4b:s0+s31], $0x80, s11, s31, $0xb8;
	[tilespmem:$0x1D880] =	vst v63  }
0x8d: {  	_ =	swait.ge [sflag:s4], $0x1900  }
.Ltmp1:
0x8e: {  	[sflag:s4] =	ssyncset.done $0x0;
	(pc) =	sbr.rel @p1 .LBB2_4-.Ltmp1, $4  }
0x8f: {  	s10 =	sadd.s32 $0x3480, s10;
	[sflag:s4] =	ssyncadd.s32 $0xFFFFE700  }
0x90: {  	[spmem:s3] =	stream.indirect.scatter.add.f32 [tilespmem:s30], [sflag:$0x4], $0x80, s10, s31, $0xb8;
	[tilespmem:$0x1D880] =	vst v63  }
0x91: {  	_ =	swait.ge [sflag:s2], $0x1900  }
0x92: {  	s11 =	smov.u32 s14;
	s10 =	sshra.s32 s13, $0x2;
	[sflag:s2] =	ssyncset.done $0x0  }
0x93: {  	s11 =	sadd.s32 $0x80, s10;
	[sflag:s2] =	ssyncadd.s32 $0xFFFFE700  }
0x94: {  	[tilespmem:s30], [sflag:$0x2] =	stream.indirect.gather [hbm4b:s0+s31], $0x80, s11, s31, $0xb8;
	[tilespmem:$0x1D880] =	vst v63  }
0x95: {  	_ =	swait.ge [sflag:s1], $0x1900  }
0x96: {  	[sflag:s1] =	ssyncset.done $0x0  }
0x97: {  	s14 =	sadd.s32 $0x3400, s10;
	[sflag:s1] =	ssyncadd.s32 $0xFFFFE700  }
0x98: {  	[spmem:s3] =	stream.indirect.scatter.add.f32 [tilespmem:s29], [sflag:$0x4], $0x80, s14, s31, $0xb8;
	[tilespmem:$0x1D880] =	vst v63  }
0x99: {  	_ =	swait.ge [sflag:s2], $0x1900  }
0x9a: {  	[sflag:s2] =	ssyncset.done $0x0  }
0x9b: {  	s12 =	sadd.s32 $0x100, s10;
	[sflag:s2] =	ssyncadd.s32 $0xFFFFE700  }
0x9c: {  	[tilespmem:s29], [sflag:$0x1] =	stream.indirect.gather [hbm4b:s0+s31], $0x80, s12, s31, $0xb8;
	[tilespmem:$0x1D880] =	vst v63  }
0x9d: {  	_ =	swait.ge [sflag:s4], $0x1900  }
0x9e: {  	[sflag:s4] =	ssyncset.done $0x0  }
0x9f: {  	s13 =	sadd.s32 $0x3480, s10;
	[sflag:s4] =	ssyncadd.s32 $0xFFFFE700  }
0xa0: {  	[spmem:s3] =	stream.indirect.scatter.add.f32 [tilespmem:s30], [sflag:$0x4], $0x80, s13, s31, $0xb8;
	[tilespmem:$0x1D880] =	vst v63  }
0xa1: {  	_ =	swait.ge [sflag:s2], $0x1900  }
0xa2: {  	[sflag:s2] =	ssyncset.done $0x0  }
0xa3: {  	[sflag:s2] =	ssyncadd.s32 $0xFFFFE700  }
0xa4: {  	[tilespmem:s30], [sflag:$0x2] =	stream.indirect.gather [hbm4b:s0+s31], $0x80, s5, s31, $0xb8;
	[tilespmem:$0x1D880] =	vst v63  }
0xa5: {  	_ =	swait.ge [sflag:s1], $0x1900  }
0xa6: {  	[sflag:s1] =	ssyncset.done $0x0  }
0xa7: {  	[sflag:s1] =	ssyncadd.s32 $0xFFFFE700  }
0xa8: {  	[spmem:s3] =	stream.indirect.scatter.add.f32 [tilespmem:s29], [sflag:$0x4], $0x80, s7, s31, $0xb8;
	[tilespmem:$0x1D880] =	vst v63  }
0xa9: {  	_ =	swait.ge [sflag:s2], $0x1900  }
0xaa: {  	[sflag:s2] =	ssyncset.done $0x0  }
0xab: {  	[sflag:s2] =	ssyncadd.s32 $0xFFFFE700  }
0xac: {  	_ =	swait.ge [sflag:s4], $0x1900  }
0xad: {  	[sflag:s4] =	ssyncset.done $0x0  }
0xae: {  	[sflag:s4] =	ssyncadd.s32 $0xFFFFE700  }
0xaf: {  	[spmem:s3] =	stream.indirect.scatter.add.f32 [tilespmem:s30], [sflag:$0x4], $0x80, s8, s31, $0xb8;
	[tilespmem:$0x1D880] =	vst v63  }
0xb0: {  	_ =	swait.ge [sflag:s2], $0x1900  }
0xb1: {  	[sflag:s2] =	ssyncset.done $0x0  }
0xb2: {  	s14 =	simm.s32 $0x0;
	[sflag:s2] =	ssyncadd.s32 $0xFFFFE700  }
0xb3: {  	[tilespmem:s14], [sflag:$0x4] =	stream.linear.gather [hbm4b:s19+s14], $0x3200, $0x38;
	[tilespmem:$0x1D880] =	vst v63  }
0xb4: {  	_ =	swait.ge [sflag:s2], $0x3200  }
0xb5: {  	[sflag:s2] =	ssyncset.done $0x0  }
0xb6: {  	[sflag:s2] =	ssyncadd.s32 $0xFFFFCE00  }
0xb7: {  	[tilespmem:s26], [sflag:$0x4] =	stream.linear.gather [hbm4b:s20+s14], $0x3200, $0x38;
	[tilespmem:$0x1D880] =	vst v63  }
0xb8: {  	_ =	swait.ge [sflag:s2], $0x3200  }
0xb9: {  	[sflag:s2] =	ssyncset.done $0x0  }
0xba: {  	[sflag:s2] =	ssyncadd.s32 $0xFFFFCE00  }
0xbb: {  	[tilespmem:s29], [sflag:$0x1] =	stream.indirect.gather [hbm4b:s0+s31], $0x80, s14, s31, $0xb8;
	[tilespmem:$0x1D880] =	vst v63  }
0xbc: {  	s11 =	simm.s32 $0x80  }
0xbd: {  	[tilespmem:s30], [sflag:$0x2] =	stream.indirect.gather [hbm4b:s0+s31], $0x80, s11, s31, $0xb8;
	[tilespmem:$0x1D880] =	vst v63  }
0xbe: {  	_ =	swait.ge [sflag:s1], $0x1900  }
0xbf: {  	[sflag:s1] =	ssyncset.done $0x0  }
0xc0: {  	s12 =	simm.s32 $0x3400;
	[sflag:s1] =	ssyncadd.s32 $0xFFFFE700  }
0xc1: {  	[spmem:s3] =	stream.indirect.scatter.add.f32 [tilespmem:s29], [sflag:$0x4], $0x80, s12, s31, $0xb8;
	[tilespmem:$0x1D880] =	vst v63  }
0xc2: {  	_ =	swait.ge [sflag:s2], $0x1900  }
0xc3: {  	[sflag:s2] =	ssyncset.done $0x0  }
0xc4: {  	s13 =	simm.s32 $0x100;
	[sflag:s2] =	ssyncadd.s32 $0xFFFFE700  }
0xc5: {  	[tilespmem:s29], [sflag:$0x1] =	stream.indirect.gather [hbm4b:s0+s31], $0x80, s13, s31, $0xb8;
	[tilespmem:$0x1D880] =	vst v63  }
0xc6: {  	_ =	swait.ge [sflag:s4], $0x1900  }
0xc7: {  	[sflag:s4] =	ssyncset.done $0x0  }
0xc8: {  	s14 =	simm.s32 $0x3480;
	[sflag:s4] =	ssyncadd.s32 $0xFFFFE700  }
0xc9: {  	[spmem:s3] =	stream.indirect.scatter.add.f32 [tilespmem:s30], [sflag:$0x4], $0x80, s14, s31, $0xb8;
	[tilespmem:$0x1D880] =	vst v63  }
0xca: {  	_ =	swait.ge [sflag:s2], $0x1900  }
0xcb: {  	s10 =	simm.s32 $0x100;
	s11 =	simm.s32 $0x800;
	[sflag:s2] =	ssyncset.done $0x0  }
.LBB2_6:
0xcc: {  	s12 =	sadd.s32 $0x80, s10  }
0xcd: {  	[sflag:s2] =	ssyncadd.s32 $0xFFFFE700;
	s13 =	smov.u32 s11;
	s14 =	sadd.s32 $0x400, s11  }
0xce: {  	[tilespmem:s30], [sflag:$0x2] =	stream.indirect.gather [hbm4b:s0+s31], $0x80, s12, s31, $0xb8;
	[tilespmem:$0x1D880] =	vst v63  }
0xcf: {  	p1 =	sne.s32 s11, $0xC000;
	_ =	swait.ge [sflag:s1], $0x1900  }
0xd0: {  	[sflag:s1] =	ssyncset.done $0x0  }
0xd1: {  	s11 =	sadd.s32 $0x3400, s10;
	[sflag:s1] =	ssyncadd.s32 $0xFFFFE700  }
0xd2: {  	[spmem:s3] =	stream.indirect.scatter.add.f32 [tilespmem:s29], [sflag:$0x4], $0x80, s11, s31, $0xb8;
	[tilespmem:$0x1D880] =	vst v63  }
0xd3: {  	_ =	swait.ge [sflag:s2], $0x1900  }
0xd4: {  	[sflag:s2] =	ssyncset.done $0x0  }
0xd5: {  	s11 =	sadd.s32 $0x100, s10;
	[sflag:s2] =	ssyncadd.s32 $0xFFFFE700  }
0xd6: {  	[tilespmem:s29], [sflag:$0x1] =	stream.indirect.gather [hbm4b:s0+s31], $0x80, s11, s31, $0xb8;
	[tilespmem:$0x1D880] =	vst v63  }
0xd7: {  	_ =	swait.ge [sflag:s4], $0x1900  }
.Ltmp2:
0xd8: {  	[sflag:s4] =	ssyncset.done $0x0;
	(pc) =	sbr.rel @p1 .LBB2_6-.Ltmp2, $4  }
0xd9: {  	s10 =	sadd.s32 $0x3480, s10;
	[sflag:s4] =	ssyncadd.s32 $0xFFFFE700  }
0xda: {  	[spmem:s3] =	stream.indirect.scatter.add.f32 [tilespmem:s30], [sflag:$0x4], $0x80, s10, s31, $0xb8;
	[tilespmem:$0x1D880] =	vst v63  }
0xdb: {  	_ =	swait.ge [sflag:s2], $0x1900  }
0xdc: {  	s11 =	smov.u32 s14;
	s10 =	sshra.s32 s13, $0x2;
	[sflag:s2] =	ssyncset.done $0x0  }
0xdd: {  	s11 =	sadd.s32 $0x80, s10;
	[sflag:s2] =	ssyncadd.s32 $0xFFFFE700  }
0xde: {  	[tilespmem:s30], [sflag:$0x2] =	stream.indirect.gather [hbm4b:s0+s31], $0x80, s11, s31, $0xb8;
	[tilespmem:$0x1D880] =	vst v63  }
0xdf: {  	_ =	swait.ge [sflag:s1], $0x1900  }
0xe0: {  	[sflag:s1] =	ssyncset.done $0x0  }
0xe1: {  	s13 =	sadd.s32 $0x3400, s10;
	[sflag:s1] =	ssyncadd.s32 $0xFFFFE700  }
0xe2: {  	[spmem:s3] =	stream.indirect.scatter.add.f32 [tilespmem:s29], [sflag:$0x4], $0x80, s13, s31, $0xb8;
	[tilespmem:$0x1D880] =	vst v63  }
0xe3: {  	_ =	swait.ge [sflag:s2], $0x1900  }
0xe4: {  	[sflag:s2] =	ssyncset.done $0x0  }
0xe5: {  	s14 =	sadd.s32 $0x100, s10;
	[sflag:s2] =	ssyncadd.s32 $0xFFFFE700  }
0xe6: {  	[tilespmem:s29], [sflag:$0x1] =	stream.indirect.gather [hbm4b:s0+s31], $0x80, s14, s31, $0xb8;
	[tilespmem:$0x1D880] =	vst v63  }
0xe7: {  	_ =	swait.ge [sflag:s4], $0x1900  }
0xe8: {  	[sflag:s4] =	ssyncset.done $0x0  }
0xe9: {  	s12 =	sadd.s32 $0x3480, s10;
	[sflag:s4] =	ssyncadd.s32 $0xFFFFE700  }
0xea: {  	[spmem:s3] =	stream.indirect.scatter.add.f32 [tilespmem:s30], [sflag:$0x4], $0x80, s12, s31, $0xb8;
	[tilespmem:$0x1D880] =	vst v63  }
0xeb: {  	_ =	swait.ge [sflag:s2], $0x1900  }
0xec: {  	[sflag:s2] =	ssyncset.done $0x0  }
0xed: {  	[sflag:s2] =	ssyncadd.s32 $0xFFFFE700  }
0xee: {  	[tilespmem:s30], [sflag:$0x2] =	stream.indirect.gather [hbm4b:s0+s31], $0x80, s5, s31, $0xb8;
	[tilespmem:$0x1D880] =	vst v63  }
0xef: {  	_ =	swait.ge [sflag:s1], $0x1900  }
0xf0: {  	[sflag:s1] =	ssyncset.done $0x0  }
0xf1: {  	[sflag:s1] =	ssyncadd.s32 $0xFFFFE700  }
0xf2: {  	[spmem:s3] =	stream.indirect.scatter.add.f32 [tilespmem:s29], [sflag:$0x4], $0x80, s7, s31, $0xb8;
	[tilespmem:$0x1D880] =	vst v63  }
0xf3: {  	_ =	swait.ge [sflag:s2], $0x1900  }
0xf4: {  	[sflag:s2] =	ssyncset.done $0x0  }
0xf5: {  	[sflag:s2] =	ssyncadd.s32 $0xFFFFE700  }
0xf6: {  	_ =	swait.ge [sflag:s4], $0x1900  }
0xf7: {  	[sflag:s4] =	ssyncset.done $0x0  }
0xf8: {  	[sflag:s4] =	ssyncadd.s32 $0xFFFFE700  }
0xf9: {  	[spmem:s3] =	stream.indirect.scatter.add.f32 [tilespmem:s30], [sflag:$0x4], $0x80, s8, s31, $0xb8;
	[tilespmem:$0x1D880] =	vst v63  }
0xfa: {  	_ =	swait.ge [sflag:s2], $0x1900  }
0xfb: {  	s13 =	stileid.u32;
	[sflag:s2] =	ssyncset.done $0x0  }
0xfc: {  	s10 =	sshll.u32 s13, $0x6;
	[sflag:s2] =	ssyncadd.s32 $0xFFFFE700  }
0xfd: {  	s10 =	sor.u32 $0x1C04, s10;
	s14 =	sshrl.u32 s6, $0x3;
	[bflag:$0x0] =	sbarrier.arrive $0xFFFF  }
0xfe: {  	[hbm:s22], [sflag:s10] =	dma.local [spmem:s14], $0x2700  }
0xff: {  	_ =	swait.ge [sflag:s2], $0x2700  }
0x100: {  	s9 =	sadd.s32 $0x1, s9;
	[sflag:s2] =	ssyncset.done $0x0  }
0x101: {  	s11 =	sshrl.u32 @!p0 s23, $0x3;
	p1 =	sne.s32 s9, s25;
	[sflag:s2] =	ssyncadd.s32 $0xFFFFD900  }
0x102: {  	[hbm:s24], [sflag:s10] =	dma.local @!p0 [spmem:s11], $0x100  }
.Ltmp3:
0x103: {  	_ = 	snop;
	(pc) =	sbr.rel @p1 .LBB2_1-.Ltmp3, $4  }
0x104: {  	s10 =	simm.s32 @!p0 $0x4  }
0x105: {  	_ =	swait.ge @!p0 [sflag:s10], $0x100  }
0x106: {  	[sflag:s10] =	ssyncset.done @!p0 $0x0  }
0x107: {  	[sflag:s10] =	ssyncadd.s32 @!p0 $0xFFFFFF00  }
0x108: {  	_ =	sfence.sel $0x180000  }
0x109: {  	[bflag:$0x0] =	sbarrier.arrive $0xFFFF  }
0x10a: {  	_ =	strace $0x90000047  }
0x10b: {  	s0 =	stileid.u32;
	[bflag:$0x2] =	sbarrier.arrive $0xFFFF  }
0x10c: {  	p0 =	sne.s32 s0, $0x0;
	s0 =	rddreg [dreg:$0x3]  }
0x10d: {  	s0 =	sadd.s32 @!p0 $0x100000, s0  }
0x10e: {  	[sflag:s0] =	ssyncadd.tile.s32 @!p0 $0x1;
	_ =	shalt  }
.Lfunc_end2:
_tile_overlayer_lowered:
.L_overlay_start_2:
0x10f: {  	(tag) =	ssettag $0x2  }
0x110: {  	s0 =	rddreg [dreg:$0x0];
	s2 =	stileid.u32  }
0x111: {  	s1 =	rddreg [dreg:$0x1];
	p0 =	sne.s32 s2, $0x0  }
0x112: {  	s3 =	rddreg [dreg:$0x2];
	[bflag:$0x3] =	sbarrier.arrive $0xFFFF;
	s2 =	simm.s32 @!p0 $0x1C04  }
0x113: {  	[timem:s3], [sflag:s2] =	dma.local @!p0 [hbm:s0], s1  }
0x114: {  	s0 =	simm.s32 @!p0 $0x4  }
0x115: {  	_ =	swait.ge @!p0 [sflag:s0], s1  }
0x116: {  	s1 =	ssub.s32 @!p0 $0x0, s1;
	[sflag:s0] =	ssyncset.done @!p0 $0x0  }
0x117: {  	[sflag:s0] =	ssyncadd.s32 @!p0 s1  }
0x118: {  	[bflag:$0x3] =	sbarrier.arrive $0xFFFF  }
0x119: {  	_ =	shalt  }

// kernel: kernel.9.cloned.1.call-start
scs
__scs_entry_jumppad:
0x0: {  	(pc) =	sbr.rel $0x88, $3  }
0x1: {  	(tag) =	ssettag $0x0;
	lr =	simm.s32 $0x1  }
0x2: {  	[smem:$0x3F90] =	sst lr;
	_ =	strace $0xD0000000  }
0x3: {  	_ = 	snop  }
0x4: {  	_ = 	snop  }
0x5: {  	_ = 	snop  }
0x6: {  	_ = 	snop  }
0x7: {  	_ = 	snop  }
__scs_overlays_trampoline_lowered:
0x8: {  	[smem:$0x3F9F] =	sst s0  }
0x9: {  	[smem:$0x3FA0] =	sst s1  }
0xa: {  	[smem:$0x3FA1] =	sst s2  }
0xb: {  	[smem:$0x3FA2] =	sst s3  }
0xc: {  	[smem:$0x3FA3] =	sst s4  }
0xd: {  	[smem:$0x3FA4] =	sst s5  }
0xe: {  	[smem:$0x3FA5] =	sst s6  }
0xf: {  	[smem:$0x3FA6] =	sst s7  }
0x10: {  	[smem:$0x3FA7] =	sst s8  }
0x11: {  	[smem:$0x3FA8] =	sst s9;
	s0 =	simm.s32 @!p0 $0x0  }
0x12: {  	s1 =	sld [smem:$0x3F8E];
	s0 =	simm.s32 @p0 $0x1  }
0x13: {  	[smem:$0x3FA9] =	sst s0;
	s0 =	simm.s32 @!p1 $0x0  }
0x14: {  	s2 =	sld [smem:$0x3F8D];
	s0 =	simm.s32 @p1 $0x1  }
0x15: {  	[smem:$0x3FAA] =	sst s0;
	s0 =	simm.s32 @!p2 $0x0  }
0x16: {  	s3 =	sld [smem:$0x3FDB];
	s0 =	simm.s32 @p2 $0x1  }
0x17: {  	s4 =	simm.s32 $0x1BF5;
	[smem:$0x3FAC] =	sst s0  }
0x18: {  	s0 =	sld [smem:$0x3F8F];
	_ =	swait.ge [sflag:s4], $0x0  }
0x19: {  	s7 =	sld [smem:$0x3F90]  }
0x1a: {  	s8 =	sadd.s32 $0xFFFFE003, lr  }
0x1b: {  	s9 =	sadd.s32 $0xFFFFFEF7, lr;
	s5 =	simm.s32 $0xFFFFFFFF;
	p2 =	slt.u32 s8, $0xFFFFF086  }
0x1c: {  	p1 =	slt.u32 s9, $0xF7A;
	s5 =	simm.s32 @!p2 $0x0  }
0x1d: {  	s5 =	simm.s32 @p1 $0x1;
	p0 =	seq.s32 s7, s2  }
0x1e: {  	s7 =	smul.u32 @!p0 $0xF7A, s2;
	p2 =	seq.s32 @!p0 s5, $0x0  }
0x1f: {  	s9 =	smul.u32 $0xF7A, s1;
	s8 =	simm.s32 @!p0 $0x1BF5;
	p2 =	por !p2, p0  }
0x20: {  	[sflag:s8] =	ssyncset.s32 @!p0 $0xFFFFF086;
	s6 =	sadd.s32 @!p0 s3, s7;
	s7 =	simm.s32 @!p0 $0x108  }
0x21: {  	s3 =	sadd.s32 s3, s9;
	s6 =	sadd.s32 @!p0 $0x88, s6;
	s7 =	simm.s32 @p2 $0x1082  }
0x22: {  	[simem:s7], [sflag:s8] =	dma.local @!p0 [hbm:s6], $0xF7A  }
0x23: {  	s9 =	sor.u32 $0xD0000000, s2;
	s6 =	simm.s32 $0x108;
	_ =	swait.ge @!p0 [sflag:s8], $0x0  }
0x24: {  	s3 =	sadd.s32 $0x88, s3;
	s6 =	simm.s32 @!p1 $0x1082;
	[sflag:s4] =	ssyncset.s32 $0xFFFFF086  }
0x25: {  	[simem:s6], [sflag:s4] =	dma.local [hbm:s3], $0xF7A  }
0x26: {  	[smem:$0x3F90] =	sst s1;
	(tag) =	ssettag s2;
	_ =	strace s9  }
0x27: {  	s1 =	sld [smem:$0x3FA0]  }
0x28: {  	s2 =	sld [smem:$0x3FA1]  }
0x29: {  	s4 =	sld [smem:$0x3FA3]  }
0x2a: {  	p0 =	seq.s32 s5, $0x0;
	s5 =	sld [smem:$0x3FA4]  }
0x2b: {  	s6 =	sld [smem:$0x3FA5]  }
0x2c: {  	s7 =	sld [smem:$0x3FA6]  }
0x2d: {  	s3 =	simm.s32 $0x108;
	s8 =	sld [smem:$0x3FA7]  }
0x2e: {  	s3 =	simm.s32 @!p0 $0x1082;
	s9 =	sld [smem:$0x3FA8]  }
0x2f: {  	lr =	sadd.s32 s0, s3;
	s0 =	sld [smem:$0x3F9F]  }
0x30: {  	s3 =	sld [smem:$0x3FA2]  }
0x31: {  	[smem:$0x3FAB] =	sst s10  }
0x32: {  	s10 =	sld [smem:$0x3FA9];
	_ =	sdelay $0x3  }
0x33: {  	p0 =	seq.s32 s10, $0x1;
	s10 =	sld [smem:$0x3FAB];
	_ =	sdelay $0x3  }
0x34: {  	[smem:$0x3FAB] =	sst s10  }
0x35: {  	s10 =	sld [smem:$0x3FAA];
	_ =	sdelay $0x3  }
0x36: {  	p1 =	seq.s32 s10, $0x1;
	s10 =	sld [smem:$0x3FAB];
	_ =	sdelay $0x3  }
0x37: {  	[smem:$0x3FAB] =	sst s10  }
0x38: {  	s10 =	sld [smem:$0x3FAC]  }
0x39: {  	_ = 	snop;
	(pc) =	sbr.ind lr, $3  }
0x3a: {  	_ = 	snop  }
0x3b: {  	_ = 	snop  }
0x3c: {  	p2 =	seq.s32 s10, $0x1;
	s10 =	sld [smem:$0x3FAB]  }
0x3d: {  	_ =	shalt  }
0x3e: {  	_ =	shalt  }
0x3f: {  	_ =	shalt  }
0x40: {  	_ =	shalt  }
0x41: {  	_ =	shalt  }
0x42: {  	_ =	shalt  }
0x43: {  	_ =	shalt  }
0x44: {  	_ =	shalt  }
0x45: {  	_ =	shalt  }
0x46: {  	_ =	shalt  }
0x47: {  	_ =	shalt  }
0x48: {  	_ =	shalt  }
0x49: {  	_ =	shalt  }
0x4a: {  	_ =	shalt  }
0x4b: {  	_ =	shalt  }
0x4c: {  	_ =	shalt  }
0x4d: {  	_ =	shalt  }
0x4e: {  	_ =	shalt  }
0x4f: {  	_ =	shalt  }
0x50: {  	_ =	shalt  }
0x51: {  	_ =	shalt  }
0x52: {  	_ =	shalt  }
0x53: {  	_ =	shalt  }
0x54: {  	_ =	shalt  }
0x55: {  	_ =	shalt  }
0x56: {  	_ =	shalt  }
0x57: {  	_ =	shalt  }
0x58: {  	_ =	shalt  }
0x59: {  	_ =	shalt  }
0x5a: {  	_ =	shalt  }
0x5b: {  	_ =	shalt  }
0x5c: {  	_ =	shalt  }
0x5d: {  	_ =	shalt  }
0x5e: {  	_ =	shalt  }
0x5f: {  	_ =	shalt  }
0x60: {  	_ =	shalt  }
0x61: {  	_ =	shalt  }
0x62: {  	_ =	shalt  }
0x63: {  	_ =	shalt  }
0x64: {  	_ =	shalt  }
0x65: {  	_ =	shalt  }
0x66: {  	_ =	shalt  }
0x67: {  	_ =	shalt  }
0x68: {  	_ =	shalt  }
0x69: {  	_ =	shalt  }
0x6a: {  	_ =	shalt  }
0x6b: {  	_ =	shalt  }
0x6c: {  	_ =	shalt  }
0x6d: {  	_ =	shalt  }
0x6e: {  	_ =	shalt  }
0x6f: {  	_ =	shalt  }
0x70: {  	_ =	shalt  }
0x71: {  	_ =	shalt  }
0x72: {  	_ =	shalt  }
0x73: {  	_ =	shalt  }
0x74: {  	_ =	shalt  }
0x75: {  	_ =	shalt  }
0x76: {  	_ =	shalt  }
0x77: {  	_ =	shalt  }
0x78: {  	_ =	shalt  }
0x79: {  	_ =	shalt  }
0x7a: {  	_ =	shalt  }
0x7b: {  	_ =	shalt  }
0x7c: {  	_ =	shalt  }
0x7d: {  	_ =	shalt  }
0x7e: {  	_ =	shalt  }
0x7f: {  	_ =	shalt  }
0x80: {  	_ =	shalt  }
0x81: {  	_ =	shalt  }
0x82: {  	_ =	shalt  }
0x83: {  	_ =	shalt  }
0x84: {  	_ =	shalt  }
0x85: {  	_ =	shalt  }
0x86: {  	_ =	shalt  }
0x87: {  	_ =	shalt  }
.Lfunc_end0:
.L_simem_size_0:
called_computation.1_lowered:
.L_overlay_start_0:
0x88: {  	s2 =	sld [smem:$0x3FD9]  }
0x89: {  	s3 =	sld [smem:$0x3FFE];
	_ =	sdelay $0x1  }
0x8a: {  	s1 =	srdreg.scid  }
0x8b: {  	s0 =	sand.u32 $0x1, s1  }
0x8c: {  	s16 =	sshll.u32 s0, $0xA;
	s2 =	sadd.s32 s3, s2  }
0x8d: {  	s2 =	sadd.s32 s2, s16  }
0x8e: {  	[smem:$0x3FB7] =	sst s2  }
0x8f: {  	_ = 	snop  }
0x90: {  	(tm) =	ssettm $0x1  }
0x91: {  	s17 =	sld [smem:$0x3FFB];
	_ =	sdelay $0x3  }
0x92: {  	_ =	strace s17  }
0x93: {  	s2 =	sld [smem:$0x3FFC];
	_ =	sdelay $0x3  }
0x94: {  	_ =	strace s2  }
0x95: {  	s2 =	sld [smem:$0x3FFD];
	_ =	sdelay $0x3  }
0x96: {  	_ =	strace s2  }
0x97: {  	_ =	strace $0x8FFFFFFF  }
0x98: {  	s18 =	sld [smem:$0x3FDB];
	_ =	sdelay $0x1  }
0x99: {  	s19 =	simm.s32 $_scs_section_size  }
0x9a: {  	s4 =	simm.s32 $_size__tile_overlayer_lowered;
	s5 =	simm.s32 $_tile_overlayer_lowered  }
0x9b: {  	s22 =	simm.s32 $0x1BFF;
	s21 =	sshll.u32 s5, $0x1;
	s2 =	sadd.s32 s19, s18  }
0x9c: {  	s6 =	simm.s32 $0x0;
	s20 =	sshll.u32 s4, $0x1;
	s4 =	sadd.s32 s21, s2  }
0x9d: {  	[timem:s6], [sflag:s22] =	dma.local [hbm:s4], s20  }
0x9e: {  	_ =	swait.ge [sflag:s22], s20  }
0x9f: {  	s3 =	ssub.s32 $0x0, s20;
	[sflag:s22] =	ssyncset.done $0x0  }
0xa0: {  	[sflag:s22] =	ssyncadd.s32 s3;
	_ =	sdelay $0x1  }
0xa1: {  	s23 =	simm.s32 $0x1B8B  }
0xa2: {  	_ =	swait.ge [sflag:s23], $0x1  }
0xa3: {  	[sflag:s23] =	ssyncset.done $0x0  }
0xa4: {  	s25 =	simm.s32 $0x1B8E;
	s24 =	sld [smem:$0x3FFE];
	[sflag:s23] =	ssyncadd.s32 $0xFFFFFFFF  }
0xa5: {  	s26 =	simm.s32 $execute0_lowered;
	[smem:$0x3FD2] =	sst s25  }
0xa6: {  	s4 =	sshll.u32 s26, $0x1;
	_ =	strace $0x80000049;
	[dreg:$0x1] =	wrdreg $0xFFFFFFFF  }
0xa7: {  	s28 =	simm.s32 $_size_execute0_lowered;
	s2 =	sadd.s32 s2, s4;
	[dreg:$0x0] =	wrdreg $0x0  }
0xa8: {  	s4 =	sshll.u32 s28, $0x1;
	[dreg:$0x2] =	wrdreg s2  }
0xa9: {  	[dreg:$0x3] =	wrdreg s4  }
0xaa: {  	[dreg:$0x4] =	wrdreg $0xC0  }
0xab: {  	_ =	task [dreg:s6], $0x5FFFF  }
0xac: {  	[dreg:$0x1] =	wrdreg $0xFFFFFFFF  }
0xad: {  	[dreg:$0x0] =	wrdreg $0x60  }
0xae: {  	[dreg:$0x2] =	wrdreg s24  }
0xaf: {  	[dreg:$0x3] =	wrdreg $0xA0000  }
0xb0: {  	[dreg:$0x4] =	wrdreg $0x9  }
0xb1: {  	_ =	task.clear_ibuf [dreg:s6], $0x5FFFF;
	_ =	strace $0x90000049  }
0xb2: {  	s29 =	simm.s32 $0x9;
	_ =	strace $0x8000004B  }
0xb3: {  	_ =	swait.ge [sflag:s29], $0x1  }
0xb4: {  	[sflag:s29] =	ssyncadd.s32 $0xFFFFFFFF  }
0xb5: {  	_ =	strace $0x9000004B  }
0xb6: {  	_ =	sfence  }
0xb7: {  	s30 =	sld [smem:$0x0];
	_ =	sdelay $0x2  }
0xb8: {  	s31 =	sshll.u32 s1, $0xD;
	s1 =	sshrl.u32 s1, $0x2  }
0xb9: {  	s3 =	sand.u32 $0x4000, s31;
	s1 =	sadd.s32 s1, s30  }
0xba: {  	s0 =	sor.u32 s3, s0;
	s1 =	sshll.u32 s1, $0x11  }
0xbb: {  	s0 =	sor.u32 s1, s0  }
0xbc: {  	s0 =	sadd.s32 $0x8F2B, s0  }
0xbd: {  	[sflag:s0] =	ssyncadd.remote.s32 $0x1  }
0xbe: {  	_ =	sfence.sel $0xFFFF  }
0xbf: {  	[dreg:$0x0] =	wrdreg $0xFFFFFFFF;
	(pc) =	sbr.abs _section_cstart, $3  }
0xc0: {  	[dreg:$0x1] =	wrdreg $0xFFFFFFFF  }
0xc1: {  	_ =	task.clear_ibuf [dreg:s6], $0x2FFFF;
	_ =	strace $0x9FFFFFFF  }
0xc2: {  	(tm) =	ssettm $0x7FFFFFFF  }
0xc3: {  	_ =	shalt  }
tec
execute0_lowered:
.L_overlay_start_1:
0x0: {  	(tag) =	ssettag $0x1  }
0x1: {  	s0 =	rddreg [dreg:$0x0]  }
0x2: {  	s1 =	rddreg [dreg:$0x1]  }
0x3: {  	s2 =	srdreg.scid;
	s4 =	simm.s32 $0x0;
	s10 =	stileid.u32  }
0x4: {  	s28 =	simm.s32 $0x3;
	s29 =	simm.s32 $0x6800;
	s30 =	simm.s32 $0x8400  }
0x5: {  	s31 =	simm.s32 $0x32;
	s2 =	sand.u32 $0x1, s2;
	[smem:$0x7FF] =	sst s4  }
0x6: {  	s4 =	sadd.s32 $0x36600, s0;
	s5 =	sadd.s32 $0x2600, s0;
	s6 =	smul.u32 $0x4E000, s10  }
0x7: {  	s7 =	sadd.s32 $0x1C600, s0;
	s0 =	sadd.s32 $0x5D800, s0;
	s25 =	smul.u32 $0x13800, s10  }
0x8: {  	p0 =	sne.s32 s10, $0xF;
	s3 =	sshll.u32 s2, $0x4;
	_ =	strace $0x8000004A  }
0x9: {  	s8 =	ssub.s32 $0x2, s2;
	s2 =	smul.u32 $0x138800, s2;
	s6 =	sshrl.u32 s6, $0x2  }
0xa: {  	s3 =	sor.u32 s10, s3;
	s9 =	sshrl.u32 s8, $0x1;
	s6 =	sadd.s32 s6, s1  }
0xb: {  	s3 =	smul.u32 $0x6800, s3;
	s8 =	ssub.s32 s8, s9;
	s18 =	sadd.s32 $0x1900, s6  }
0xc: {  	s26 =	sadd.s32 s25, s2;
	s19 =	sadd.s32 $0x3200, s6;
	[dreg:$0x5] =	wrdreg s18  }
0xd: {  	s2 =	sshrl.u32 s2, $0x3;
	s20 =	sadd.s32 $0x4B00, s6;
	[dreg:$0x6] =	wrdreg s19  }
0xe: {  	s9 =	simm.s32 $0x0;
	s21 =	sadd.s32 $0x6400, s6;
	[dreg:$0x7] =	wrdreg s20  }
0xf: {  	s22 =	sadd.s32 $0x7D00, s6;
	s23 =	sadd.s32 $0x9600, s6;
	[dreg:$0x8] =	wrdreg s21  }
0x10: {  	s24 =	sadd.s32 $0xAF00, s6;
	s15 =	sadd.s32 $0xC800, s6;
	[dreg:$0x9] =	wrdreg s22  }
0x11: {  	s25 =	smax.u32 s8, $0x1;
	s8 =	simm.s32 $0x6580;
	[dreg:$0xa] =	wrdreg s23  }
0x12: {  	s3 =	sshrl.u32 s3, $0x3;
	[dreg:$0xb] =	wrdreg s24;
	s18 =	sadd.s32 $0x11300, s6  }
0x13: {  	s21 =	sadd.s32 $0x12C00, s6;
	s23 =	sadd.s32 $0x138000, s1;
	s16 =	sadd.s32 s5, s3  }
0x14: {  	s17 =	sadd.s32 s7, s3;
	s3 =	sadd.s32 $0x680, s3;
	[dreg:$0x3] =	wrdreg s16  }
0x15: {  	[dreg:$0x4] =	wrdreg s17;
	s16 =	sadd.s32 $0xE100, s6;
	s17 =	sadd.s32 $0xFA00, s6  }
0x16: {  	s19 =	sadd.s32 s5, s3;
	s20 =	sadd.s32 s7, s3;
	s3 =	sshrl.u32 s26, $0x3  }
0x17: {  	s26 =	simm.s32 $0x3400;
	s5 =	simm.s32 $0x3180;
	s7 =	simm.s32 $0x6500  }
0x18: {  	s22 =	sadd.s32 s0, s3;
	s0 =	sadd.s32 s0, s2;
	s2 =	simm.s32 $0x4  }
0x19: {  	v0 =	vimm.f32 $0.0e+00;
	s3 =	simm.s32 $0x2;
	s24 =	sadd.s32 $0x27000, s0;
	s0 =	simm.s32 $0x1  }
.LBB2_1:
0x1a: {  	s10 =	simm.s32 $0x0;
	s11 =	rddreg [dreg:$0x3]  }
0x1b: {  	[tilespmem:s10], [sflag:$0x3] =	stream.linear.gather [hbm4b:s11+s10], $0x3200, $0x38;
	[tilespmem:$0x1D880] =	vst v63  }
0x1c: {  	s14 =	rddreg [dreg:$0x4]  }
0x1d: {  	[tilespmem:s26], [sflag:$0x3] =	stream.linear.gather [hbm4b:s14+s10], $0x3200, $0x38;
	[tilespmem:$0x1D880] =	vst v63  }
0x1e: {  	s11 =	simm.s32 $0x0;
	s10 =	simm.s32 $0x40  }
.LBB2_2:
0x1f: {  	p1 =	sne.s32 s10, $0x63C0;
	[tilespmem:s11+$0x6800] =	vst v0;
	s12 =	smov.u32 s10;
	s10 =	sadd.s32 $0x40, s10  }
.Ltmp0:
0x20: {  	[tilespmem:s11+$0x8400] =	vst v0;
	(pc) =	sbr.rel @p1 .LBB2_2-.Ltmp0, $2  }
0x21: {  	_ =	sdelay $0x2  }
0x22: {  	s11 =	sshra.s32 s12, $0x2  }
0x23: {  	[tilespmem:s11+$0x6800] =	vst v0  }
0x24: {  	[tilespmem:s11+$0x8400] =	vst v0  }
0x25: {  	_ =	swait.ge [sflag:s28], $0x3200  }
0x26: {  	[sflag:s28] =	ssyncset.done $0x0  }
0x27: {  	[sflag:s28] =	ssyncadd.s32 $0xFFFFCE00  }
0x28: {  	_ =	swait.ge [sflag:s28], $0x3200  }
0x29: {  	[sflag:s28] =	ssyncset.done $0x0  }
0x2a: {  	[sflag:s28] =	ssyncadd.s32 $0xFFFFCE00  }
0x2b: {  	[spmem:s6] =	stream.linear.scatter [tilespmem:s29], [sflag:$0x3], $0x1900, $0x38;
	[tilespmem:$0x1D880] =	vst v63  }
0x2c: {  	s10 =	rddreg [dreg:$0x5]  }
0x2d: {  	[spmem:s10] =	stream.linear.scatter [tilespmem:s30], [sflag:$0x3], $0x1900, $0x38;
	[tilespmem:$0x1D880] =	vst v63  }
0x2e: {  	s12 =	rddreg [dreg:$0x6]  }
0x2f: {  	[spmem:s12] =	stream.linear.scatter [tilespmem:s29], [sflag:$0x3], $0x1900, $0x38;
	[tilespmem:$0x1D880] =	vst v63  }
0x30: {  	s13 =	rddreg [dreg:$0x7]  }
0x31: {  	[spmem:s13] =	stream.linear.scatter [tilespmem:s30], [sflag:$0x3], $0x1900, $0x38;
	[tilespmem:$0x1D880] =	vst v63  }
0x32: {  	s14 =	rddreg [dreg:$0x8]  }
0x33: {  	[spmem:s14] =	stream.linear.scatter [tilespmem:s29], [sflag:$0x3], $0x1900, $0x38;
	[tilespmem:$0x1D880] =	vst v63  }
0x34: {  	s11 =	rddreg [dreg:$0x9]  }
0x35: {  	[spmem:s11] =	stream.linear.scatter [tilespmem:s30], [sflag:$0x3], $0x1900, $0x38;
	[tilespmem:$0x1D880] =	vst v63  }
0x36: {  	s12 =	rddreg [dreg:$0xa]  }
0x37: {  	[spmem:s12] =	stream.linear.scatter [tilespmem:s29], [sflag:$0x3], $0x1900, $0x38;
	[tilespmem:$0x1D880] =	vst v63  }
0x38: {  	s13 =	rddreg [dreg:$0xb]  }
0x39: {  	[spmem:s13] =	stream.linear.scatter [tilespmem:s30], [sflag:$0x3], $0x1900, $0x38;
	[tilespmem:$0x1D880] =	vst v63  }
0x3a: {  	_ = 	snop  }
0x3b: {  	[spmem:s15] =	stream.linear.scatter [tilespmem:s29], [sflag:$0x3], $0x1900, $0x38;
	[tilespmem:$0x1D880] =	vst v63  }
0x3c: {  	_ = 	snop  }
0x3d: {  	[spmem:s16] =	stream.linear.scatter [tilespmem:s30], [sflag:$0x3], $0x1900, $0x38;
	[tilespmem:$0x1D880] =	vst v63  }
0x3e: {  	_ = 	snop  }
0x3f: {  	[spmem:s17] =	stream.linear.scatter [tilespmem:s29], [sflag:$0x3], $0x1900, $0x38;
	[tilespmem:$0x1D880] =	vst v63  }
0x40: {  	_ = 	snop  }
0x41: {  	[spmem:s18] =	stream.linear.scatter [tilespmem:s30], [sflag:$0x3], $0x1900, $0x38;
	[tilespmem:$0x1D880] =	vst v63  }
0x42: {  	_ = 	snop  }
0x43: {  	[spmem:s21] =	stream.linear.scatter [tilespmem:s29], [sflag:$0x3], $0xC00, $0x38;
	[tilespmem:$0x1D880] =	vst v63  }
0x44: {  	s10 =	simm.s32 @!p0 $0x8400  }
0x45: {  	[spmem:s23] =	stream.linear.scatter @!p0 [tilespmem:s10], [sflag:$0x4], $0x800, $0x38;
	[tilespmem:$0x1D880] =	vst v63  }
0x46: {  	s10 =	simm.s32 @!p0 $0x4  }
0x47: {  	_ =	swait.ge @!p0 [sflag:s10], $0x800  }
0x48: {  	[sflag:s10] =	ssyncset.done @!p0 $0x0  }
0x49: {  	[sflag:s10] =	ssyncadd.s32 @!p0 $0xFFFFF800  }
0x4a: {  	_ =	swait.ge [sflag:s28], $0x1900  }
0x4b: {  	[sflag:s28] =	ssyncset.done $0x0  }
0x4c: {  	[sflag:s28] =	ssyncadd.s32 $0xFFFFE700  }
0x4d: {  	_ =	swait.ge [sflag:s28], $0x1900  }
0x4e: {  	[sflag:s28] =	ssyncset.done $0x0  }
0x4f: {  	[sflag:s28] =	ssyncadd.s32 $0xFFFFE700  }
0x50: {  	_ =	swait.ge [sflag:s28], $0x1900  }
0x51: {  	[sflag:s28] =	ssyncset.done $0x0  }
0x52: {  	[sflag:s28] =	ssyncadd.s32 $0xFFFFE700  }
0x53: {  	_ =	swait.ge [sflag:s28], $0x1900  }
0x54: {  	[sflag:s28] =	ssyncset.done $0x0  }
0x55: {  	[sflag:s28] =	ssyncadd.s32 $0xFFFFE700  }
0x56: {  	_ =	swait.ge [sflag:s28], $0x1900  }
0x57: {  	[sflag:s28] =	ssyncset.done $0x0  }
0x58: {  	[sflag:s28] =	ssyncadd.s32 $0xFFFFE700  }
0x59: {  	_ =	swait.ge [sflag:s28], $0x1900  }
0x5a: {  	[sflag:s28] =	ssyncset.done $0x0  }
0x5b: {  	[sflag:s28] =	ssyncadd.s32 $0xFFFFE700  }
0x5c: {  	_ =	swait.ge [sflag:s28], $0x1900  }
0x5d: {  	[sflag:s28] =	ssyncset.done $0x0  }
0x5e: {  	[sflag:s28] =	ssyncadd.s32 $0xFFFFE700  }
0x5f: {  	_ =	swait.ge [sflag:s28], $0x1900  }
0x60: {  	[sflag:s28] =	ssyncset.done $0x0  }
0x61: {  	[sflag:s28] =	ssyncadd.s32 $0xFFFFE700  }
0x62: {  	_ =	swait.ge [sflag:s28], $0x1900  }
0x63: {  	[sflag:s28] =	ssyncset.done $0x0  }
0x64: {  	[sflag:s28] =	ssyncadd.s32 $0xFFFFE700  }
0x65: {  	_ =	swait.ge [sflag:s28], $0x1900  }
0x66: {  	[sflag:s28] =	ssyncset.done $0x0  }
0x67: {  	[sflag:s28] =	ssyncadd.s32 $0xFFFFE700  }
0x68: {  	_ =	swait.ge [sflag:s28], $0x1900  }
0x69: {  	[sflag:s28] =	ssyncset.done $0x0  }
0x6a: {  	[sflag:s28] =	ssyncadd.s32 $0xFFFFE700  }
0x6b: {  	_ =	swait.ge [sflag:s28], $0x1900  }
0x6c: {  	[sflag:s28] =	ssyncset.done $0x0  }
0x6d: {  	[sflag:s28] =	ssyncadd.s32 $0xFFFFE700  }
0x6e: {  	_ =	swait.ge [sflag:s28], $0xC00  }
0x6f: {  	[sflag:s28] =	ssyncset.done $0x0  }
0x70: {  	s14 =	simm.s32 $0x0;
	[sflag:s28] =	ssyncadd.s32 $0xFFFFF400  }
0x71: {  	[tilespmem:s29], [sflag:$0x1] =	stream.indirect.gather [hbm4b:s4+s31], $0x80, s14, s31, $0xb8;
	[tilespmem:$0x1D880] =	vst v63  }
0x72: {  	s11 =	simm.s32 $0x80;
	[bflag:$0x0] =	sbarrier.arrive $0xFFFF  }
0x73: {  	[tilespmem:s30], [sflag:$0x2] =	stream.indirect.gather [hbm4b:s4+s31], $0x80, s11, s31, $0xb8;
	[tilespmem:$0x1D880] =	vst v63  }
0x74: {  	_ =	swait.ge [sflag:s0], $0x1900  }
0x75: {  	[sflag:s0] =	ssyncset.done $0x0  }
0x76: {  	s12 =	simm.s32 $0x3400;
	[sflag:s0] =	ssyncadd.s32 $0xFFFFE700  }
0x77: {  	[spmem:s1] =	stream.indirect.scatter.add.f32 [tilespmem:s29], [sflag:$0x4], $0x80, s12, s31, $0xb8;
	[tilespmem:$0x1D880] =	vst v63  }
0x78: {  	_ =	swait.ge [sflag:s2], $0x1900  }
0x79: {  	[sflag:s2] =	ssyncset.done $0x0  }
0x7a: {  	s13 =	simm.s32 $0x100;
	[sflag:s2] =	ssyncadd.s32 $0xFFFFE700  }
0x7b: {  	[tilespmem:s29], [sflag:$0x1] =	stream.indirect.gather [hbm4b:s4+s31], $0x80, s13, s31, $0xb8;
	[tilespmem:$0x1D880] =	vst v63  }
0x7c: {  	_ =	swait.ge [sflag:s3], $0x1900  }
0x7d: {  	[sflag:s3] =	ssyncset.done $0x0  }
0x7e: {  	s14 =	simm.s32 $0x3480;
	[sflag:s3] =	ssyncadd.s32 $0xFFFFE700  }
0x7f: {  	[spmem:s1] =	stream.indirect.scatter.add.f32 [tilespmem:s30], [sflag:$0x4], $0x80, s14, s31, $0xb8;
	[tilespmem:$0x1D880] =	vst v63  }
0x80: {  	_ =	swait.ge [sflag:s2], $0x1900  }
0x81: {  	s10 =	simm.s32 $0x100;
	s11 =	simm.s32 $0x800;
	[sflag:s2] =	ssyncset.done $0x0  }
.LBB2_4:
0x82: {  	s12 =	sadd.s32 $0x80, s10  }
0x83: {  	[sflag:s2] =	ssyncadd.s32 $0xFFFFE700;
	s13 =	smov.u32 s11;
	s14 =	sadd.s32 $0x400, s11  }
0x84: {  	[tilespmem:s30], [sflag:$0x2] =	stream.indirect.gather [hbm4b:s4+s31], $0x80, s12, s31, $0xb8;
	[tilespmem:$0x1D880] =	vst v63  }
0x85: {  	p1 =	sne.s32 s11, $0xC000;
	_ =	swait.ge [sflag:s0], $0x1900  }
0x86: {  	[sflag:s0] =	ssyncset.done $0x0  }
0x87: {  	s11 =	sadd.s32 $0x3400, s10;
	[sflag:s0] =	ssyncadd.s32 $0xFFFFE700  }
0x88: {  	[spmem:s1] =	stream.indirect.scatter.add.f32 [tilespmem:s29], [sflag:$0x4], $0x80, s11, s31, $0xb8;
	[tilespmem:$0x1D880] =	vst v63  }
0x89: {  	_ =	swait.ge [sflag:s2], $0x1900  }
0x8a: {  	[sflag:s2] =	ssyncset.done $0x0  }
0x8b: {  	s11 =	sadd.s32 $0x100, s10;
	[sflag:s2] =	ssyncadd.s32 $0xFFFFE700  }
0x8c: {  	[tilespmem:s29], [sflag:$0x1] =	stream.indirect.gather [hbm4b:s4+s31], $0x80, s11, s31, $0xb8;
	[tilespmem:$0x1D880] =	vst v63  }
0x8d: {  	_ =	swait.ge [sflag:s3], $0x1900  }
.Ltmp1:
0x8e: {  	[sflag:s3] =	ssyncset.done $0x0;
	(pc) =	sbr.rel @p1 .LBB2_4-.Ltmp1, $4  }
0x8f: {  	s10 =	sadd.s32 $0x3480, s10;
	[sflag:s3] =	ssyncadd.s32 $0xFFFFE700  }
0x90: {  	[spmem:s1] =	stream.indirect.scatter.add.f32 [tilespmem:s30], [sflag:$0x4], $0x80, s10, s31, $0xb8;
	[tilespmem:$0x1D880] =	vst v63  }
0x91: {  	_ =	swait.ge [sflag:s2], $0x1900  }
0x92: {  	s11 =	smov.u32 s14;
	s10 =	sshra.s32 s13, $0x2;
	[sflag:s2] =	ssyncset.done $0x0  }
0x93: {  	s11 =	sadd.s32 $0x80, s10;
	[sflag:s2] =	ssyncadd.s32 $0xFFFFE700  }
0x94: {  	[tilespmem:s30], [sflag:$0x2] =	stream.indirect.gather [hbm4b:s4+s31], $0x80, s11, s31, $0xb8;
	[tilespmem:$0x1D880] =	vst v63  }
0x95: {  	_ =	swait.ge [sflag:s0], $0x1900  }
0x96: {  	[sflag:s0] =	ssyncset.done $0x0  }
0x97: {  	s14 =	sadd.s32 $0x3400, s10;
	[sflag:s0] =	ssyncadd.s32 $0xFFFFE700  }
0x98: {  	[spmem:s1] =	stream.indirect.scatter.add.f32 [tilespmem:s29], [sflag:$0x4], $0x80, s14, s31, $0xb8;
	[tilespmem:$0x1D880] =	vst v63  }
0x99: {  	_ =	swait.ge [sflag:s2], $0x1900  }
0x9a: {  	[sflag:s2] =	ssyncset.done $0x0  }
0x9b: {  	s12 =	sadd.s32 $0x100, s10;
	[sflag:s2] =	ssyncadd.s32 $0xFFFFE700  }
0x9c: {  	[tilespmem:s29], [sflag:$0x1] =	stream.indirect.gather [hbm4b:s4+s31], $0x80, s12, s31, $0xb8;
	[tilespmem:$0x1D880] =	vst v63  }
0x9d: {  	_ =	swait.ge [sflag:s3], $0x1900  }
0x9e: {  	[sflag:s3] =	ssyncset.done $0x0  }
0x9f: {  	s13 =	sadd.s32 $0x3480, s10;
	[sflag:s3] =	ssyncadd.s32 $0xFFFFE700  }
0xa0: {  	[spmem:s1] =	stream.indirect.scatter.add.f32 [tilespmem:s30], [sflag:$0x4], $0x80, s13, s31, $0xb8;
	[tilespmem:$0x1D880] =	vst v63  }
0xa1: {  	_ =	swait.ge [sflag:s2], $0x1900  }
0xa2: {  	[sflag:s2] =	ssyncset.done $0x0  }
0xa3: {  	[sflag:s2] =	ssyncadd.s32 $0xFFFFE700  }
0xa4: {  	[tilespmem:s30], [sflag:$0x2] =	stream.indirect.gather [hbm4b:s4+s31], $0x80, s5, s31, $0xb8;
	[tilespmem:$0x1D880] =	vst v63  }
0xa5: {  	_ =	swait.ge [sflag:s0], $0x1900  }
0xa6: {  	[sflag:s0] =	ssyncset.done $0x0  }
0xa7: {  	[sflag:s0] =	ssyncadd.s32 $0xFFFFE700  }
0xa8: {  	[spmem:s1] =	stream.indirect.scatter.add.f32 [tilespmem:s29], [sflag:$0x4], $0x80, s7, s31, $0xb8;
	[tilespmem:$0x1D880] =	vst v63  }
0xa9: {  	_ =	swait.ge [sflag:s2], $0x1900  }
0xaa: {  	[sflag:s2] =	ssyncset.done $0x0  }
0xab: {  	[sflag:s2] =	ssyncadd.s32 $0xFFFFE700  }
0xac: {  	_ =	swait.ge [sflag:s3], $0x1900  }
0xad: {  	[sflag:s3] =	ssyncset.done $0x0  }
0xae: {  	[sflag:s3] =	ssyncadd.s32 $0xFFFFE700  }
0xaf: {  	[spmem:s1] =	stream.indirect.scatter.add.f32 [tilespmem:s30], [sflag:$0x4], $0x80, s8, s31, $0xb8;
	[tilespmem:$0x1D880] =	vst v63  }
0xb0: {  	_ =	swait.ge [sflag:s2], $0x1900  }
0xb1: {  	[sflag:s2] =	ssyncset.done $0x0  }
0xb2: {  	s14 =	simm.s32 $0x0;
	[sflag:s2] =	ssyncadd.s32 $0xFFFFE700  }
0xb3: {  	[tilespmem:s14], [sflag:$0x4] =	stream.linear.gather [hbm4b:s19+s14], $0x3200, $0x38;
	[tilespmem:$0x1D880] =	vst v63  }
0xb4: {  	_ =	swait.ge [sflag:s2], $0x3200  }
0xb5: {  	[sflag:s2] =	ssyncset.done $0x0  }
0xb6: {  	[sflag:s2] =	ssyncadd.s32 $0xFFFFCE00  }
0xb7: {  	[tilespmem:s26], [sflag:$0x4] =	stream.linear.gather [hbm4b:s20+s14], $0x3200, $0x38;
	[tilespmem:$0x1D880] =	vst v63  }
0xb8: {  	_ =	swait.ge [sflag:s2], $0x3200  }
0xb9: {  	[sflag:s2] =	ssyncset.done $0x0  }
0xba: {  	[sflag:s2] =	ssyncadd.s32 $0xFFFFCE00  }
0xbb: {  	[tilespmem:s29], [sflag:$0x1] =	stream.indirect.gather [hbm4b:s4+s31], $0x80, s14, s31, $0xb8;
	[tilespmem:$0x1D880] =	vst v63  }
0xbc: {  	s11 =	simm.s32 $0x80  }
0xbd: {  	[tilespmem:s30], [sflag:$0x2] =	stream.indirect.gather [hbm4b:s4+s31], $0x80, s11, s31, $0xb8;
	[tilespmem:$0x1D880] =	vst v63  }
0xbe: {  	_ =	swait.ge [sflag:s0], $0x1900  }
0xbf: {  	[sflag:s0] =	ssyncset.done $0x0  }
0xc0: {  	s12 =	simm.s32 $0x3400;
	[sflag:s0] =	ssyncadd.s32 $0xFFFFE700  }
0xc1: {  	[spmem:s1] =	stream.indirect.scatter.add.f32 [tilespmem:s29], [sflag:$0x4], $0x80, s12, s31, $0xb8;
	[tilespmem:$0x1D880] =	vst v63  }
0xc2: {  	_ =	swait.ge [sflag:s2], $0x1900  }
0xc3: {  	[sflag:s2] =	ssyncset.done $0x0  }
0xc4: {  	s13 =	simm.s32 $0x100;
	[sflag:s2] =	ssyncadd.s32 $0xFFFFE700  }
0xc5: {  	[tilespmem:s29], [sflag:$0x1] =	stream.indirect.gather [hbm4b:s4+s31], $0x80, s13, s31, $0xb8;
	[tilespmem:$0x1D880] =	vst v63  }
0xc6: {  	_ =	swait.ge [sflag:s3], $0x1900  }
0xc7: {  	[sflag:s3] =	ssyncset.done $0x0  }
0xc8: {  	s14 =	simm.s32 $0x3480;
	[sflag:s3] =	ssyncadd.s32 $0xFFFFE700  }
0xc9: {  	[spmem:s1] =	stream.indirect.scatter.add.f32 [tilespmem:s30], [sflag:$0x4], $0x80, s14, s31, $0xb8;
	[tilespmem:$0x1D880] =	vst v63  }
0xca: {  	_ =	swait.ge [sflag:s2], $0x1900  }
0xcb: {  	s10 =	simm.s32 $0x100;
	s11 =	simm.s32 $0x800;
	[sflag:s2] =	ssyncset.done $0x0  }
.LBB2_6:
0xcc: {  	s12 =	sadd.s32 $0x80, s10  }
0xcd: {  	[sflag:s2] =	ssyncadd.s32 $0xFFFFE700;
	s13 =	smov.u32 s11;
	s14 =	sadd.s32 $0x400, s11  }
0xce: {  	[tilespmem:s30], [sflag:$0x2] =	stream.indirect.gather [hbm4b:s4+s31], $0x80, s12, s31, $0xb8;
	[tilespmem:$0x1D880] =	vst v63  }
0xcf: {  	p1 =	sne.s32 s11, $0xC000;
	_ =	swait.ge [sflag:s0], $0x1900  }
0xd0: {  	[sflag:s0] =	ssyncset.done $0x0  }
0xd1: {  	s11 =	sadd.s32 $0x3400, s10;
	[sflag:s0] =	ssyncadd.s32 $0xFFFFE700  }
0xd2: {  	[spmem:s1] =	stream.indirect.scatter.add.f32 [tilespmem:s29], [sflag:$0x4], $0x80, s11, s31, $0xb8;
	[tilespmem:$0x1D880] =	vst v63  }
0xd3: {  	_ =	swait.ge [sflag:s2], $0x1900  }
0xd4: {  	[sflag:s2] =	ssyncset.done $0x0  }
0xd5: {  	s11 =	sadd.s32 $0x100, s10;
	[sflag:s2] =	ssyncadd.s32 $0xFFFFE700  }
0xd6: {  	[tilespmem:s29], [sflag:$0x1] =	stream.indirect.gather [hbm4b:s4+s31], $0x80, s11, s31, $0xb8;
	[tilespmem:$0x1D880] =	vst v63  }
0xd7: {  	_ =	swait.ge [sflag:s3], $0x1900  }
.Ltmp2:
0xd8: {  	[sflag:s3] =	ssyncset.done $0x0;
	(pc) =	sbr.rel @p1 .LBB2_6-.Ltmp2, $4  }
0xd9: {  	s10 =	sadd.s32 $0x3480, s10;
	[sflag:s3] =	ssyncadd.s32 $0xFFFFE700  }
0xda: {  	[spmem:s1] =	stream.indirect.scatter.add.f32 [tilespmem:s30], [sflag:$0x4], $0x80, s10, s31, $0xb8;
	[tilespmem:$0x1D880] =	vst v63  }
0xdb: {  	_ =	swait.ge [sflag:s2], $0x1900  }
0xdc: {  	s11 =	smov.u32 s14;
	s10 =	sshra.s32 s13, $0x2;
	[sflag:s2] =	ssyncset.done $0x0  }
0xdd: {  	s11 =	sadd.s32 $0x80, s10;
	[sflag:s2] =	ssyncadd.s32 $0xFFFFE700  }
0xde: {  	[tilespmem:s30], [sflag:$0x2] =	stream.indirect.gather [hbm4b:s4+s31], $0x80, s11, s31, $0xb8;
	[tilespmem:$0x1D880] =	vst v63  }
0xdf: {  	_ =	swait.ge [sflag:s0], $0x1900  }
0xe0: {  	[sflag:s0] =	ssyncset.done $0x0  }
0xe1: {  	s13 =	sadd.s32 $0x3400, s10;
	[sflag:s0] =	ssyncadd.s32 $0xFFFFE700  }
0xe2: {  	[spmem:s1] =	stream.indirect.scatter.add.f32 [tilespmem:s29], [sflag:$0x4], $0x80, s13, s31, $0xb8;
	[tilespmem:$0x1D880] =	vst v63  }
0xe3: {  	_ =	swait.ge [sflag:s2], $0x1900  }
0xe4: {  	[sflag:s2] =	ssyncset.done $0x0  }
0xe5: {  	s14 =	sadd.s32 $0x100, s10;
	[sflag:s2] =	ssyncadd.s32 $0xFFFFE700  }
0xe6: {  	[tilespmem:s29], [sflag:$0x1] =	stream.indirect.gather [hbm4b:s4+s31], $0x80, s14, s31, $0xb8;
	[tilespmem:$0x1D880] =	vst v63  }
0xe7: {  	_ =	swait.ge [sflag:s3], $0x1900  }
0xe8: {  	[sflag:s3] =	ssyncset.done $0x0  }
0xe9: {  	s12 =	sadd.s32 $0x3480, s10;
	[sflag:s3] =	ssyncadd.s32 $0xFFFFE700  }
0xea: {  	[spmem:s1] =	stream.indirect.scatter.add.f32 [tilespmem:s30], [sflag:$0x4], $0x80, s12, s31, $0xb8;
	[tilespmem:$0x1D880] =	vst v63  }
0xeb: {  	_ =	swait.ge [sflag:s2], $0x1900  }
0xec: {  	[sflag:s2] =	ssyncset.done $0x0  }
0xed: {  	[sflag:s2] =	ssyncadd.s32 $0xFFFFE700  }
0xee: {  	[tilespmem:s30], [sflag:$0x2] =	stream.indirect.gather [hbm4b:s4+s31], $0x80, s5, s31, $0xb8;
	[tilespmem:$0x1D880] =	vst v63  }
0xef: {  	_ =	swait.ge [sflag:s0], $0x1900  }
0xf0: {  	[sflag:s0] =	ssyncset.done $0x0  }
0xf1: {  	[sflag:s0] =	ssyncadd.s32 $0xFFFFE700  }
0xf2: {  	[spmem:s1] =	stream.indirect.scatter.add.f32 [tilespmem:s29], [sflag:$0x4], $0x80, s7, s31, $0xb8;
	[tilespmem:$0x1D880] =	vst v63  }
0xf3: {  	_ =	swait.ge [sflag:s2], $0x1900  }
0xf4: {  	[sflag:s2] =	ssyncset.done $0x0  }
0xf5: {  	[sflag:s2] =	ssyncadd.s32 $0xFFFFE700  }
0xf6: {  	_ =	swait.ge [sflag:s3], $0x1900  }
0xf7: {  	[sflag:s3] =	ssyncset.done $0x0  }
0xf8: {  	[sflag:s3] =	ssyncadd.s32 $0xFFFFE700  }
0xf9: {  	[spmem:s1] =	stream.indirect.scatter.add.f32 [tilespmem:s30], [sflag:$0x4], $0x80, s8, s31, $0xb8;
	[tilespmem:$0x1D880] =	vst v63  }
0xfa: {  	_ =	swait.ge [sflag:s2], $0x1900  }
0xfb: {  	s13 =	stileid.u32;
	[sflag:s2] =	ssyncset.done $0x0  }
0xfc: {  	s10 =	sshll.u32 s13, $0x6;
	[sflag:s2] =	ssyncadd.s32 $0xFFFFE700  }
0xfd: {  	s10 =	sor.u32 $0x1C04, s10;
	s14 =	sshrl.u32 s6, $0x3;
	[bflag:$0x0] =	sbarrier.arrive $0xFFFF  }
0xfe: {  	[hbm:s22], [sflag:s10] =	dma.local [spmem:s14], $0x2700  }
0xff: {  	_ =	swait.ge [sflag:s2], $0x2700  }
0x100: {  	s9 =	sadd.s32 $0x1, s9;
	[sflag:s2] =	ssyncset.done $0x0  }
0x101: {  	s11 =	sshrl.u32 @!p0 s23, $0x3;
	p1 =	sne.s32 s9, s25;
	[sflag:s2] =	ssyncadd.s32 $0xFFFFD900  }
0x102: {  	[hbm:s24], [sflag:s10] =	dma.local @!p0 [spmem:s11], $0x100  }
.Ltmp3:
0x103: {  	_ = 	snop;
	(pc) =	sbr.rel @p1 .LBB2_1-.Ltmp3, $4  }
0x104: {  	s10 =	simm.s32 @!p0 $0x4  }
0x105: {  	_ =	swait.ge @!p0 [sflag:s10], $0x100  }
0x106: {  	[sflag:s10] =	ssyncset.done @!p0 $0x0  }
0x107: {  	[sflag:s10] =	ssyncadd.s32 @!p0 $0xFFFFFF00  }
0x108: {  	_ =	sfence.sel $0x180000  }
0x109: {  	[bflag:$0x0] =	sbarrier.arrive $0xFFFF  }
0x10a: {  	_ =	strace $0x9000004A  }
0x10b: {  	s0 =	stileid.u32;
	[bflag:$0x2] =	sbarrier.arrive $0xFFFF  }
0x10c: {  	p0 =	sne.s32 s0, $0x0;
	s0 =	rddreg [dreg:$0x2]  }
0x10d: {  	s0 =	sadd.s32 @!p0 $0x100000, s0  }
0x10e: {  	[sflag:s0] =	ssyncadd.tile.s32 @!p0 $0x1;
	_ =	shalt  }
.Lfunc_end2:
_tile_overlayer_lowered:
.L_overlay_start_2:
0x10f: {  	(tag) =	ssettag $0x2  }
0x110: {  	s0 =	rddreg [dreg:$0x0];
	s2 =	stileid.u32  }
0x111: {  	s1 =	rddreg [dreg:$0x1];
	p0 =	sne.s32 s2, $0x0  }
0x112: {  	s3 =	rddreg [dreg:$0x2];
	[bflag:$0x3] =	sbarrier.arrive $0xFFFF;
	s2 =	simm.s32 @!p0 $0x1C04  }
0x113: {  	[timem:s3], [sflag:s2] =	dma.local @!p0 [hbm:s0], s1  }
0x114: {  	s0 =	simm.s32 @!p0 $0x4  }
0x115: {  	_ =	swait.ge @!p0 [sflag:s0], s1  }
0x116: {  	s1 =	ssub.s32 @!p0 $0x0, s1;
	[sflag:s0] =	ssyncset.done @!p0 $0x0  }
0x117: {  	[sflag:s0] =	ssyncadd.s32 @!p0 s1  }
0x118: {  	[bflag:$0x3] =	sbarrier.arrive $0xFFFF  }
0x119: {  	_ =	shalt  }

</sc_bundles>
